<compile_context>
chip_gen: v7x
topology: tpu7x:2x2x1
jax: 0.10.2.dev20260603
libtpu: 0.0.44.dev20260713+nightly
codegen_flags: <defaults>
</compile_context>

<pallas_src>
import functools

import jax
import jax.numpy as jnp
from jax import lax
from jax.experimental import pallas as pl
from jax.experimental.pallas import tpu as pltpu
from jax.experimental.pallas import tpu_sc as plsc

_D = 128
_NC = 2
_NS = 16
_NW = _NC * _NS
_CK = 128
_NPAD = 10240
_RB = 128
_NBLK = _NPAD // (_NS * _RB)
_ZB = 32
_R = 512


def _mesh():
    return plsc.VectorSubcoreMesh(core_axis_name="c", subcore_axis_name="s")


@functools.cache
def _make_deg(epad: int):
    ew = epad // _NW
    nchunk = ew // _CK
    grp = 8
    zper = _NPAD // _NS

    @functools.partial(
        pl.kernel,
        out_type=jax.ShapeDtypeStruct((_NC, _NPAD), jnp.float32),
        mesh=_mesh(),
        scratch_types=[
            pltpu.VMEM((nchunk, _CK), jnp.int32),
            pltpu.VMEM((_CK,), jnp.float32),
            pltpu.VMEM((zper,), jnp.float32),
            pltpu.VMEM_SHARED((_NPAD,), jnp.float32),
            pltpu.SemaphoreType.DMA,
        ],
    )
    def deg_kernel(dst_hbm, out_hbm, idx_all, ones_v, zbuf, acc, sem):
        cid = lax.axis_index("c")
        sid = lax.axis_index("s")
        wid = sid * _NC + cid
        pltpu.sync_copy(dst_hbm.at[wid], idx_all)
        ones16 = jnp.full((16,), 1.0, jnp.float32)
        zero16 = jnp.zeros((16,), jnp.float32)
        for j in range(_CK // 16):
            ones_v[pl.ds(j * 16, 16)] = ones16

        def zb(i, c):
            zbuf[pl.ds(i * 16, 16)] = zero16
            return c

        lax.fori_loop(0, zper // 16, zb, 0)
        pltpu.sync_copy(zbuf, acc.at[pl.ds(sid * zper, zper)])
        plsc.subcore_barrier()

        def body(g, carry):
            for b in range(grp):
                c = g * grp + b
                pltpu.async_copy(ones_v, acc.at[idx_all.at[c]], sem, add=True)
            for b in range(grp):
                pltpu.make_async_copy(ones_v, acc.at[idx_all.at[0]], sem).wait()
            return carry

        lax.fori_loop(0, nchunk // grp, body, 0)
        plsc.subcore_barrier()
        pltpu.sync_copy(acc.at[pl.ds(sid * zper, zper)],
                        out_hbm.at[cid, pl.ds(sid * zper, zper)])

    return deg_kernel


@functools.cache
def _make_agg(epad: int):
    tch = epad // _CK
    per_pair = tch // _NS
    f1 = 2
    f0 = per_pair - f1

    @functools.partial(
        pl.kernel,
        out_type=jax.ShapeDtypeStruct((_NC, _NPAD, _D), jnp.float32),
        mesh=_mesh(),
        scratch_types=[
            pltpu.VMEM((2, _CK), jnp.int32),
            pltpu.VMEM((2, _CK), jnp.int32),
            pltpu.VMEM((_CK, _D), jnp.float32),
            pltpu.VMEM((_CK, _D), jnp.float32),
            pltpu.VMEM((_ZB, _D), jnp.float32),
            pltpu.VMEM_SHARED((_NPAD, _D), jnp.float32),
            pltpu.SemaphoreType.DMA,
            pltpu.SemaphoreType.DMA,
            pltpu.SemaphoreType.DMA,
            pltpu.SemaphoreType.DMA,
        ],
    )
    def agg_kernel(ed_hbm, u_hbm, out_hbm,
                   ib0, ib1, rows0, rows1, zbuf, acc,
                   gsem0, gsem1, isem0, isem1):
        cid = lax.axis_index("c")
        sid = lax.axis_index("s")
        start = lax.select(cid == 0, sid * f0, _NS * f0 + sid * f1)
        t = lax.select(cid == 0, jnp.int32(f0), jnp.int32(f1))
        zero16 = jnp.zeros((16,), jnp.float32)

        with jax.named_scope("agg_zero"):
            def zb(i, c):
                for j in range(_D // 16):
                    zbuf[i, pl.ds(j * 16, 16)] = zero16
                return c

            lax.fori_loop(0, _ZB, zb, 0)
            row0 = sid * (_NBLK * _RB)

            def zcp(i, c):
                pltpu.sync_copy(zbuf, acc.at[pl.ds(row0 + i * _ZB, _ZB), :])
                return c

            lax.fori_loop(0, (_NBLK * _RB) // _ZB, zcp, 0)
            plsc.subcore_barrier()

        ib = (ib0, ib1)
        isems = (isem0, isem1)
        rows = (rows0, rows1)
        gsems = (gsem0, gsem1)
        def body(g, carry):
            for b in range(2):
                c = 2 * g + b
                nb = 1 - b

                @pl.when(c + 1 < t)
                def _():
                    pltpu.make_async_copy(ed_hbm.at[start + c + 1, :, :],
                                          ib[nb], isems[nb]).wait()
                    pltpu.async_copy(u_hbm.at[ib[nb].at[0]],
                                     rows[nb], gsems[nb])

                pltpu.make_async_copy(u_hbm.at[ib[b].at[0]],
                                      rows[b], gsems[b]).wait()
                pltpu.sync_copy(rows[b], acc.at[ib[b].at[1]], add=True)

                @pl.when(c + 2 < t)
                def _():
                    pltpu.async_copy(ed_hbm.at[start + c + 2, :, :],
                                     ib[b], isems[b])
            return carry

        with jax.named_scope("agg_loop"):
            pltpu.sync_copy(ed_hbm.at[start, :, :], ib0)
            pltpu.async_copy(ed_hbm.at[start + 1, :, :], ib1, isem1)
            pltpu.async_copy(u_hbm.at[ib0.at[0]], rows0, gsem0)
            lax.fori_loop(0, t // 2, body, 0)
            plsc.subcore_barrier()
        with jax.named_scope("agg_copyout"):
            for b in range(_NBLK):
                r = row0 + b * _RB
                pltpu.sync_copy(acc.at[pl.ds(r, _RB), :],
                                out_hbm.at[cid, pl.ds(r, _RB), :])

    return agg_kernel


def _dinv_of(dp_ref):
    return lax.rsqrt(dp_ref[0] + dp_ref[1] + 1.0)


def _tc_scale_body(dp_ref, x_ref, u_ref):
    u_ref[...] = x_ref[...] * _dinv_of(dp_ref)


def _tc_hidden_body(dp_ref, s_ref, u1_ref, w_ref, b_ref, u2_ref):
    dinv = _dinv_of(dp_ref)
    ax = (s_ref[0] + s_ref[1] + u1_ref[...]) * dinv
    h = jnp.dot(ax, w_ref[...], preferred_element_type=jnp.float32) + b_ref[...]
    u2_ref[...] = jnp.maximum(h, 0.0) * dinv


def _tc_out_body(dp_ref, s_ref, u2_ref, wmu_ref, bmu_ref, wls_ref, bls_ref,
                 mu_ref, ls_ref):
    dinv = _dinv_of(dp_ref)
    ah = (s_ref[0] + s_ref[1] + u2_ref[...]) * dinv
    mu_ref[...] = jnp.dot(ah, wmu_ref[...],
                          preferred_element_type=jnp.float32) + bmu_ref[...]
    ls_ref[...] = jnp.dot(ah, wls_ref[...],
                          preferred_element_type=jnp.float32) + bls_ref[...]


def _dp_spec():
    return pl.BlockSpec((_NC, _R, 1), lambda i: (0, i, 0))


def _row_spec(d):
    return pl.BlockSpec((_R, d), lambda i: (i, 0))


def _s_spec():
    return pl.BlockSpec((_NC, _R, _D), lambda i: (0, i, 0))


def _full_spec(shape):
    return pl.BlockSpec(shape, lambda i: tuple(0 for _ in shape))


def kernel(x, edge_index, W1, b1, W_mu, b_mu, W_logstd, b_logstd):
    n, d = x.shape
    e = edge_index.shape[1]
    q = _NW * _CK * 8
    epad = q * (-(-e // q))
    npad_e = epad - e
    nchunk = epad // (_NW * _CK)
    src = jnp.concatenate(
        [edge_index[0], jnp.zeros((npad_e,), edge_index.dtype)])
    pad_dst = n + (jnp.arange(npad_e, dtype=edge_index.dtype) % (_NPAD - n))
    dst = jnp.concatenate([edge_index[1], pad_dst])
    ed = jnp.stack([src.reshape(-1, _CK), dst.reshape(-1, _CK)],
                   axis=1)

    degp = _make_deg(epad)(dst.reshape(_NW, nchunk, _CK))
    dp3 = degp[:, :, None]

    grid = (_NPAD // _R,)
    u1 = pl.pallas_call(
        _tc_scale_body,
        grid=grid,
        in_specs=[_dp_spec(), _row_spec(d)],
        out_specs=_row_spec(d),
        out_shape=jax.ShapeDtypeStruct((n, d), jnp.float32),
    )(dp3, x)

    agg = _make_agg(epad)
    s1 = agg(ed, u1)

    dhid = W1.shape[1]
    u2 = pl.pallas_call(
        _tc_hidden_body,
        grid=grid,
        in_specs=[_dp_spec(), _s_spec(), _row_spec(d),
                  _full_spec(W1.shape), _full_spec((1, dhid))],
        out_specs=_row_spec(dhid),
        out_shape=jax.ShapeDtypeStruct((n, dhid), jnp.float32),
    )(dp3, s1, u1, W1, b1.reshape(1, -1))

    s2 = agg(ed, u2)

    dout = W_mu.shape[1]
    mu, logstd = pl.pallas_call(
        _tc_out_body,
        grid=grid,
        in_specs=[_dp_spec(), _s_spec(), _row_spec(dhid),
                  _full_spec(W_mu.shape), _full_spec((1, dout)),
                  _full_spec(W_logstd.shape), _full_spec((1, dout))],
        out_specs=[_row_spec(dout), _row_spec(dout)],
        out_shape=[jax.ShapeDtypeStruct((n, dout), jnp.float32),
                   jax.ShapeDtypeStruct((n, dout), jnp.float32)],
    )(dp3, s2, u2, W_mu, b_mu.reshape(1, -1), W_logstd, b_logstd.reshape(1, -1))

    return (mu, logstd)

# --- scband reference (transcript-rebuilt; emitter-appended) ---
"""Pipeline reference for scband-variational-gcnencoder-17669495456117 (READ-ONLY COPY).

The authoritative reference and input builder live on the scoring server;
editing this copy changes nothing except your own understanding.
"""

import jax, jax.numpy as jnp
import numpy as np

N = 10000
E = 320000
D_IN = 128
D_OUT = 64
D_HID = 2 * D_OUT


def setup_inputs(seed: int = 0) -> dict:
    key = jax.random.key(seed)
    ks = jax.random.split(key, 8)
    x = jax.random.normal(ks[0], (N, D_IN), dtype=jnp.float32)
    edge_index = jax.random.randint(ks[1], (2, E), 0, N, dtype=jnp.int32)
    W1 = jax.random.normal(ks[2], (D_IN, D_HID), dtype=jnp.float32) * (1.0 / np.sqrt(D_IN))
    b1 = jnp.zeros((D_HID,), dtype=jnp.float32)
    W_mu = jax.random.normal(ks[3], (D_HID, D_OUT), dtype=jnp.float32) * (1.0 / np.sqrt(D_HID))
    b_mu = jnp.zeros((D_OUT,), dtype=jnp.float32)
    W_logstd = jax.random.normal(ks[4], (D_HID, D_OUT), dtype=jnp.float32) * (1.0 / np.sqrt(D_HID))
    b_logstd = jnp.zeros((D_OUT,), dtype=jnp.float32)
    return {"x": x, "edge_index": edge_index, "W1": W1, "b1": b1,
            "W_mu": W_mu, "b_mu": b_mu, "W_logstd": W_logstd, "b_logstd": b_logstd}


def _gcn_conv(x, src, dst, W, b):
    # PyG GCNConv: h = x @ W; symmetric normalization with self-loops
    # (self-loops already appended to src/dst by caller); scatter-add; + bias
    n = x.shape[0]
    h = x @ W
    deg = jnp.zeros((n,), dtype=x.dtype).at[dst].add(1.0)
    dinv = jnp.where(deg > 0, jax.lax.rsqrt(jnp.maximum(deg, 1e-12)), 0.0)
    norm = dinv[src] * dinv[dst]
    msg = jnp.take(h, src, axis=0) * norm[:, None]
    out = jnp.zeros((n, h.shape[1]), dtype=x.dtype).at[dst].add(msg)
    return out + b


def reference(x, edge_index, W1, b1, W_mu, b_mu, W_logstd, b_logstd):
    n = x.shape[0]
    loop = jnp.arange(n, dtype=edge_index.dtype)
    src = jnp.concatenate([edge_index[0], loop])
    dst = jnp.concatenate([edge_index[1], loop])
    h = jax.nn.relu(_gcn_conv(x, src, dst, W1, b1))
    mu = _gcn_conv(h, src, dst, W_mu, b_mu)
    logstd = _gcn_conv(h, src, dst, W_logstd, b_logstd)
    return (mu, logstd)

if __name__ == "__main__":
    import jax
    _d = setup_inputs()
    print(jax.jit(kernel)(*tuple(_d.values())))

</pallas_src>

<mosaic_0001>
#map = affine_map<(d0, d1) -> (0, 0, 0)>
#map1 = affine_map<(d0, d1) -> (0, 0)>
module attributes {stable_mosaic.version = 14 : i64} {
  func.func @deg_kernel(%arg0: i32, %arg1: i32, %arg2: memref<32x80x128xi32, #tpu.memory_space<hbm>>, %arg3: memref<2x10240xf32, #tpu.memory_space<hbm>>, %arg4: memref<80x128xi32, #tpu.memory_space<vmem>>, %arg5: memref<128xf32, #tpu.memory_space<vmem>>, %arg6: memref<640xf32, #tpu.memory_space<vmem>>, %arg7: memref<10240xf32, #tpu.memory_space<vmem_shared>>, %arg8: memref<!tpu.dma_semaphore, #tpu.memory_space<semaphore_mem>>) attributes {dimension_semantics = [#tpu.dimension_semantics<core_parallel>, #tpu.dimension_semantics<subcore_parallel>], iteration_bounds = array<i64: 2, 16>, scalar_prefetch = 0 : i64, scratch_operands = 5 : i64, tpu.core_type = #tpu.core_type<sc_vector_subcore>, window_params = [{transform_indices = #map}, {transform_indices = #map1}]} {
    %mul3A = arith.constant 2 : i32
    %mul3A_0 = arith.muli %arg1, %mul3A : i32
    %add3A = arith.addi %mul3A_0, %arg0 : i32
    "tpu.region"() ({
      %run_scoped3A = tpu.sem_alloc : memref<!tpu.dma_semaphore, #tpu.memory_space<semaphore_mem>>
      %dma_start3A = arith.constant 0 : i32
      %dma_start3A_53 = arith.constant 0 : i32
      %dma_start3A_54 = tpu.memref_slice %arg2[%add3A, %dma_start3A, %dma_start3A_53] : memref<32x80x128xi32, #tpu.memory_space<hbm>> -> memref<1x80x128xi32, #tpu.memory_space<hbm>>
      %dma_start3A_55 = tpu.memref_squeeze %dma_start3A_54 : memref<1x80x128xi32, #tpu.memory_space<hbm>> -> memref<80x128xi32, #tpu.memory_space<hbm>>
      %dma_start3A_56 = arith.constant 0 : i32
      %dma_start3A_57 = arith.constant 0 : i32
      %dma_start3A_58 = tpu.memref_slice %arg2[%add3A, %dma_start3A_56, %dma_start3A_57] : memref<32x80x128xi32, #tpu.memory_space<hbm>> -> memref<1x80x128xi32, #tpu.memory_space<hbm>>
      %dma_start3A_59 = tpu.memref_squeeze %dma_start3A_58 : memref<1x80x128xi32, #tpu.memory_space<hbm>> -> memref<80x128xi32, #tpu.memory_space<hbm>>
      tpu.enqueue_dma source(%dma_start3A_59 : memref<80x128xi32, #tpu.memory_space<hbm>>) target(%arg4 : memref<80x128xi32, #tpu.memory_space<vmem>>) target_semaphore(%run_scoped3A : memref<!tpu.dma_semaphore, #tpu.memory_space<semaphore_mem>>)
      %dma_wait3A = arith.constant 0 : i32
      %dma_wait3A_60 = arith.constant 0 : i32
      %dma_wait3A_61 = tpu.memref_slice %arg2[%add3A, %dma_wait3A, %dma_wait3A_60] : memref<32x80x128xi32, #tpu.memory_space<hbm>> -> memref<1x80x128xi32, #tpu.memory_space<hbm>>
      %dma_wait3A_62 = tpu.memref_squeeze %dma_wait3A_61 : memref<1x80x128xi32, #tpu.memory_space<hbm>> -> memref<80x128xi32, #tpu.memory_space<hbm>>
      %dma_wait3A_63 = arith.constant 0 : i32
      %dma_wait3A_64 = arith.constant 0 : i32
      %dma_wait3A_65 = tpu.memref_slice %arg2[%add3A, %dma_wait3A_63, %dma_wait3A_64] : memref<32x80x128xi32, #tpu.memory_space<hbm>> -> memref<1x80x128xi32, #tpu.memory_space<hbm>>
      %dma_wait3A_66 = tpu.memref_squeeze %dma_wait3A_65 : memref<1x80x128xi32, #tpu.memory_space<hbm>> -> memref<80x128xi32, #tpu.memory_space<hbm>>
      tpu.wait_dma2 semaphore(%run_scoped3A : memref<!tpu.dma_semaphore, #tpu.memory_space<semaphore_mem>>) src(%dma_wait3A_66 : memref<80x128xi32, #tpu.memory_space<hbm>>) dst(%arg4 : memref<80x128xi32, #tpu.memory_space<vmem>>)
      tpu.yield
    }) : () -> ()
    %broadcast_in_dim3A = arith.constant 1.000000e+00 : f32
    %broadcast_in_dim3A_1 = vector.broadcast %broadcast_in_dim3A : f32 to vector<16xf32>
    %broadcast_in_dim3A_2 = arith.constant 0.000000e+00 : f32
    %broadcast_in_dim3A_3 = vector.broadcast %broadcast_in_dim3A_2 : f32 to vector<16xf32>
    %swap3A = arith.constant 0 : index
    %swap3A_4 = tpu.vector_load %arg5[%swap3A] {strides = array<i32>} : memref<128xf32, #tpu.memory_space<vmem>>, vector<16xf32>,
    %swap3A_5 = vector.shape_cast %swap3A_4 : vector<16xf32> to vector<16xf32>
    %swap3A_6 = vector.shape_cast %broadcast_in_dim3A_1 : vector<16xf32> to vector<16xf32>
    tpu.vector_store %arg5[%swap3A], %swap3A_6 {strides = array<i32>} : memref<128xf32, #tpu.memory_space<vmem>>, vector<16xf32>,
    %swap3A_7 = arith.constant 16 : index
    %swap3A_8 = tpu.vector_load %arg5[%swap3A_7] {strides = array<i32>} : memref<128xf32, #tpu.memory_space<vmem>>, vector<16xf32>,
    %swap3A_9 = vector.shape_cast %swap3A_8 : vector<16xf32> to vector<16xf32>
    %swap3A_10 = vector.shape_cast %broadcast_in_dim3A_1 : vector<16xf32> to vector<16xf32>
    tpu.vector_store %arg5[%swap3A_7], %swap3A_10 {strides = array<i32>} : memref<128xf32, #tpu.memory_space<vmem>>, vector<16xf32>,
    %swap3A_11 = arith.constant 32 : index
    %swap3A_12 = tpu.vector_load %arg5[%swap3A_11] {strides = array<i32>} : memref<128xf32, #tpu.memory_space<vmem>>, vector<16xf32>,
    %swap3A_13 = vector.shape_cast %swap3A_12 : vector<16xf32> to vector<16xf32>
    %swap3A_14 = vector.shape_cast %broadcast_in_dim3A_1 : vector<16xf32> to vector<16xf32>
    tpu.vector_store %arg5[%swap3A_11], %swap3A_14 {strides = array<i32>} : memref<128xf32, #tpu.memory_space<vmem>>, vector<16xf32>,
    %swap3A_15 = arith.constant 48 : index
    %swap3A_16 = tpu.vector_load %arg5[%swap3A_15] {strides = array<i32>} : memref<128xf32, #tpu.memory_space<vmem>>, vector<16xf32>,
    %swap3A_17 = vector.shape_cast %swap3A_16 : vector<16xf32> to vector<16xf32>
    %swap3A_18 = vector.shape_cast %broadcast_in_dim3A_1 : vector<16xf32> to vector<16xf32>
    tpu.vector_store %arg5[%swap3A_15], %swap3A_18 {strides = array<i32>} : memref<128xf32, #tpu.memory_space<vmem>>, vector<16xf32>,
    %swap3A_19 = arith.constant 64 : index
    %swap3A_20 = tpu.vector_load %arg5[%swap3A_19] {strides = array<i32>} : memref<128xf32, #tpu.memory_space<vmem>>, vector<16xf32>,
    %swap3A_21 = vector.shape_cast %swap3A_20 : vector<16xf32> to vector<16xf32>
    %swap3A_22 = vector.shape_cast %broadcast_in_dim3A_1 : vector<16xf32> to vector<16xf32>
    tpu.vector_store %arg5[%swap3A_19], %swap3A_22 {strides = array<i32>} : memref<128xf32, #tpu.memory_space<vmem>>, vector<16xf32>,
    %swap3A_23 = arith.constant 80 : index
    %swap3A_24 = tpu.vector_load %arg5[%swap3A_23] {strides = array<i32>} : memref<128xf32, #tpu.memory_space<vmem>>, vector<16xf32>,
    %swap3A_25 = vector.shape_cast %swap3A_24 : vector<16xf32> to vector<16xf32>
    %swap3A_26 = vector.shape_cast %broadcast_in_dim3A_1 : vector<16xf32> to vector<16xf32>
    tpu.vector_store %arg5[%swap3A_23], %swap3A_26 {strides = array<i32>} : memref<128xf32, #tpu.memory_space<vmem>>, vector<16xf32>,
    %swap3A_27 = arith.constant 96 : index
    %swap3A_28 = tpu.vector_load %arg5[%swap3A_27] {strides = array<i32>} : memref<128xf32, #tpu.memory_space<vmem>>, vector<16xf32>,
    %swap3A_29 = vector.shape_cast %swap3A_28 : vector<16xf32> to vector<16xf32>
    %swap3A_30 = vector.shape_cast %broadcast_in_dim3A_1 : vector<16xf32> to vector<16xf32>
    tpu.vector_store %arg5[%swap3A_27], %swap3A_30 {strides = array<i32>} : memref<128xf32, #tpu.memory_space<vmem>>, vector<16xf32>,
    %swap3A_31 = arith.constant 112 : index
    %swap3A_32 = tpu.vector_load %arg5[%swap3A_31] {strides = array<i32>} : memref<128xf32, #tpu.memory_space<vmem>>, vector<16xf32>,
    %swap3A_33 = vector.shape_cast %swap3A_32 : vector<16xf32> to vector<16xf32>
    %swap3A_34 = vector.shape_cast %broadcast_in_dim3A_1 : vector<16xf32> to vector<16xf32>
    tpu.vector_store %arg5[%swap3A_31], %swap3A_34 {strides = array<i32>} : memref<128xf32, #tpu.memory_space<vmem>>, vector<16xf32>,
    %scan3A = arith.constant 0 : i32
    %scan3A_35 = arith.constant 0 : i32
    %scan3A_36 = arith.constant 40 : i32
    %scan3A_37 = arith.addi %scan3A_35, %scan3A_36 : i32
    %scan3A_38 = arith.constant 1 : i32
    scf.for %scan3A_53 = %scan3A_35 to %scan3A_37 step %scan3A_38  : i32 {
      %mul3A_54 = arith.constant 16 : i32
      %mul3A_55 = arith.muli %scan3A_53, %mul3A_54 : i32
      %swap3A_56 = arith.index_cast %mul3A_55 : i32 to index
      %swap3A_57 = tpu.vector_load %arg6[%swap3A_56] {strides = array<i32>} : memref<640xf32, #tpu.memory_space<vmem>>, vector<16xf32>,
      %swap3A_58 = vector.shape_cast %swap3A_57 : vector<16xf32> to vector<16xf32>
      %swap3A_59 = vector.shape_cast %broadcast_in_dim3A_3 : vector<16xf32> to vector<16xf32>
      tpu.vector_store %arg6[%swap3A_56], %swap3A_59 {strides = array<i32>} : memref<640xf32, #tpu.memory_space<vmem>>, vector<16xf32>,
    }
    %scan3A_39 = arith.constant 40 : i32
    %mul3A_40 = arith.constant 640 : i32
    %mul3A_41 = arith.muli %arg1, %mul3A_40 : i32
    "tpu.region"() ({
      %run_scoped3A = tpu.sem_alloc : memref<!tpu.dma_semaphore, #tpu.memory_space<semaphore_mem>>
      %dma_start3A = tpu.memref_slice %arg7[%mul3A_41] : memref<10240xf32, #tpu.memory_space<vmem_shared>> -> memref<640xf32, #tpu.memory_space<vmem_shared>>
      %dma_start3A_53 = tpu.memref_slice %arg7[%mul3A_41] : memref<10240xf32, #tpu.memory_space<vmem_shared>> -> memref<640xf32, #tpu.memory_space<vmem_shared>>
      tpu.enqueue_dma source(%arg6 : memref<640xf32, #tpu.memory_space<vmem>>) target(%dma_start3A_53 : memref<640xf32, #tpu.memory_space<vmem_shared>>) target_semaphore(%run_scoped3A : memref<!tpu.dma_semaphore, #tpu.memory_space<semaphore_mem>>)
      %dma_wait3A = tpu.memref_slice %arg7[%mul3A_41] : memref<10240xf32, #tpu.memory_space<vmem_shared>> -> memref<640xf32, #tpu.memory_space<vmem_shared>>
      %dma_wait3A_54 = tpu.memref_slice %arg7[%mul3A_41] : memref<10240xf32, #tpu.memory_space<vmem_shared>> -> memref<640xf32, #tpu.memory_space<vmem_shared>>
      tpu.wait_dma2 semaphore(%run_scoped3A : memref<!tpu.dma_semaphore, #tpu.memory_space<semaphore_mem>>) src(%arg6 : memref<640xf32, #tpu.memory_space<vmem>>) dst(%dma_wait3A_54 : memref<640xf32, #tpu.memory_space<vmem_shared>>)
      tpu.yield
    }) : () -> ()
    %barrier3A = arith.constant 0 : index
    tpu.barrier barrier_id(%barrier3A)
    %scan3A_42 = arith.constant 0 : i32
    %scan3A_43 = arith.constant 0 : i32
    %scan3A_44 = arith.constant 10 : i32
    %scan3A_45 = arith.addi %scan3A_43, %scan3A_44 : i32
    %scan3A_46 = arith.constant 1 : i32
    scf.for %scan3A_53 = %scan3A_43 to %scan3A_45 step %scan3A_46  : i32 {
      %mul3A_54 = arith.constant 8 : i32
      %mul3A_55 = arith.muli %scan3A_53, %mul3A_54 : i32
      %add3A_56 = arith.constant 0 : i32
      %add3A_57 = arith.addi %mul3A_55, %add3A_56 : i32
      %dma_start3A = arith.constant 0 : i32
      %dma_start3A_58 = tpu.memref_slice %arg4[%add3A_57, %dma_start3A] : memref<80x128xi32, #tpu.memory_space<vmem>> -> memref<1x128xi32, #tpu.memory_space<vmem>>
      %dma_start3A_59 = tpu.memref_squeeze %dma_start3A_58 : memref<1x128xi32, #tpu.memory_space<vmem>> -> memref<128xi32, #tpu.memory_space<vmem>>
      %dma_start3A_60 = arith.constant 0 : i32
      %dma_start3A_61 = tpu.memref_slice %arg7[%dma_start3A_60] : memref<10240xf32, #tpu.memory_space<vmem_shared>> -> memref<10240xf32, #tpu.memory_space<vmem_shared>>
      tpu.enqueue_indirect_dma source(%arg5 : memref<128xf32, #tpu.memory_space<vmem>>) target(%dma_start3A_61 : memref<10240xf32, #tpu.memory_space<vmem_shared>>) offsets(%dma_start3A_59 : memref<128xi32, #tpu.memory_space<vmem>>) semaphore(%arg8 : memref<!tpu.dma_semaphore, #tpu.memory_space<semaphore_mem>>) {add = true}
      %mul3A_62 = arith.constant 8 : i32
      %mul3A_63 = arith.muli %scan3A_53, %mul3A_62 : i32
      %add3A_64 = arith.constant 1 : i32
      %add3A_65 = arith.addi %mul3A_63, %add3A_64 : i32
      %dma_start3A_66 = arith.constant 0 : i32
      %dma_start3A_67 = tpu.memref_slice %arg4[%add3A_65, %dma_start3A_66] : memref<80x128xi32, #tpu.memory_space<vmem>> -> memref<1x128xi32, #tpu.memory_space<vmem>>
      %dma_start3A_68 = tpu.memref_squeeze %dma_start3A_67 : memref<1x128xi32, #tpu.memory_space<vmem>> -> memref<128xi32, #tpu.memory_space<vmem>>
      %dma_start3A_69 = arith.constant 0 : i32
      %dma_start3A_70 = tpu.memref_slice %arg7[%dma_start3A_69] : memref<10240xf32, #tpu.memory_space<vmem_shared>> -> memref<10240xf32, #tpu.memory_space<vmem_shared>>
      tpu.enqueue_indirect_dma source(%arg5 : memref<128xf32, #tpu.memory_space<vmem>>) target(%dma_start3A_70 : memref<10240xf32, #tpu.memory_space<vmem_shared>>) offsets(%dma_start3A_68 : memref<128xi32, #tpu.memory_space<vmem>>) semaphore(%arg8 : memref<!tpu.dma_semaphore, #tpu.memory_space<semaphore_mem>>) {add = true}
      %mul3A_71 = arith.constant 8 : i32
      %mul3A_72 = arith.muli %scan3A_53, %mul3A_71 : i32
      %add3A_73 = arith.constant 2 : i32
      %add3A_74 = arith.addi %mul3A_72, %add3A_73 : i32
      %dma_start3A_75 = arith.constant 0 : i32
      %dma_start3A_76 = tpu.memref_slice %arg4[%add3A_74, %dma_start3A_75] : memref<80x128xi32, #tpu.memory_space<vmem>> -> memref<1x128xi32, #tpu.memory_space<vmem>>
      %dma_start3A_77 = tpu.memref_squeeze %dma_start3A_76 : memref<1x128xi32, #tpu.memory_space<vmem>> -> memref<128xi32, #tpu.memory_space<vmem>>
      %dma_start3A_78 = arith.constant 0 : i32
      %dma_start3A_79 = tpu.memref_slice %arg7[%dma_start3A_78] : memref<10240xf32, #tpu.memory_space<vmem_shared>> -> memref<10240xf32, #tpu.memory_space<vmem_shared>>
      tpu.enqueue_indirect_dma source(%arg5 : memref<128xf32, #tpu.memory_space<vmem>>) target(%dma_start3A_79 : memref<10240xf32, #tpu.memory_space<vmem_shared>>) offsets(%dma_start3A_77 : memref<128xi32, #tpu.memory_space<vmem>>) semaphore(%arg8 : memref<!tpu.dma_semaphore, #tpu.memory_space<semaphore_mem>>) {add = true}
      %mul3A_80 = arith.constant 8 : i32
      %mul3A_81 = arith.muli %scan3A_53, %mul3A_80 : i32
      %add3A_82 = arith.constant 3 : i32
      %add3A_83 = arith.addi %mul3A_81, %add3A_82 : i32
      %dma_start3A_84 = arith.constant 0 : i32
      %dma_start3A_85 = tpu.memref_slice %arg4[%add3A_83, %dma_start3A_84] : memref<80x128xi32, #tpu.memory_space<vmem>> -> memref<1x128xi32, #tpu.memory_space<vmem>>
      %dma_start3A_86 = tpu.memref_squeeze %dma_start3A_85 : memref<1x128xi32, #tpu.memory_space<vmem>> -> memref<128xi32, #tpu.memory_space<vmem>>
      %dma_start3A_87 = arith.constant 0 : i32
      %dma_start3A_88 = tpu.memref_slice %arg7[%dma_start3A_87] : memref<10240xf32, #tpu.memory_space<vmem_shared>> -> memref<10240xf32, #tpu.memory_space<vmem_shared>>
      tpu.enqueue_indirect_dma source(%arg5 : memref<128xf32, #tpu.memory_space<vmem>>) target(%dma_start3A_88 : memref<10240xf32, #tpu.memory_space<vmem_shared>>) offsets(%dma_start3A_86 : memref<128xi32, #tpu.memory_space<vmem>>) semaphore(%arg8 : memref<!tpu.dma_semaphore, #tpu.memory_space<semaphore_mem>>) {add = true}
      %mul3A_89 = arith.constant 8 : i32
      %mul3A_90 = arith.muli %scan3A_53, %mul3A_89 : i32
      %add3A_91 = arith.constant 4 : i32
      %add3A_92 = arith.addi %mul3A_90, %add3A_91 : i32
      %dma_start3A_93 = arith.constant 0 : i32
      %dma_start3A_94 = tpu.memref_slice %arg4[%add3A_92, %dma_start3A_93] : memref<80x128xi32, #tpu.memory_space<vmem>> -> memref<1x128xi32, #tpu.memory_space<vmem>>
      %dma_start3A_95 = tpu.memref_squeeze %dma_start3A_94 : memref<1x128xi32, #tpu.memory_space<vmem>> -> memref<128xi32, #tpu.memory_space<vmem>>
      %dma_start3A_96 = arith.constant 0 : i32
      %dma_start3A_97 = tpu.memref_slice %arg7[%dma_start3A_96] : memref<10240xf32, #tpu.memory_space<vmem_shared>> -> memref<10240xf32, #tpu.memory_space<vmem_shared>>
      tpu.enqueue_indirect_dma source(%arg5 : memref<128xf32, #tpu.memory_space<vmem>>) target(%dma_start3A_97 : memref<10240xf32, #tpu.memory_space<vmem_shared>>) offsets(%dma_start3A_95 : memref<128xi32, #tpu.memory_space<vmem>>) semaphore(%arg8 : memref<!tpu.dma_semaphore, #tpu.memory_space<semaphore_mem>>) {add = true}
      %mul3A_98 = arith.constant 8 : i32
      %mul3A_99 = arith.muli %scan3A_53, %mul3A_98 : i32
      %add3A_100 = arith.constant 5 : i32
      %add3A_101 = arith.addi %mul3A_99, %add3A_100 : i32
      %dma_start3A_102 = arith.constant 0 : i32
      %dma_start3A_103 = tpu.memref_slice %arg4[%add3A_101, %dma_start3A_102] : memref<80x128xi32, #tpu.memory_space<vmem>> -> memref<1x128xi32, #tpu.memory_space<vmem>>
      %dma_start3A_104 = tpu.memref_squeeze %dma_start3A_103 : memref<1x128xi32, #tpu.memory_space<vmem>> -> memref<128xi32, #tpu.memory_space<vmem>>
      %dma_start3A_105 = arith.constant 0 : i32
      %dma_start3A_106 = tpu.memref_slice %arg7[%dma_start3A_105] : memref<10240xf32, #tpu.memory_space<vmem_shared>> -> memref<10240xf32, #tpu.memory_space<vmem_shared>>
      tpu.enqueue_indirect_dma source(%arg5 : memref<128xf32, #tpu.memory_space<vmem>>) target(%dma_start3A_106 : memref<10240xf32, #tpu.memory_space<vmem_shared>>) offsets(%dma_start3A_104 : memref<128xi32, #tpu.memory_space<vmem>>) semaphore(%arg8 : memref<!tpu.dma_semaphore, #tpu.memory_space<semaphore_mem>>) {add = true}
      %mul3A_107 = arith.constant 8 : i32
      %mul3A_108 = arith.muli %scan3A_53, %mul3A_107 : i32
      %add3A_109 = arith.constant 6 : i32
      %add3A_110 = arith.addi %mul3A_108, %add3A_109 : i32
      %dma_start3A_111 = arith.constant 0 : i32
      %dma_start3A_112 = tpu.memref_slice %arg4[%add3A_110, %dma_start3A_111] : memref<80x128xi32, #tpu.memory_space<vmem>> -> memref<1x128xi32, #tpu.memory_space<vmem>>
      %dma_start3A_113 = tpu.memref_squeeze %dma_start3A_112 : memref<1x128xi32, #tpu.memory_space<vmem>> -> memref<128xi32, #tpu.memory_space<vmem>>
      %dma_start3A_114 = arith.constant 0 : i32
      %dma_start3A_115 = tpu.memref_slice %arg7[%dma_start3A_114] : memref<10240xf32, #tpu.memory_space<vmem_shared>> -> memref<10240xf32, #tpu.memory_space<vmem_shared>>
      tpu.enqueue_indirect_dma source(%arg5 : memref<128xf32, #tpu.memory_space<vmem>>) target(%dma_start3A_115 : memref<10240xf32, #tpu.memory_space<vmem_shared>>) offsets(%dma_start3A_113 : memref<128xi32, #tpu.memory_space<vmem>>) semaphore(%arg8 : memref<!tpu.dma_semaphore, #tpu.memory_space<semaphore_mem>>) {add = true}
      %mul3A_116 = arith.constant 8 : i32
      %mul3A_117 = arith.muli %scan3A_53, %mul3A_116 : i32
      %add3A_118 = arith.constant 7 : i32
      %add3A_119 = arith.addi %mul3A_117, %add3A_118 : i32
      %dma_start3A_120 = arith.constant 0 : i32
      %dma_start3A_121 = tpu.memref_slice %arg4[%add3A_119, %dma_start3A_120] : memref<80x128xi32, #tpu.memory_space<vmem>> -> memref<1x128xi32, #tpu.memory_space<vmem>>
      %dma_start3A_122 = tpu.memref_squeeze %dma_start3A_121 : memref<1x128xi32, #tpu.memory_space<vmem>> -> memref<128xi32, #tpu.memory_space<vmem>>
      %dma_start3A_123 = arith.constant 0 : i32
      %dma_start3A_124 = tpu.memref_slice %arg7[%dma_start3A_123] : memref<10240xf32, #tpu.memory_space<vmem_shared>> -> memref<10240xf32, #tpu.memory_space<vmem_shared>>
      tpu.enqueue_indirect_dma source(%arg5 : memref<128xf32, #tpu.memory_space<vmem>>) target(%dma_start3A_124 : memref<10240xf32, #tpu.memory_space<vmem_shared>>) offsets(%dma_start3A_122 : memref<128xi32, #tpu.memory_space<vmem>>) semaphore(%arg8 : memref<!tpu.dma_semaphore, #tpu.memory_space<semaphore_mem>>) {add = true}
      %dma_wait3A = arith.constant 0 : i32
      %dma_wait3A_125 = arith.constant 0 : i32
      %dma_wait3A_126 = tpu.memref_slice %arg4[%dma_wait3A, %dma_wait3A_125] : memref<80x128xi32, #tpu.memory_space<vmem>> -> memref<1x128xi32, #tpu.memory_space<vmem>>
      %dma_wait3A_127 = tpu.memref_squeeze %dma_wait3A_126 : memref<1x128xi32, #tpu.memory_space<vmem>> -> memref<128xi32, #tpu.memory_space<vmem>>
      %dma_wait3A_128 = arith.constant 0 : i32
      %dma_wait3A_129 = tpu.memref_slice %arg7[%dma_wait3A_128] : memref<10240xf32, #tpu.memory_space<vmem_shared>> -> memref<10240xf32, #tpu.memory_space<vmem_shared>>
      tpu.wait_indirect_dma semaphore(%arg8 : memref<!tpu.dma_semaphore, #tpu.memory_space<semaphore_mem>>) src(%arg5 : memref<128xf32, #tpu.memory_space<vmem>>) dst(%dma_wait3A_129 : memref<10240xf32, #tpu.memory_space<vmem_shared>>)
      %dma_wait3A_130 = arith.constant 0 : i32
      %dma_wait3A_131 = arith.constant 0 : i32
      %dma_wait3A_132 = tpu.memref_slice %arg4[%dma_wait3A_130, %dma_wait3A_131] : memref<80x128xi32, #tpu.memory_space<vmem>> -> memref<1x128xi32, #tpu.memory_space<vmem>>
      %dma_wait3A_133 = tpu.memref_squeeze %dma_wait3A_132 : memref<1x128xi32, #tpu.memory_space<vmem>> -> memref<128xi32, #tpu.memory_space<vmem>>
      %dma_wait3A_134 = arith.constant 0 : i32
      %dma_wait3A_135 = tpu.memref_slice %arg7[%dma_wait3A_134] : memref<10240xf32, #tpu.memory_space<vmem_shared>> -> memref<10240xf32, #tpu.memory_space<vmem_shared>>
      tpu.wait_indirect_dma semaphore(%arg8 : memref<!tpu.dma_semaphore, #tpu.memory_space<semaphore_mem>>) src(%arg5 : memref<128xf32, #tpu.memory_space<vmem>>) dst(%dma_wait3A_135 : memref<10240xf32, #tpu.memory_space<vmem_shared>>)
      %dma_wait3A_136 = arith.constant 0 : i32
      %dma_wait3A_137 = arith.constant 0 : i32
      %dma_wait3A_138 = tpu.memref_slice %arg4[%dma_wait3A_136, %dma_wait3A_137] : memref<80x128xi32, #tpu.memory_space<vmem>> -> memref<1x128xi32, #tpu.memory_space<vmem>>
      %dma_wait3A_139 = tpu.memref_squeeze %dma_wait3A_138 : memref<1x128xi32, #tpu.memory_space<vmem>> -> memref<128xi32, #tpu.memory_space<vmem>>
      %dma_wait3A_140 = arith.constant 0 : i32
      %dma_wait3A_141 = tpu.memref_slice %arg7[%dma_wait3A_140] : memref<10240xf32, #tpu.memory_space<vmem_shared>> -> memref<10240xf32, #tpu.memory_space<vmem_shared>>
      tpu.wait_indirect_dma semaphore(%arg8 : memref<!tpu.dma_semaphore, #tpu.memory_space<semaphore_mem>>) src(%arg5 : memref<128xf32, #tpu.memory_space<vmem>>) dst(%dma_wait3A_141 : memref<10240xf32, #tpu.memory_space<vmem_shared>>)
      %dma_wait3A_142 = arith.constant 0 : i32
      %dma_wait3A_143 = arith.constant 0 : i32
      %dma_wait3A_144 = tpu.memref_slice %arg4[%dma_wait3A_142, %dma_wait3A_143] : memref<80x128xi32, #tpu.memory_space<vmem>> -> memref<1x128xi32, #tpu.memory_space<vmem>>
      %dma_wait3A_145 = tpu.memref_squeeze %dma_wait3A_144 : memref<1x128xi32, #tpu.memory_space<vmem>> -> memref<128xi32, #tpu.memory_space<vmem>>
      %dma_wait3A_146 = arith.constant 0 : i32
      %dma_wait3A_147 = tpu.memref_slice %arg7[%dma_wait3A_146] : memref<10240xf32, #tpu.memory_space<vmem_shared>> -> memref<10240xf32, #tpu.memory_space<vmem_shared>>
      tpu.wait_indirect_dma semaphore(%arg8 : memref<!tpu.dma_semaphore, #tpu.memory_space<semaphore_mem>>) src(%arg5 : memref<128xf32, #tpu.memory_space<vmem>>) dst(%dma_wait3A_147 : memref<10240xf32, #tpu.memory_space<vmem_shared>>)
      %dma_wait3A_148 = arith.constant 0 : i32
      %dma_wait3A_149 = arith.constant 0 : i32
      %dma_wait3A_150 = tpu.memref_slice %arg4[%dma_wait3A_148, %dma_wait3A_149] : memref<80x128xi32, #tpu.memory_space<vmem>> -> memref<1x128xi32, #tpu.memory_space<vmem>>
      %dma_wait3A_151 = tpu.memref_squeeze %dma_wait3A_150 : memref<1x128xi32, #tpu.memory_space<vmem>> -> memref<128xi32, #tpu.memory_space<vmem>>
      %dma_wait3A_152 = arith.constant 0 : i32
      %dma_wait3A_153 = tpu.memref_slice %arg7[%dma_wait3A_152] : memref<10240xf32, #tpu.memory_space<vmem_shared>> -> memref<10240xf32, #tpu.memory_space<vmem_shared>>
      tpu.wait_indirect_dma semaphore(%arg8 : memref<!tpu.dma_semaphore, #tpu.memory_space<semaphore_mem>>) src(%arg5 : memref<128xf32, #tpu.memory_space<vmem>>) dst(%dma_wait3A_153 : memref<10240xf32, #tpu.memory_space<vmem_shared>>)
      %dma_wait3A_154 = arith.constant 0 : i32
      %dma_wait3A_155 = arith.constant 0 : i32
      %dma_wait3A_156 = tpu.memref_slice %arg4[%dma_wait3A_154, %dma_wait3A_155] : memref<80x128xi32, #tpu.memory_space<vmem>> -> memref<1x128xi32, #tpu.memory_space<vmem>>
      %dma_wait3A_157 = tpu.memref_squeeze %dma_wait3A_156 : memref<1x128xi32, #tpu.memory_space<vmem>> -> memref<128xi32, #tpu.memory_space<vmem>>
      %dma_wait3A_158 = arith.constant 0 : i32
      %dma_wait3A_159 = tpu.memref_slice %arg7[%dma_wait3A_158] : memref<10240xf32, #tpu.memory_space<vmem_shared>> -> memref<10240xf32, #tpu.memory_space<vmem_shared>>
      tpu.wait_indirect_dma semaphore(%arg8 : memref<!tpu.dma_semaphore, #tpu.memory_space<semaphore_mem>>) src(%arg5 : memref<128xf32, #tpu.memory_space<vmem>>) dst(%dma_wait3A_159 : memref<10240xf32, #tpu.memory_space<vmem_shared>>)
      %dma_wait3A_160 = arith.constant 0 : i32
      %dma_wait3A_161 = arith.constant 0 : i32
      %dma_wait3A_162 = tpu.memref_slice %arg4[%dma_wait3A_160, %dma_wait3A_161] : memref<80x128xi32, #tpu.memory_space<vmem>> -> memref<1x128xi32, #tpu.memory_space<vmem>>
      %dma_wait3A_163 = tpu.memref_squeeze %dma_wait3A_162 : memref<1x128xi32, #tpu.memory_space<vmem>> -> memref<128xi32, #tpu.memory_space<vmem>>
      %dma_wait3A_164 = arith.constant 0 : i32
      %dma_wait3A_165 = tpu.memref_slice %arg7[%dma_wait3A_164] : memref<10240xf32, #tpu.memory_space<vmem_shared>> -> memref<10240xf32, #tpu.memory_space<vmem_shared>>
      tpu.wait_indirect_dma semaphore(%arg8 : memref<!tpu.dma_semaphore, #tpu.memory_space<semaphore_mem>>) src(%arg5 : memref<128xf32, #tpu.memory_space<vmem>>) dst(%dma_wait3A_165 : memref<10240xf32, #tpu.memory_space<vmem_shared>>)
      %dma_wait3A_166 = arith.constant 0 : i32
      %dma_wait3A_167 = arith.constant 0 : i32
      %dma_wait3A_168 = tpu.memref_slice %arg4[%dma_wait3A_166, %dma_wait3A_167] : memref<80x128xi32, #tpu.memory_space<vmem>> -> memref<1x128xi32, #tpu.memory_space<vmem>>
      %dma_wait3A_169 = tpu.memref_squeeze %dma_wait3A_168 : memref<1x128xi32, #tpu.memory_space<vmem>> -> memref<128xi32, #tpu.memory_space<vmem>>
      %dma_wait3A_170 = arith.constant 0 : i32
      %dma_wait3A_171 = tpu.memref_slice %arg7[%dma_wait3A_170] : memref<10240xf32, #tpu.memory_space<vmem_shared>> -> memref<10240xf32, #tpu.memory_space<vmem_shared>>
      tpu.wait_indirect_dma semaphore(%arg8 : memref<!tpu.dma_semaphore, #tpu.memory_space<semaphore_mem>>) src(%arg5 : memref<128xf32, #tpu.memory_space<vmem>>) dst(%dma_wait3A_171 : memref<10240xf32, #tpu.memory_space<vmem_shared>>)
    }
    %scan3A_47 = arith.constant 10 : i32
    %barrier3A_48 = arith.constant 0 : index
    tpu.barrier barrier_id(%barrier3A_48)
    %mul3A_49 = arith.constant 640 : i32
    %mul3A_50 = arith.muli %arg1, %mul3A_49 : i32
    %mul3A_51 = arith.constant 640 : i32
    %mul3A_52 = arith.muli %arg1, %mul3A_51 : i32
    "tpu.region"() ({
      %run_scoped3A = tpu.sem_alloc : memref<!tpu.dma_semaphore, #tpu.memory_space<semaphore_mem>>
      %dma_start3A = tpu.memref_slice %arg3[%arg0, %mul3A_52] : memref<2x10240xf32, #tpu.memory_space<hbm>> -> memref<1x640xf32, #tpu.memory_space<hbm>>
      %dma_start3A_53 = tpu.memref_squeeze %dma_start3A : memref<1x640xf32, #tpu.memory_space<hbm>> -> memref<640xf32, #tpu.memory_space<hbm>>
      %dma_start3A_54 = tpu.memref_slice %arg7[%mul3A_50] : memref<10240xf32, #tpu.memory_space<vmem_shared>> -> memref<640xf32, #tpu.memory_space<vmem_shared>>
      tpu.enqueue_dma source(%dma_start3A_54 : memref<640xf32, #tpu.memory_space<vmem_shared>>) target(%dma_start3A_53 : memref<640xf32, #tpu.memory_space<hbm>>) target_semaphore(%run_scoped3A : memref<!tpu.dma_semaphore, #tpu.memory_space<semaphore_mem>>)
      %dma_wait3A = tpu.memref_slice %arg3[%arg0, %mul3A_52] : memref<2x10240xf32, #tpu.memory_space<hbm>> -> memref<1x640xf32, #tpu.memory_space<hbm>>
      %dma_wait3A_55 = tpu.memref_squeeze %dma_wait3A : memref<1x640xf32, #tpu.memory_space<hbm>> -> memref<640xf32, #tpu.memory_space<hbm>>
      %dma_wait3A_56 = tpu.memref_slice %arg7[%mul3A_50] : memref<10240xf32, #tpu.memory_space<vmem_shared>> -> memref<640xf32, #tpu.memory_space<vmem_shared>>
      tpu.wait_dma2 semaphore(%run_scoped3A : memref<!tpu.dma_semaphore, #tpu.memory_space<semaphore_mem>>) src(%dma_wait3A_56 : memref<640xf32, #tpu.memory_space<vmem_shared>>) dst(%dma_wait3A_55 : memref<640xf32, #tpu.memory_space<hbm>>)
      tpu.yield
    }) : () -> ()
    return
  }
}

#map = affine_map<(d0, d1) -> (0, 0, 0)>
#map1 = affine_map<(d0, d1) -> (0, 0)>
module attributes {stable_mosaic.version = 14 : i64} {
  func.func @agg_kernel(%arg0: i32, %arg1: i32, %arg2: memref<2560x2x128xi32, #tpu.memory_space<hbm>>, %arg3: memref<10000x128xf32, #tpu.memory_space<hbm>>, %arg4: memref<2x10240x128xf32, #tpu.memory_space<hbm>>, %arg5: memref<2x128xi32, #tpu.memory_space<vmem>>, %arg6: memref<2x128xi32, #tpu.memory_space<vmem>>, %arg7: memref<128x128xf32, #tpu.memory_space<vmem>>, %arg8: memref<128x128xf32, #tpu.memory_space<vmem>>, %arg9: memref<32x128xf32, #tpu.memory_space<vmem>>, %arg10: memref<10240x128xf32, #tpu.memory_space<vmem_shared>>, %arg11: memref<!tpu.dma_semaphore, #tpu.memory_space<semaphore_mem>>, %arg12: memref<!tpu.dma_semaphore, #tpu.memory_space<semaphore_mem>>, %arg13: memref<!tpu.dma_semaphore, #tpu.memory_space<semaphore_mem>>, %arg14: memref<!tpu.dma_semaphore, #tpu.memory_space<semaphore_mem>>) attributes {dimension_semantics = [#tpu.dimension_semantics<core_parallel>, #tpu.dimension_semantics<subcore_parallel>], iteration_bounds = array<i64: 2, 16>, scalar_prefetch = 0 : i64, scratch_operands = 10 : i64, tpu.core_type = #tpu.core_type<sc_vector_subcore>, window_params = [{transform_indices = #map}, {transform_indices = #map1}, {transform_indices = #map}]} {
    %eq3A = arith.constant 0 : i32
    %eq3A_0 = arith.cmpi eq, %arg0, %eq3A : i32
    %mul3A = arith.constant 158 : i32
    %mul3A_1 = arith.muli %arg1, %mul3A : i32
    %mul3A_2 = arith.constant 2 : i32
    %mul3A_3 = arith.muli %arg1, %mul3A_2 : i32
    %add3A = arith.constant 2528 : i32
    %add3A_4 = arith.addi %add3A, %mul3A_3 : i32
    %select_n3A = arith.select %eq3A_0, %mul3A_1, %add3A_4 : i32
    %eq3A_5 = arith.constant 0 : i32
    %eq3A_6 = arith.cmpi eq, %arg0, %eq3A_5 : i32
    %select_n3A_7 = arith.constant 2 : i32
    %select_n3A_8 = arith.constant 158 : i32
    %select_n3A_9 = arith.select %eq3A_6, %select_n3A_8, %select_n3A_7 : i32
    %broadcast_in_dim3A = arith.constant 0.000000e+00 : f32
    %broadcast_in_dim3A_10 = vector.broadcast %broadcast_in_dim3A : f32 to vector<16xf32>
    "tpu.trace_start"() <{level = 10 : i32, message = "agg_zero"}> : () -> ()
    %scan3A = arith.constant 0 : i32
    %scan3A_11 = arith.constant 0 : i32
    %scan3A_12 = arith.constant 32 : i32
    %scan3A_13 = arith.addi %scan3A_11, %scan3A_12 : i32
    %scan3A_14 = arith.constant 1 : i32
    scf.for %scan3A_77 = %scan3A_11 to %scan3A_13 step %scan3A_14  : i32 {
      %swap3A = arith.index_cast %scan3A_77 : i32 to index
      %swap3A_78 = arith.constant 0 : index
      %swap3A_79 = tpu.vector_load %arg9[%swap3A, %swap3A_78] {strides = array<i32>} : memref<32x128xf32, #tpu.memory_space<vmem>>, vector<1x16xf32>,
      %swap3A_80 = vector.shape_cast %swap3A_79 : vector<1x16xf32> to vector<16xf32>
      %swap3A_81 = vector.shape_cast %broadcast_in_dim3A_10 : vector<16xf32> to vector<1x16xf32>
      tpu.vector_store %arg9[%swap3A, %swap3A_78], %swap3A_81 {strides = array<i32>} : memref<32x128xf32, #tpu.memory_space<vmem>>, vector<1x16xf32>,
      %swap3A_82 = arith.index_cast %scan3A_77 : i32 to index
      %swap3A_83 = arith.constant 16 : index
      %swap3A_84 = tpu.vector_load %arg9[%swap3A_82, %swap3A_83] {strides = array<i32>} : memref<32x128xf32, #tpu.memory_space<vmem>>, vector<1x16xf32>,
      %swap3A_85 = vector.shape_cast %swap3A_84 : vector<1x16xf32> to vector<16xf32>
      %swap3A_86 = vector.shape_cast %broadcast_in_dim3A_10 : vector<16xf32> to vector<1x16xf32>
      tpu.vector_store %arg9[%swap3A_82, %swap3A_83], %swap3A_86 {strides = array<i32>} : memref<32x128xf32, #tpu.memory_space<vmem>>, vector<1x16xf32>,
      %swap3A_87 = arith.index_cast %scan3A_77 : i32 to index
      %swap3A_88 = arith.constant 32 : index
      %swap3A_89 = tpu.vector_load %arg9[%swap3A_87, %swap3A_88] {strides = array<i32>} : memref<32x128xf32, #tpu.memory_space<vmem>>, vector<1x16xf32>,
      %swap3A_90 = vector.shape_cast %swap3A_89 : vector<1x16xf32> to vector<16xf32>
      %swap3A_91 = vector.shape_cast %broadcast_in_dim3A_10 : vector<16xf32> to vector<1x16xf32>
      tpu.vector_store %arg9[%swap3A_87, %swap3A_88], %swap3A_91 {strides = array<i32>} : memref<32x128xf32, #tpu.memory_space<vmem>>, vector<1x16xf32>,
      %swap3A_92 = arith.index_cast %scan3A_77 : i32 to index
      %swap3A_93 = arith.constant 48 : index
      %swap3A_94 = tpu.vector_load %arg9[%swap3A_92, %swap3A_93] {strides = array<i32>} : memref<32x128xf32, #tpu.memory_space<vmem>>, vector<1x16xf32>,
      %swap3A_95 = vector.shape_cast %swap3A_94 : vector<1x16xf32> to vector<16xf32>
      %swap3A_96 = vector.shape_cast %broadcast_in_dim3A_10 : vector<16xf32> to vector<1x16xf32>
      tpu.vector_store %arg9[%swap3A_92, %swap3A_93], %swap3A_96 {strides = array<i32>} : memref<32x128xf32, #tpu.memory_space<vmem>>, vector<1x16xf32>,
      %swap3A_97 = arith.index_cast %scan3A_77 : i32 to index
      %swap3A_98 = arith.constant 64 : index
      %swap3A_99 = tpu.vector_load %arg9[%swap3A_97, %swap3A_98] {strides = array<i32>} : memref<32x128xf32, #tpu.memory_space<vmem>>, vector<1x16xf32>,
      %swap3A_100 = vector.shape_cast %swap3A_99 : vector<1x16xf32> to vector<16xf32>
      %swap3A_101 = vector.shape_cast %broadcast_in_dim3A_10 : vector<16xf32> to vector<1x16xf32>
      tpu.vector_store %arg9[%swap3A_97, %swap3A_98], %swap3A_101 {strides = array<i32>} : memref<32x128xf32, #tpu.memory_space<vmem>>, vector<1x16xf32>,
      %swap3A_102 = arith.index_cast %scan3A_77 : i32 to index
      %swap3A_103 = arith.constant 80 : index
      %swap3A_104 = tpu.vector_load %arg9[%swap3A_102, %swap3A_103] {strides = array<i32>} : memref<32x128xf32, #tpu.memory_space<vmem>>, vector<1x16xf32>,
      %swap3A_105 = vector.shape_cast %swap3A_104 : vector<1x16xf32> to vector<16xf32>
      %swap3A_106 = vector.shape_cast %broadcast_in_dim3A_10 : vector<16xf32> to vector<1x16xf32>
      tpu.vector_store %arg9[%swap3A_102, %swap3A_103], %swap3A_106 {strides = array<i32>} : memref<32x128xf32, #tpu.memory_space<vmem>>, vector<1x16xf32>,
      %swap3A_107 = arith.index_cast %scan3A_77 : i32 to index
      %swap3A_108 = arith.constant 96 : index
      %swap3A_109 = tpu.vector_load %arg9[%swap3A_107, %swap3A_108] {strides = array<i32>} : memref<32x128xf32, #tpu.memory_space<vmem>>, vector<1x16xf32>,
      %swap3A_110 = vector.shape_cast %swap3A_109 : vector<1x16xf32> to vector<16xf32>
      %swap3A_111 = vector.shape_cast %broadcast_in_dim3A_10 : vector<16xf32> to vector<1x16xf32>
      tpu.vector_store %arg9[%swap3A_107, %swap3A_108], %swap3A_111 {strides = array<i32>} : memref<32x128xf32, #tpu.memory_space<vmem>>, vector<1x16xf32>,
      %swap3A_112 = arith.index_cast %scan3A_77 : i32 to index
      %swap3A_113 = arith.constant 112 : index
      %swap3A_114 = tpu.vector_load %arg9[%swap3A_112, %swap3A_113] {strides = array<i32>} : memref<32x128xf32, #tpu.memory_space<vmem>>, vector<1x16xf32>,
      %swap3A_115 = vector.shape_cast %swap3A_114 : vector<1x16xf32> to vector<16xf32>
      %swap3A_116 = vector.shape_cast %broadcast_in_dim3A_10 : vector<16xf32> to vector<1x16xf32>
      tpu.vector_store %arg9[%swap3A_112, %swap3A_113], %swap3A_116 {strides = array<i32>} : memref<32x128xf32, #tpu.memory_space<vmem>>, vector<1x16xf32>,
    }
    %scan3A_15 = arith.constant 32 : i32
    %mul3A_16 = arith.constant 640 : i32
    %mul3A_17 = arith.muli %arg1, %mul3A_16 : i32
    %scan3A_18 = arith.constant 0 : i32
    %scan3A_19 = arith.constant 0 : i32
    %scan3A_20 = arith.constant 20 : i32
    %scan3A_21 = arith.addi %scan3A_19, %scan3A_20 : i32
    %scan3A_22 = arith.constant 1 : i32
    scf.for %scan3A_77 = %scan3A_19 to %scan3A_21 step %scan3A_22  : i32 {
      %mul3A_78 = arith.constant 32 : i32
      %mul3A_79 = arith.muli %scan3A_77, %mul3A_78 : i32
      %add3A_80 = arith.addi %mul3A_17, %mul3A_79 : i32
      "tpu.region"() ({
        %run_scoped3A = tpu.sem_alloc : memref<!tpu.dma_semaphore, #tpu.memory_space<semaphore_mem>>
        %dma_start3A_81 = arith.constant 0 : i32
        %dma_start3A_82 = tpu.memref_slice %arg10[%add3A_80, %dma_start3A_81] : memref<10240x128xf32, #tpu.memory_space<vmem_shared>> -> memref<32x128xf32, #tpu.memory_space<vmem_shared>>
        %dma_start3A_83 = arith.constant 0 : i32
        %dma_start3A_84 = tpu.memref_slice %arg10[%add3A_80, %dma_start3A_83] : memref<10240x128xf32, #tpu.memory_space<vmem_shared>> -> memref<32x128xf32, #tpu.memory_space<vmem_shared>>
        tpu.enqueue_dma source(%arg9 : memref<32x128xf32, #tpu.memory_space<vmem>>) target(%dma_start3A_84 : memref<32x128xf32, #tpu.memory_space<vmem_shared>>) target_semaphore(%run_scoped3A : memref<!tpu.dma_semaphore, #tpu.memory_space<semaphore_mem>>)
        %dma_wait3A = arith.constant 0 : i32
        %dma_wait3A_85 = tpu.memref_slice %arg10[%add3A_80, %dma_wait3A] : memref<10240x128xf32, #tpu.memory_space<vmem_shared>> -> memref<32x128xf32, #tpu.memory_space<vmem_shared>>
        %dma_wait3A_86 = arith.constant 0 : i32
        %dma_wait3A_87 = tpu.memref_slice %arg10[%add3A_80, %dma_wait3A_86] : memref<10240x128xf32, #tpu.memory_space<vmem_shared>> -> memref<32x128xf32, #tpu.memory_space<vmem_shared>>
        tpu.wait_dma2 semaphore(%run_scoped3A : memref<!tpu.dma_semaphore, #tpu.memory_space<semaphore_mem>>) src(%arg9 : memref<32x128xf32, #tpu.memory_space<vmem>>) dst(%dma_wait3A_87 : memref<32x128xf32, #tpu.memory_space<vmem_shared>>)
        tpu.yield
      }) : () -> ()
    }
    %scan3A_23 = arith.constant 20 : i32
    %barrier3A = arith.constant 0 : index
    tpu.barrier barrier_id(%barrier3A)
    "tpu.trace_stop"() : () -> ()
    "tpu.trace_start"() <{level = 10 : i32, message = "agg_loop"}> : () -> ()
    "tpu.region"() ({
      %run_scoped3A = tpu.sem_alloc : memref<!tpu.dma_semaphore, #tpu.memory_space<semaphore_mem>>
      %dma_start3A_77 = arith.constant 0 : i32
      %dma_start3A_78 = arith.constant 0 : i32
      %dma_start3A_79 = tpu.memref_slice %arg2[%select_n3A, %dma_start3A_77, %dma_start3A_78] : memref<2560x2x128xi32, #tpu.memory_space<hbm>> -> memref<1x2x128xi32, #tpu.memory_space<hbm>>
      %dma_start3A_80 = tpu.memref_squeeze %dma_start3A_79 : memref<1x2x128xi32, #tpu.memory_space<hbm>> -> memref<2x128xi32, #tpu.memory_space<hbm>>
      %dma_start3A_81 = arith.constant 0 : i32
      %dma_start3A_82 = arith.constant 0 : i32
      %dma_start3A_83 = tpu.memref_slice %arg2[%select_n3A, %dma_start3A_81, %dma_start3A_82] : memref<2560x2x128xi32, #tpu.memory_space<hbm>> -> memref<1x2x128xi32, #tpu.memory_space<hbm>>
      %dma_start3A_84 = tpu.memref_squeeze %dma_start3A_83 : memref<1x2x128xi32, #tpu.memory_space<hbm>> -> memref<2x128xi32, #tpu.memory_space<hbm>>
      tpu.enqueue_dma source(%dma_start3A_84 : memref<2x128xi32, #tpu.memory_space<hbm>>) target(%arg5 : memref<2x128xi32, #tpu.memory_space<vmem>>) target_semaphore(%run_scoped3A : memref<!tpu.dma_semaphore, #tpu.memory_space<semaphore_mem>>)
      %dma_wait3A = arith.constant 0 : i32
      %dma_wait3A_85 = arith.constant 0 : i32
      %dma_wait3A_86 = tpu.memref_slice %arg2[%select_n3A, %dma_wait3A, %dma_wait3A_85] : memref<2560x2x128xi32, #tpu.memory_space<hbm>> -> memref<1x2x128xi32, #tpu.memory_space<hbm>>
      %dma_wait3A_87 = tpu.memref_squeeze %dma_wait3A_86 : memref<1x2x128xi32, #tpu.memory_space<hbm>> -> memref<2x128xi32, #tpu.memory_space<hbm>>
      %dma_wait3A_88 = arith.constant 0 : i32
      %dma_wait3A_89 = arith.constant 0 : i32
      %dma_wait3A_90 = tpu.memref_slice %arg2[%select_n3A, %dma_wait3A_88, %dma_wait3A_89] : memref<2560x2x128xi32, #tpu.memory_space<hbm>> -> memref<1x2x128xi32, #tpu.memory_space<hbm>>
      %dma_wait3A_91 = tpu.memref_squeeze %dma_wait3A_90 : memref<1x2x128xi32, #tpu.memory_space<hbm>> -> memref<2x128xi32, #tpu.memory_space<hbm>>
      tpu.wait_dma2 semaphore(%run_scoped3A : memref<!tpu.dma_semaphore, #tpu.memory_space<semaphore_mem>>) src(%dma_wait3A_91 : memref<2x128xi32, #tpu.memory_space<hbm>>) dst(%arg5 : memref<2x128xi32, #tpu.memory_space<vmem>>)
      tpu.yield
    }) : () -> ()
    %add3A_24 = arith.constant 1 : i32
    %add3A_25 = arith.addi %select_n3A, %add3A_24 : i32
    %dma_start3A = arith.constant 0 : i32
    %dma_start3A_26 = arith.constant 0 : i32
    %dma_start3A_27 = tpu.memref_slice %arg2[%add3A_25, %dma_start3A, %dma_start3A_26] : memref<2560x2x128xi32, #tpu.memory_space<hbm>> -> memref<1x2x128xi32, #tpu.memory_space<hbm>>
    %dma_start3A_28 = tpu.memref_squeeze %dma_start3A_27 : memref<1x2x128xi32, #tpu.memory_space<hbm>> -> memref<2x128xi32, #tpu.memory_space<hbm>>
    %dma_start3A_29 = arith.constant 0 : i32
    %dma_start3A_30 = arith.constant 0 : i32
    %dma_start3A_31 = tpu.memref_slice %arg2[%add3A_25, %dma_start3A_29, %dma_start3A_30] : memref<2560x2x128xi32, #tpu.memory_space<hbm>> -> memref<1x2x128xi32, #tpu.memory_space<hbm>>
    %dma_start3A_32 = tpu.memref_squeeze %dma_start3A_31 : memref<1x2x128xi32, #tpu.memory_space<hbm>> -> memref<2x128xi32, #tpu.memory_space<hbm>>
    tpu.enqueue_dma source(%dma_start3A_32 : memref<2x128xi32, #tpu.memory_space<hbm>>) target(%arg6 : memref<2x128xi32, #tpu.memory_space<vmem>>) target_semaphore(%arg14 : memref<!tpu.dma_semaphore, #tpu.memory_space<semaphore_mem>>)
    %dma_start3A_33 = arith.constant 0 : i32
    %dma_start3A_34 = arith.constant 0 : i32
    %dma_start3A_35 = tpu.memref_slice %arg5[%dma_start3A_33, %dma_start3A_34] : memref<2x128xi32, #tpu.memory_space<vmem>> -> memref<1x128xi32, #tpu.memory_space<vmem>>
    %dma_start3A_36 = tpu.memref_squeeze %dma_start3A_35 : memref<1x128xi32, #tpu.memory_space<vmem>> -> memref<128xi32, #tpu.memory_space<vmem>>
    %dma_start3A_37 = arith.constant 0 : i32
    %dma_start3A_38 = arith.constant 0 : i32
    %dma_start3A_39 = tpu.memref_slice %arg3[%dma_start3A_37, %dma_start3A_38] : memref<10000x128xf32, #tpu.memory_space<hbm>> -> memref<10000x128xf32, #tpu.memory_space<hbm>>
    tpu.enqueue_indirect_dma source(%dma_start3A_39 : memref<10000x128xf32, #tpu.memory_space<hbm>>) target(%arg7 : memref<128x128xf32, #tpu.memory_space<vmem>>) offsets(%dma_start3A_36 : memref<128xi32, #tpu.memory_space<vmem>>) semaphore(%arg11 : memref<!tpu.dma_semaphore, #tpu.memory_space<semaphore_mem>>)
    %jit3A = arith.constant 2 : i32
    %div3A = arith.divsi %select_n3A_9, %jit3A : i32
    %sign3A = arith.constant 0 : i32
    %sign3A_40 = arith.cmpi sgt, %select_n3A_9, %sign3A : i32
    %sign3A_41 = arith.extui %sign3A_40 : i1 to i32
    %sign3A_42 = arith.constant 0 : i32
    %sign3A_43 = arith.cmpi slt, %select_n3A_9, %sign3A_42 : i32
    %sign3A_44 = arith.extui %sign3A_43 : i1 to i32
    %sign3A_45 = arith.subi %sign3A_41, %sign3A_44 : i32
    %sign3A_46 = arith.constant 0 : i32
    %sign3A_47 = arith.cmpi sgt, %jit3A, %sign3A_46 : i32
    %sign3A_48 = arith.extui %sign3A_47 : i1 to i32
    %sign3A_49 = arith.constant 0 : i32
    %sign3A_50 = arith.cmpi slt, %jit3A, %sign3A_49 : i32
    %sign3A_51 = arith.extui %sign3A_50 : i1 to i32
    %sign3A_52 = arith.subi %sign3A_48, %sign3A_51 : i32
    %ne3A = arith.cmpi ne, %sign3A_45, %sign3A_52 : i32
    %rem3A = arith.remsi %select_n3A_9, %jit3A : i32
    %ne3A_53 = arith.constant 0 : i32
    %ne3A_54 = arith.cmpi ne, %rem3A, %ne3A_53 : i32
    %and3A = arith.andi %ne3A, %ne3A_54 : i1
    %sub3A = arith.constant 1 : i32
    %sub3A_55 = arith.subi %div3A, %sub3A : i32
    %select_n3A_56 = arith.select %and3A, %sub3A_55, %div3A : i32
    %while3A = arith.constant 0 : i32
    %while3A_57 = arith.constant 0 : i32
    %while3A_58 = arith.subi %select_n3A_56, %while3A_57 : i32
    %while3A_59 = arith.addi %while3A_57, %while3A_58 : i32
    %while3A_60 = arith.constant 1 : i32
    %while3A_61 = arith.divsi %while3A_58, %while3A_60 : i32
    %while3A_62 = arith.muli %while3A_61, %while3A_60 : i32
    %while3A_63 = arith.addi %while3A_57, %while3A_62 : i32
    %while3A_64 = arith.constant 1 : i32
    scf.for %while3A_77 = %while3A_57 to %while3A_63 step %while3A_64  : i32 {
      %mul3A_78 = arith.constant 2 : i32
      %mul3A_79 = arith.muli %mul3A_78, %while3A_77 : i32
      %add3A_80 = arith.constant 0 : i32
      %add3A_81 = arith.addi %mul3A_79, %add3A_80 : i32
      %add3A_82 = arith.constant 1 : i32
      %add3A_83 = arith.addi %add3A_81, %add3A_82 : i32
      %lt3A = arith.cmpi slt, %add3A_83, %select_n3A_9 : i32
      %convert_element_type3A = arith.extui %lt3A : i1 to i32
      %cond3A = arith.constant 0 : i32
      %cond3A_84 = arith.cmpi ne, %convert_element_type3A, %cond3A : i32
      scf.if %cond3A_84 {
        %add3A_121 = arith.addi %select_n3A, %add3A_81 : i32
        %add3A_122 = arith.constant 1 : i32
        %add3A_123 = arith.addi %add3A_121, %add3A_122 : i32
        %dma_wait3A_124 = arith.constant 0 : i32
        %dma_wait3A_125 = arith.constant 0 : i32
        %dma_wait3A_126 = tpu.memref_slice %arg2[%add3A_123, %dma_wait3A_124, %dma_wait3A_125] : memref<2560x2x128xi32, #tpu.memory_space<hbm>> -> memref<1x2x128xi32, #tpu.memory_space<hbm>>
        %dma_wait3A_127 = tpu.memref_squeeze %dma_wait3A_126 : memref<1x2x128xi32, #tpu.memory_space<hbm>> -> memref<2x128xi32, #tpu.memory_space<hbm>>
        %dma_wait3A_128 = arith.constant 0 : i32
        %dma_wait3A_129 = arith.constant 0 : i32
        %dma_wait3A_130 = tpu.memref_slice %arg2[%add3A_123, %dma_wait3A_128, %dma_wait3A_129] : memref<2560x2x128xi32, #tpu.memory_space<hbm>> -> memref<1x2x128xi32, #tpu.memory_space<hbm>>
        %dma_wait3A_131 = tpu.memref_squeeze %dma_wait3A_130 : memref<1x2x128xi32, #tpu.memory_space<hbm>> -> memref<2x128xi32, #tpu.memory_space<hbm>>
        tpu.wait_dma2 semaphore(%arg14 : memref<!tpu.dma_semaphore, #tpu.memory_space<semaphore_mem>>) src(%dma_wait3A_131 : memref<2x128xi32, #tpu.memory_space<hbm>>) dst(%arg6 : memref<2x128xi32, #tpu.memory_space<vmem>>)
        %dma_start3A_132 = arith.constant 0 : i32
        %dma_start3A_133 = arith.constant 0 : i32
        %dma_start3A_134 = tpu.memref_slice %arg6[%dma_start3A_132, %dma_start3A_133] : memref<2x128xi32, #tpu.memory_space<vmem>> -> memref<1x128xi32, #tpu.memory_space<vmem>>
        %dma_start3A_135 = tpu.memref_squeeze %dma_start3A_134 : memref<1x128xi32, #tpu.memory_space<vmem>> -> memref<128xi32, #tpu.memory_space<vmem>>
        %dma_start3A_136 = arith.constant 0 : i32
        %dma_start3A_137 = arith.constant 0 : i32
        %dma_start3A_138 = tpu.memref_slice %arg3[%dma_start3A_136, %dma_start3A_137] : memref<10000x128xf32, #tpu.memory_space<hbm>> -> memref<10000x128xf32, #tpu.memory_space<hbm>>
        tpu.enqueue_indirect_dma source(%dma_start3A_138 : memref<10000x128xf32, #tpu.memory_space<hbm>>) target(%arg8 : memref<128x128xf32, #tpu.memory_space<vmem>>) offsets(%dma_start3A_135 : memref<128xi32, #tpu.memory_space<vmem>>) semaphore(%arg12 : memref<!tpu.dma_semaphore, #tpu.memory_space<semaphore_mem>>)
      } else {
      }
      %dma_wait3A = arith.constant 0 : i32
      %dma_wait3A_85 = arith.constant 0 : i32
      %dma_wait3A_86 = tpu.memref_slice %arg5[%dma_wait3A, %dma_wait3A_85] : memref<2x128xi32, #tpu.memory_space<vmem>> -> memref<1x128xi32, #tpu.memory_space<vmem>>
      %dma_wait3A_87 = tpu.memref_squeeze %dma_wait3A_86 : memref<1x128xi32, #tpu.memory_space<vmem>> -> memref<128xi32, #tpu.memory_space<vmem>>
      %dma_wait3A_88 = arith.constant 0 : i32
      %dma_wait3A_89 = arith.constant 0 : i32
      %dma_wait3A_90 = tpu.memref_slice %arg3[%dma_wait3A_88, %dma_wait3A_89] : memref<10000x128xf32, #tpu.memory_space<hbm>> -> memref<10000x128xf32, #tpu.memory_space<hbm>>
      tpu.wait_indirect_dma semaphore(%arg11 : memref<!tpu.dma_semaphore, #tpu.memory_space<semaphore_mem>>) src(%dma_wait3A_90 : memref<10000x128xf32, #tpu.memory_space<hbm>>) dst(%arg7 : memref<128x128xf32, #tpu.memory_space<vmem>>)
      %run_scoped3A = arith.constant 1 : i32
      "tpu.region"() ({
        %run_scoped3A_121 = tpu.sem_alloc : memref<!tpu.dma_semaphore, #tpu.memory_space<semaphore_mem>>
        %dma_start3A_122 = arith.constant 0 : i32
        %dma_start3A_123 = tpu.memref_slice %arg5[%run_scoped3A, %dma_start3A_122] : memref<2x128xi32, #tpu.memory_space<vmem>> -> memref<1x128xi32, #tpu.memory_space<vmem>>
        %dma_start3A_124 = tpu.memref_squeeze %dma_start3A_123 : memref<1x128xi32, #tpu.memory_space<vmem>> -> memref<128xi32, #tpu.memory_space<vmem>>
        %dma_start3A_125 = arith.constant 0 : i32
        %dma_start3A_126 = arith.constant 0 : i32
        %dma_start3A_127 = tpu.memref_slice %arg10[%dma_start3A_125, %dma_start3A_126] : memref<10240x128xf32, #tpu.memory_space<vmem_shared>> -> memref<10240x128xf32, #tpu.memory_space<vmem_shared>>
        tpu.enqueue_indirect_dma source(%arg7 : memref<128x128xf32, #tpu.memory_space<vmem>>) target(%dma_start3A_127 : memref<10240x128xf32, #tpu.memory_space<vmem_shared>>) offsets(%dma_start3A_124 : memref<128xi32, #tpu.memory_space<vmem>>) semaphore(%run_scoped3A_121 : memref<!tpu.dma_semaphore, #tpu.memory_space<semaphore_mem>>) {add = true}
        %dma_wait3A_128 = arith.constant 0 : i32
        %dma_wait3A_129 = tpu.memref_slice %arg5[%run_scoped3A, %dma_wait3A_128] : memref<2x128xi32, #tpu.memory_space<vmem>> -> memref<1x128xi32, #tpu.memory_space<vmem>>
        %dma_wait3A_130 = tpu.memref_squeeze %dma_wait3A_129 : memref<1x128xi32, #tpu.memory_space<vmem>> -> memref<128xi32, #tpu.memory_space<vmem>>
        %dma_wait3A_131 = arith.constant 0 : i32
        %dma_wait3A_132 = arith.constant 0 : i32
        %dma_wait3A_133 = tpu.memref_slice %arg10[%dma_wait3A_131, %dma_wait3A_132] : memref<10240x128xf32, #tpu.memory_space<vmem_shared>> -> memref<10240x128xf32, #tpu.memory_space<vmem_shared>>
        tpu.wait_indirect_dma semaphore(%run_scoped3A_121 : memref<!tpu.dma_semaphore, #tpu.memory_space<semaphore_mem>>) src(%arg7 : memref<128x128xf32, #tpu.memory_space<vmem>>) dst(%dma_wait3A_133 : memref<10240x128xf32, #tpu.memory_space<vmem_shared>>)
        tpu.yield
      }) : () -> ()
      %add3A_91 = arith.constant 2 : i32
      %add3A_92 = arith.addi %add3A_81, %add3A_91 : i32
      %lt3A_93 = arith.cmpi slt, %add3A_92, %select_n3A_9 : i32
      %convert_element_type3A_94 = arith.extui %lt3A_93 : i1 to i32
      %cond3A_95 = arith.constant 0 : i32
      %cond3A_96 = arith.cmpi ne, %convert_element_type3A_94, %cond3A_95 : i32
      scf.if %cond3A_96 {
        %add3A_121 = arith.addi %select_n3A, %add3A_81 : i32
        %add3A_122 = arith.constant 2 : i32
        %add3A_123 = arith.addi %add3A_121, %add3A_122 : i32
        %dma_start3A_124 = arith.constant 0 : i32
        %dma_start3A_125 = arith.constant 0 : i32
        %dma_start3A_126 = tpu.memref_slice %arg2[%add3A_123, %dma_start3A_124, %dma_start3A_125] : memref<2560x2x128xi32, #tpu.memory_space<hbm>> -> memref<1x2x128xi32, #tpu.memory_space<hbm>>
        %dma_start3A_127 = tpu.memref_squeeze %dma_start3A_126 : memref<1x2x128xi32, #tpu.memory_space<hbm>> -> memref<2x128xi32, #tpu.memory_space<hbm>>
        %dma_start3A_128 = arith.constant 0 : i32
        %dma_start3A_129 = arith.constant 0 : i32
        %dma_start3A_130 = tpu.memref_slice %arg2[%add3A_123, %dma_start3A_128, %dma_start3A_129] : memref<2560x2x128xi32, #tpu.memory_space<hbm>> -> memref<1x2x128xi32, #tpu.memory_space<hbm>>
        %dma_start3A_131 = tpu.memref_squeeze %dma_start3A_130 : memref<1x2x128xi32, #tpu.memory_space<hbm>> -> memref<2x128xi32, #tpu.memory_space<hbm>>
        tpu.enqueue_dma source(%dma_start3A_131 : memref<2x128xi32, #tpu.memory_space<hbm>>) target(%arg5 : memref<2x128xi32, #tpu.memory_space<vmem>>) target_semaphore(%arg13 : memref<!tpu.dma_semaphore, #tpu.memory_space<semaphore_mem>>)
      } else {
      }
      %mul3A_97 = arith.constant 2 : i32
      %mul3A_98 = arith.muli %mul3A_97, %while3A_77 : i32
      %add3A_99 = arith.constant 1 : i32
      %add3A_100 = arith.addi %mul3A_98, %add3A_99 : i32
      %add3A_101 = arith.constant 1 : i32
      %add3A_102 = arith.addi %add3A_100, %add3A_101 : i32
      %lt3A_103 = arith.cmpi slt, %add3A_102, %select_n3A_9 : i32
      %convert_element_type3A_104 = arith.extui %lt3A_103 : i1 to i32
      %cond3A_105 = arith.constant 0 : i32
      %cond3A_106 = arith.cmpi ne, %convert_element_type3A_104, %cond3A_105 : i32
      scf.if %cond3A_106 {
        %add3A_121 = arith.addi %select_n3A, %add3A_100 : i32
        %add3A_122 = arith.constant 1 : i32
        %add3A_123 = arith.addi %add3A_121, %add3A_122 : i32
        %dma_wait3A_124 = arith.constant 0 : i32
        %dma_wait3A_125 = arith.constant 0 : i32
        %dma_wait3A_126 = tpu.memref_slice %arg2[%add3A_123, %dma_wait3A_124, %dma_wait3A_125] : memref<2560x2x128xi32, #tpu.memory_space<hbm>> -> memref<1x2x128xi32, #tpu.memory_space<hbm>>
        %dma_wait3A_127 = tpu.memref_squeeze %dma_wait3A_126 : memref<1x2x128xi32, #tpu.memory_space<hbm>> -> memref<2x128xi32, #tpu.memory_space<hbm>>
        %dma_wait3A_128 = arith.constant 0 : i32
        %dma_wait3A_129 = arith.constant 0 : i32
        %dma_wait3A_130 = tpu.memref_slice %arg2[%add3A_123, %dma_wait3A_128, %dma_wait3A_129] : memref<2560x2x128xi32, #tpu.memory_space<hbm>> -> memref<1x2x128xi32, #tpu.memory_space<hbm>>
        %dma_wait3A_131 = tpu.memref_squeeze %dma_wait3A_130 : memref<1x2x128xi32, #tpu.memory_space<hbm>> -> memref<2x128xi32, #tpu.memory_space<hbm>>
        tpu.wait_dma2 semaphore(%arg13 : memref<!tpu.dma_semaphore, #tpu.memory_space<semaphore_mem>>) src(%dma_wait3A_131 : memref<2x128xi32, #tpu.memory_space<hbm>>) dst(%arg5 : memref<2x128xi32, #tpu.memory_space<vmem>>)
        %dma_start3A_132 = arith.constant 0 : i32
        %dma_start3A_133 = arith.constant 0 : i32
        %dma_start3A_134 = tpu.memref_slice %arg5[%dma_start3A_132, %dma_start3A_133] : memref<2x128xi32, #tpu.memory_space<vmem>> -> memref<1x128xi32, #tpu.memory_space<vmem>>
        %dma_start3A_135 = tpu.memref_squeeze %dma_start3A_134 : memref<1x128xi32, #tpu.memory_space<vmem>> -> memref<128xi32, #tpu.memory_space<vmem>>
        %dma_start3A_136 = arith.constant 0 : i32
        %dma_start3A_137 = arith.constant 0 : i32
        %dma_start3A_138 = tpu.memref_slice %arg3[%dma_start3A_136, %dma_start3A_137] : memref<10000x128xf32, #tpu.memory_space<hbm>> -> memref<10000x128xf32, #tpu.memory_space<hbm>>
        tpu.enqueue_indirect_dma source(%dma_start3A_138 : memref<10000x128xf32, #tpu.memory_space<hbm>>) target(%arg7 : memref<128x128xf32, #tpu.memory_space<vmem>>) offsets(%dma_start3A_135 : memref<128xi32, #tpu.memory_space<vmem>>) semaphore(%arg11 : memref<!tpu.dma_semaphore, #tpu.memory_space<semaphore_mem>>)
      } else {
      }
      %dma_wait3A_107 = arith.constant 0 : i32
      %dma_wait3A_108 = arith.constant 0 : i32
      %dma_wait3A_109 = tpu.memref_slice %arg6[%dma_wait3A_107, %dma_wait3A_108] : memref<2x128xi32, #tpu.memory_space<vmem>> -> memref<1x128xi32, #tpu.memory_space<vmem>>
      %dma_wait3A_110 = tpu.memref_squeeze %dma_wait3A_109 : memref<1x128xi32, #tpu.memory_space<vmem>> -> memref<128xi32, #tpu.memory_space<vmem>>
      %dma_wait3A_111 = arith.constant 0 : i32
      %dma_wait3A_112 = arith.constant 0 : i32
      %dma_wait3A_113 = tpu.memref_slice %arg3[%dma_wait3A_111, %dma_wait3A_112] : memref<10000x128xf32, #tpu.memory_space<hbm>> -> memref<10000x128xf32, #tpu.memory_space<hbm>>
      tpu.wait_indirect_dma semaphore(%arg12 : memref<!tpu.dma_semaphore, #tpu.memory_space<semaphore_mem>>) src(%dma_wait3A_113 : memref<10000x128xf32, #tpu.memory_space<hbm>>) dst(%arg8 : memref<128x128xf32, #tpu.memory_space<vmem>>)
      %run_scoped3A_114 = arith.constant 1 : i32
      "tpu.region"() ({
        %run_scoped3A_121 = tpu.sem_alloc : memref<!tpu.dma_semaphore, #tpu.memory_space<semaphore_mem>>
        %dma_start3A_122 = arith.constant 0 : i32
        %dma_start3A_123 = tpu.memref_slice %arg6[%run_scoped3A_114, %dma_start3A_122] : memref<2x128xi32, #tpu.memory_space<vmem>> -> memref<1x128xi32, #tpu.memory_space<vmem>>
        %dma_start3A_124 = tpu.memref_squeeze %dma_start3A_123 : memref<1x128xi32, #tpu.memory_space<vmem>> -> memref<128xi32, #tpu.memory_space<vmem>>
        %dma_start3A_125 = arith.constant 0 : i32
        %dma_start3A_126 = arith.constant 0 : i32
        %dma_start3A_127 = tpu.memref_slice %arg10[%dma_start3A_125, %dma_start3A_126] : memref<10240x128xf32, #tpu.memory_space<vmem_shared>> -> memref<10240x128xf32, #tpu.memory_space<vmem_shared>>
        tpu.enqueue_indirect_dma source(%arg8 : memref<128x128xf32, #tpu.memory_space<vmem>>) target(%dma_start3A_127 : memref<10240x128xf32, #tpu.memory_space<vmem_shared>>) offsets(%dma_start3A_124 : memref<128xi32, #tpu.memory_space<vmem>>) semaphore(%run_scoped3A_121 : memref<!tpu.dma_semaphore, #tpu.memory_space<semaphore_mem>>) {add = true}
        %dma_wait3A_128 = arith.constant 0 : i32
        %dma_wait3A_129 = tpu.memref_slice %arg6[%run_scoped3A_114, %dma_wait3A_128] : memref<2x128xi32, #tpu.memory_space<vmem>> -> memref<1x128xi32, #tpu.memory_space<vmem>>
        %dma_wait3A_130 = tpu.memref_squeeze %dma_wait3A_129 : memref<1x128xi32, #tpu.memory_space<vmem>> -> memref<128xi32, #tpu.memory_space<vmem>>
        %dma_wait3A_131 = arith.constant 0 : i32
        %dma_wait3A_132 = arith.constant 0 : i32
        %dma_wait3A_133 = tpu.memref_slice %arg10[%dma_wait3A_131, %dma_wait3A_132] : memref<10240x128xf32, #tpu.memory_space<vmem_shared>> -> memref<10240x128xf32, #tpu.memory_space<vmem_shared>>
        tpu.wait_indirect_dma semaphore(%run_scoped3A_121 : memref<!tpu.dma_semaphore, #tpu.memory_space<semaphore_mem>>) src(%arg8 : memref<128x128xf32, #tpu.memory_space<vmem>>) dst(%dma_wait3A_133 : memref<10240x128xf32, #tpu.memory_space<vmem_shared>>)
        tpu.yield
      }) : () -> ()
      %add3A_115 = arith.constant 2 : i32
      %add3A_116 = arith.addi %add3A_100, %add3A_115 : i32
      %lt3A_117 = arith.cmpi slt, %add3A_116, %select_n3A_9 : i32
      %convert_element_type3A_118 = arith.extui %lt3A_117 : i1 to i32
      %cond3A_119 = arith.constant 0 : i32
      %cond3A_120 = arith.cmpi ne, %convert_element_type3A_118, %cond3A_119 : i32
      scf.if %cond3A_120 {
        %add3A_121 = arith.addi %select_n3A, %add3A_100 : i32
        %add3A_122 = arith.constant 2 : i32
        %add3A_123 = arith.addi %add3A_121, %add3A_122 : i32
        %dma_start3A_124 = arith.constant 0 : i32
        %dma_start3A_125 = arith.constant 0 : i32
        %dma_start3A_126 = tpu.memref_slice %arg2[%add3A_123, %dma_start3A_124, %dma_start3A_125] : memref<2560x2x128xi32, #tpu.memory_space<hbm>> -> memref<1x2x128xi32, #tpu.memory_space<hbm>>
        %dma_start3A_127 = tpu.memref_squeeze %dma_start3A_126 : memref<1x2x128xi32, #tpu.memory_space<hbm>> -> memref<2x128xi32, #tpu.memory_space<hbm>>
        %dma_start3A_128 = arith.constant 0 : i32
        %dma_start3A_129 = arith.constant 0 : i32
        %dma_start3A_130 = tpu.memref_slice %arg2[%add3A_123, %dma_start3A_128, %dma_start3A_129] : memref<2560x2x128xi32, #tpu.memory_space<hbm>> -> memref<1x2x128xi32, #tpu.memory_space<hbm>>
        %dma_start3A_131 = tpu.memref_squeeze %dma_start3A_130 : memref<1x2x128xi32, #tpu.memory_space<hbm>> -> memref<2x128xi32, #tpu.memory_space<hbm>>
        tpu.enqueue_dma source(%dma_start3A_131 : memref<2x128xi32, #tpu.memory_space<hbm>>) target(%arg6 : memref<2x128xi32, #tpu.memory_space<vmem>>) target_semaphore(%arg14 : memref<!tpu.dma_semaphore, #tpu.memory_space<semaphore_mem>>)
      } else {
      }
    }
    %while3A_65 = arith.constant 1 : i32
    scf.for %while3A_77 = %while3A_63 to %while3A_59 step %while3A_65  : i32 {
      %mul3A_78 = arith.constant 2 : i32
      %mul3A_79 = arith.muli %mul3A_78, %while3A_77 : i32
      %add3A_80 = arith.constant 0 : i32
      %add3A_81 = arith.addi %mul3A_79, %add3A_80 : i32
      %add3A_82 = arith.constant 1 : i32
      %add3A_83 = arith.addi %add3A_81, %add3A_82 : i32
      %lt3A = arith.cmpi slt, %add3A_83, %select_n3A_9 : i32
      %convert_element_type3A = arith.extui %lt3A : i1 to i32
      %cond3A = arith.constant 0 : i32
      %cond3A_84 = arith.cmpi ne, %convert_element_type3A, %cond3A : i32
      scf.if %cond3A_84 {
        %add3A_121 = arith.addi %select_n3A, %add3A_81 : i32
        %add3A_122 = arith.constant 1 : i32
        %add3A_123 = arith.addi %add3A_121, %add3A_122 : i32
        %dma_wait3A_124 = arith.constant 0 : i32
        %dma_wait3A_125 = arith.constant 0 : i32
        %dma_wait3A_126 = tpu.memref_slice %arg2[%add3A_123, %dma_wait3A_124, %dma_wait3A_125] : memref<2560x2x128xi32, #tpu.memory_space<hbm>> -> memref<1x2x128xi32, #tpu.memory_space<hbm>>
        %dma_wait3A_127 = tpu.memref_squeeze %dma_wait3A_126 : memref<1x2x128xi32, #tpu.memory_space<hbm>> -> memref<2x128xi32, #tpu.memory_space<hbm>>
        %dma_wait3A_128 = arith.constant 0 : i32
        %dma_wait3A_129 = arith.constant 0 : i32
        %dma_wait3A_130 = tpu.memref_slice %arg2[%add3A_123, %dma_wait3A_128, %dma_wait3A_129] : memref<2560x2x128xi32, #tpu.memory_space<hbm>> -> memref<1x2x128xi32, #tpu.memory_space<hbm>>
        %dma_wait3A_131 = tpu.memref_squeeze %dma_wait3A_130 : memref<1x2x128xi32, #tpu.memory_space<hbm>> -> memref<2x128xi32, #tpu.memory_space<hbm>>
        tpu.wait_dma2 semaphore(%arg14 : memref<!tpu.dma_semaphore, #tpu.memory_space<semaphore_mem>>) src(%dma_wait3A_131 : memref<2x128xi32, #tpu.memory_space<hbm>>) dst(%arg6 : memref<2x128xi32, #tpu.memory_space<vmem>>)
        %dma_start3A_132 = arith.constant 0 : i32
        %dma_start3A_133 = arith.constant 0 : i32
        %dma_start3A_134 = tpu.memref_slice %arg6[%dma_start3A_132, %dma_start3A_133] : memref<2x128xi32, #tpu.memory_space<vmem>> -> memref<1x128xi32, #tpu.memory_space<vmem>>
        %dma_start3A_135 = tpu.memref_squeeze %dma_start3A_134 : memref<1x128xi32, #tpu.memory_space<vmem>> -> memref<128xi32, #tpu.memory_space<vmem>>
        %dma_start3A_136 = arith.constant 0 : i32
        %dma_start3A_137 = arith.constant 0 : i32
        %dma_start3A_138 = tpu.memref_slice %arg3[%dma_start3A_136, %dma_start3A_137] : memref<10000x128xf32, #tpu.memory_space<hbm>> -> memref<10000x128xf32, #tpu.memory_space<hbm>>
        tpu.enqueue_indirect_dma source(%dma_start3A_138 : memref<10000x128xf32, #tpu.memory_space<hbm>>) target(%arg8 : memref<128x128xf32, #tpu.memory_space<vmem>>) offsets(%dma_start3A_135 : memref<128xi32, #tpu.memory_space<vmem>>) semaphore(%arg12 : memref<!tpu.dma_semaphore, #tpu.memory_space<semaphore_mem>>)
      } else {
      }
      %dma_wait3A = arith.constant 0 : i32
      %dma_wait3A_85 = arith.constant 0 : i32
      %dma_wait3A_86 = tpu.memref_slice %arg5[%dma_wait3A, %dma_wait3A_85] : memref<2x128xi32, #tpu.memory_space<vmem>> -> memref<1x128xi32, #tpu.memory_space<vmem>>
      %dma_wait3A_87 = tpu.memref_squeeze %dma_wait3A_86 : memref<1x128xi32, #tpu.memory_space<vmem>> -> memref<128xi32, #tpu.memory_space<vmem>>
      %dma_wait3A_88 = arith.constant 0 : i32
      %dma_wait3A_89 = arith.constant 0 : i32
      %dma_wait3A_90 = tpu.memref_slice %arg3[%dma_wait3A_88, %dma_wait3A_89] : memref<10000x128xf32, #tpu.memory_space<hbm>> -> memref<10000x128xf32, #tpu.memory_space<hbm>>
      tpu.wait_indirect_dma semaphore(%arg11 : memref<!tpu.dma_semaphore, #tpu.memory_space<semaphore_mem>>) src(%dma_wait3A_90 : memref<10000x128xf32, #tpu.memory_space<hbm>>) dst(%arg7 : memref<128x128xf32, #tpu.memory_space<vmem>>)
      %run_scoped3A = arith.constant 1 : i32
      "tpu.region"() ({
        %run_scoped3A_121 = tpu.sem_alloc : memref<!tpu.dma_semaphore, #tpu.memory_space<semaphore_mem>>
        %dma_start3A_122 = arith.constant 0 : i32
        %dma_start3A_123 = tpu.memref_slice %arg5[%run_scoped3A, %dma_start3A_122] : memref<2x128xi32, #tpu.memory_space<vmem>> -> memref<1x128xi32, #tpu.memory_space<vmem>>
        %dma_start3A_124 = tpu.memref_squeeze %dma_start3A_123 : memref<1x128xi32, #tpu.memory_space<vmem>> -> memref<128xi32, #tpu.memory_space<vmem>>
        %dma_start3A_125 = arith.constant 0 : i32
        %dma_start3A_126 = arith.constant 0 : i32
        %dma_start3A_127 = tpu.memref_slice %arg10[%dma_start3A_125, %dma_start3A_126] : memref<10240x128xf32, #tpu.memory_space<vmem_shared>> -> memref<10240x128xf32, #tpu.memory_space<vmem_shared>>
        tpu.enqueue_indirect_dma source(%arg7 : memref<128x128xf32, #tpu.memory_space<vmem>>) target(%dma_start3A_127 : memref<10240x128xf32, #tpu.memory_space<vmem_shared>>) offsets(%dma_start3A_124 : memref<128xi32, #tpu.memory_space<vmem>>) semaphore(%run_scoped3A_121 : memref<!tpu.dma_semaphore, #tpu.memory_space<semaphore_mem>>) {add = true}
        %dma_wait3A_128 = arith.constant 0 : i32
        %dma_wait3A_129 = tpu.memref_slice %arg5[%run_scoped3A, %dma_wait3A_128] : memref<2x128xi32, #tpu.memory_space<vmem>> -> memref<1x128xi32, #tpu.memory_space<vmem>>
        %dma_wait3A_130 = tpu.memref_squeeze %dma_wait3A_129 : memref<1x128xi32, #tpu.memory_space<vmem>> -> memref<128xi32, #tpu.memory_space<vmem>>
        %dma_wait3A_131 = arith.constant 0 : i32
        %dma_wait3A_132 = arith.constant 0 : i32
        %dma_wait3A_133 = tpu.memref_slice %arg10[%dma_wait3A_131, %dma_wait3A_132] : memref<10240x128xf32, #tpu.memory_space<vmem_shared>> -> memref<10240x128xf32, #tpu.memory_space<vmem_shared>>
        tpu.wait_indirect_dma semaphore(%run_scoped3A_121 : memref<!tpu.dma_semaphore, #tpu.memory_space<semaphore_mem>>) src(%arg7 : memref<128x128xf32, #tpu.memory_space<vmem>>) dst(%dma_wait3A_133 : memref<10240x128xf32, #tpu.memory_space<vmem_shared>>)
        tpu.yield
      }) : () -> ()
      %add3A_91 = arith.constant 2 : i32
      %add3A_92 = arith.addi %add3A_81, %add3A_91 : i32
      %lt3A_93 = arith.cmpi slt, %add3A_92, %select_n3A_9 : i32
      %convert_element_type3A_94 = arith.extui %lt3A_93 : i1 to i32
      %cond3A_95 = arith.constant 0 : i32
      %cond3A_96 = arith.cmpi ne, %convert_element_type3A_94, %cond3A_95 : i32
      scf.if %cond3A_96 {
        %add3A_121 = arith.addi %select_n3A, %add3A_81 : i32
        %add3A_122 = arith.constant 2 : i32
        %add3A_123 = arith.addi %add3A_121, %add3A_122 : i32
        %dma_start3A_124 = arith.constant 0 : i32
        %dma_start3A_125 = arith.constant 0 : i32
        %dma_start3A_126 = tpu.memref_slice %arg2[%add3A_123, %dma_start3A_124, %dma_start3A_125] : memref<2560x2x128xi32, #tpu.memory_space<hbm>> -> memref<1x2x128xi32, #tpu.memory_space<hbm>>
        %dma_start3A_127 = tpu.memref_squeeze %dma_start3A_126 : memref<1x2x128xi32, #tpu.memory_space<hbm>> -> memref<2x128xi32, #tpu.memory_space<hbm>>
        %dma_start3A_128 = arith.constant 0 : i32
        %dma_start3A_129 = arith.constant 0 : i32
        %dma_start3A_130 = tpu.memref_slice %arg2[%add3A_123, %dma_start3A_128, %dma_start3A_129] : memref<2560x2x128xi32, #tpu.memory_space<hbm>> -> memref<1x2x128xi32, #tpu.memory_space<hbm>>
        %dma_start3A_131 = tpu.memref_squeeze %dma_start3A_130 : memref<1x2x128xi32, #tpu.memory_space<hbm>> -> memref<2x128xi32, #tpu.memory_space<hbm>>
        tpu.enqueue_dma source(%dma_start3A_131 : memref<2x128xi32, #tpu.memory_space<hbm>>) target(%arg5 : memref<2x128xi32, #tpu.memory_space<vmem>>) target_semaphore(%arg13 : memref<!tpu.dma_semaphore, #tpu.memory_space<semaphore_mem>>)
      } else {
      }
      %mul3A_97 = arith.constant 2 : i32
      %mul3A_98 = arith.muli %mul3A_97, %while3A_77 : i32
      %add3A_99 = arith.constant 1 : i32
      %add3A_100 = arith.addi %mul3A_98, %add3A_99 : i32
      %add3A_101 = arith.constant 1 : i32
      %add3A_102 = arith.addi %add3A_100, %add3A_101 : i32
      %lt3A_103 = arith.cmpi slt, %add3A_102, %select_n3A_9 : i32
      %convert_element_type3A_104 = arith.extui %lt3A_103 : i1 to i32
      %cond3A_105 = arith.constant 0 : i32
      %cond3A_106 = arith.cmpi ne, %convert_element_type3A_104, %cond3A_105 : i32
      scf.if %cond3A_106 {
        %add3A_121 = arith.addi %select_n3A, %add3A_100 : i32
        %add3A_122 = arith.constant 1 : i32
        %add3A_123 = arith.addi %add3A_121, %add3A_122 : i32
        %dma_wait3A_124 = arith.constant 0 : i32
        %dma_wait3A_125 = arith.constant 0 : i32
        %dma_wait3A_126 = tpu.memref_slice %arg2[%add3A_123, %dma_wait3A_124, %dma_wait3A_125] : memref<2560x2x128xi32, #tpu.memory_space<hbm>> -> memref<1x2x128xi32, #tpu.memory_space<hbm>>
        %dma_wait3A_127 = tpu.memref_squeeze %dma_wait3A_126 : memref<1x2x128xi32, #tpu.memory_space<hbm>> -> memref<2x128xi32, #tpu.memory_space<hbm>>
        %dma_wait3A_128 = arith.constant 0 : i32
        %dma_wait3A_129 = arith.constant 0 : i32
        %dma_wait3A_130 = tpu.memref_slice %arg2[%add3A_123, %dma_wait3A_128, %dma_wait3A_129] : memref<2560x2x128xi32, #tpu.memory_space<hbm>> -> memref<1x2x128xi32, #tpu.memory_space<hbm>>
        %dma_wait3A_131 = tpu.memref_squeeze %dma_wait3A_130 : memref<1x2x128xi32, #tpu.memory_space<hbm>> -> memref<2x128xi32, #tpu.memory_space<hbm>>
        tpu.wait_dma2 semaphore(%arg13 : memref<!tpu.dma_semaphore, #tpu.memory_space<semaphore_mem>>) src(%dma_wait3A_131 : memref<2x128xi32, #tpu.memory_space<hbm>>) dst(%arg5 : memref<2x128xi32, #tpu.memory_space<vmem>>)
        %dma_start3A_132 = arith.constant 0 : i32
        %dma_start3A_133 = arith.constant 0 : i32
        %dma_start3A_134 = tpu.memref_slice %arg5[%dma_start3A_132, %dma_start3A_133] : memref<2x128xi32, #tpu.memory_space<vmem>> -> memref<1x128xi32, #tpu.memory_space<vmem>>
        %dma_start3A_135 = tpu.memref_squeeze %dma_start3A_134 : memref<1x128xi32, #tpu.memory_space<vmem>> -> memref<128xi32, #tpu.memory_space<vmem>>
        %dma_start3A_136 = arith.constant 0 : i32
        %dma_start3A_137 = arith.constant 0 : i32
        %dma_start3A_138 = tpu.memref_slice %arg3[%dma_start3A_136, %dma_start3A_137] : memref<10000x128xf32, #tpu.memory_space<hbm>> -> memref<10000x128xf32, #tpu.memory_space<hbm>>
        tpu.enqueue_indirect_dma source(%dma_start3A_138 : memref<10000x128xf32, #tpu.memory_space<hbm>>) target(%arg7 : memref<128x128xf32, #tpu.memory_space<vmem>>) offsets(%dma_start3A_135 : memref<128xi32, #tpu.memory_space<vmem>>) semaphore(%arg11 : memref<!tpu.dma_semaphore, #tpu.memory_space<semaphore_mem>>)
      } else {
      }
      %dma_wait3A_107 = arith.constant 0 : i32
      %dma_wait3A_108 = arith.constant 0 : i32
      %dma_wait3A_109 = tpu.memref_slice %arg6[%dma_wait3A_107, %dma_wait3A_108] : memref<2x128xi32, #tpu.memory_space<vmem>> -> memref<1x128xi32, #tpu.memory_space<vmem>>
      %dma_wait3A_110 = tpu.memref_squeeze %dma_wait3A_109 : memref<1x128xi32, #tpu.memory_space<vmem>> -> memref<128xi32, #tpu.memory_space<vmem>>
      %dma_wait3A_111 = arith.constant 0 : i32
      %dma_wait3A_112 = arith.constant 0 : i32
      %dma_wait3A_113 = tpu.memref_slice %arg3[%dma_wait3A_111, %dma_wait3A_112] : memref<10000x128xf32, #tpu.memory_space<hbm>> -> memref<10000x128xf32, #tpu.memory_space<hbm>>
      tpu.wait_indirect_dma semaphore(%arg12 : memref<!tpu.dma_semaphore, #tpu.memory_space<semaphore_mem>>) src(%dma_wait3A_113 : memref<10000x128xf32, #tpu.memory_space<hbm>>) dst(%arg8 : memref<128x128xf32, #tpu.memory_space<vmem>>)
      %run_scoped3A_114 = arith.constant 1 : i32
      "tpu.region"() ({
        %run_scoped3A_121 = tpu.sem_alloc : memref<!tpu.dma_semaphore, #tpu.memory_space<semaphore_mem>>
        %dma_start3A_122 = arith.constant 0 : i32
        %dma_start3A_123 = tpu.memref_slice %arg6[%run_scoped3A_114, %dma_start3A_122] : memref<2x128xi32, #tpu.memory_space<vmem>> -> memref<1x128xi32, #tpu.memory_space<vmem>>
        %dma_start3A_124 = tpu.memref_squeeze %dma_start3A_123 : memref<1x128xi32, #tpu.memory_space<vmem>> -> memref<128xi32, #tpu.memory_space<vmem>>
        %dma_start3A_125 = arith.constant 0 : i32
        %dma_start3A_126 = arith.constant 0 : i32
        %dma_start3A_127 = tpu.memref_slice %arg10[%dma_start3A_125, %dma_start3A_126] : memref<10240x128xf32, #tpu.memory_space<vmem_shared>> -> memref<10240x128xf32, #tpu.memory_space<vmem_shared>>
        tpu.enqueue_indirect_dma source(%arg8 : memref<128x128xf32, #tpu.memory_space<vmem>>) target(%dma_start3A_127 : memref<10240x128xf32, #tpu.memory_space<vmem_shared>>) offsets(%dma_start3A_124 : memref<128xi32, #tpu.memory_space<vmem>>) semaphore(%run_scoped3A_121 : memref<!tpu.dma_semaphore, #tpu.memory_space<semaphore_mem>>) {add = true}
        %dma_wait3A_128 = arith.constant 0 : i32
        %dma_wait3A_129 = tpu.memref_slice %arg6[%run_scoped3A_114, %dma_wait3A_128] : memref<2x128xi32, #tpu.memory_space<vmem>> -> memref<1x128xi32, #tpu.memory_space<vmem>>
        %dma_wait3A_130 = tpu.memref_squeeze %dma_wait3A_129 : memref<1x128xi32, #tpu.memory_space<vmem>> -> memref<128xi32, #tpu.memory_space<vmem>>
        %dma_wait3A_131 = arith.constant 0 : i32
        %dma_wait3A_132 = arith.constant 0 : i32
        %dma_wait3A_133 = tpu.memref_slice %arg10[%dma_wait3A_131, %dma_wait3A_132] : memref<10240x128xf32, #tpu.memory_space<vmem_shared>> -> memref<10240x128xf32, #tpu.memory_space<vmem_shared>>
        tpu.wait_indirect_dma semaphore(%run_scoped3A_121 : memref<!tpu.dma_semaphore, #tpu.memory_space<semaphore_mem>>) src(%arg8 : memref<128x128xf32, #tpu.memory_space<vmem>>) dst(%dma_wait3A_133 : memref<10240x128xf32, #tpu.memory_space<vmem_shared>>)
        tpu.yield
      }) : () -> ()
      %add3A_115 = arith.constant 2 : i32
      %add3A_116 = arith.addi %add3A_100, %add3A_115 : i32
      %lt3A_117 = arith.cmpi slt, %add3A_116, %select_n3A_9 : i32
      %convert_element_type3A_118 = arith.extui %lt3A_117 : i1 to i32
      %cond3A_119 = arith.constant 0 : i32
      %cond3A_120 = arith.cmpi ne, %convert_element_type3A_118, %cond3A_119 : i32
      scf.if %cond3A_120 {
        %add3A_121 = arith.addi %select_n3A, %add3A_100 : i32
        %add3A_122 = arith.constant 2 : i32
        %add3A_123 = arith.addi %add3A_121, %add3A_122 : i32
        %dma_start3A_124 = arith.constant 0 : i32
        %dma_start3A_125 = arith.constant 0 : i32
        %dma_start3A_126 = tpu.memref_slice %arg2[%add3A_123, %dma_start3A_124, %dma_start3A_125] : memref<2560x2x128xi32, #tpu.memory_space<hbm>> -> memref<1x2x128xi32, #tpu.memory_space<hbm>>
        %dma_start3A_127 = tpu.memref_squeeze %dma_start3A_126 : memref<1x2x128xi32, #tpu.memory_space<hbm>> -> memref<2x128xi32, #tpu.memory_space<hbm>>
        %dma_start3A_128 = arith.constant 0 : i32
        %dma_start3A_129 = arith.constant 0 : i32
        %dma_start3A_130 = tpu.memref_slice %arg2[%add3A_123, %dma_start3A_128, %dma_start3A_129] : memref<2560x2x128xi32, #tpu.memory_space<hbm>> -> memref<1x2x128xi32, #tpu.memory_space<hbm>>
        %dma_start3A_131 = tpu.memref_squeeze %dma_start3A_130 : memref<1x2x128xi32, #tpu.memory_space<hbm>> -> memref<2x128xi32, #tpu.memory_space<hbm>>
        tpu.enqueue_dma source(%dma_start3A_131 : memref<2x128xi32, #tpu.memory_space<hbm>>) target(%arg6 : memref<2x128xi32, #tpu.memory_space<vmem>>) target_semaphore(%arg14 : memref<!tpu.dma_semaphore, #tpu.memory_space<semaphore_mem>>)
      } else {
      }
    }
    %barrier3A_66 = arith.constant 0 : index
    tpu.barrier barrier_id(%barrier3A_66)
    "tpu.trace_stop"() : () -> ()
    "tpu.trace_start"() <{level = 10 : i32, message = "agg_copyout"}> : () -> ()
    %add3A_67 = arith.constant 0 : i32
    %add3A_68 = arith.addi %mul3A_17, %add3A_67 : i32
    "tpu.region"() ({
      %run_scoped3A = tpu.sem_alloc : memref<!tpu.dma_semaphore, #tpu.memory_space<semaphore_mem>>
      %dma_start3A_77 = arith.constant 0 : i32
      %dma_start3A_78 = tpu.memref_slice %arg4[%arg0, %add3A_68, %dma_start3A_77] : memref<2x10240x128xf32, #tpu.memory_space<hbm>> -> memref<1x128x128xf32, #tpu.memory_space<hbm>>
      %dma_start3A_79 = tpu.memref_squeeze %dma_start3A_78 : memref<1x128x128xf32, #tpu.memory_space<hbm>> -> memref<128x128xf32, #tpu.memory_space<hbm>>
      %dma_start3A_80 = arith.constant 0 : i32
      %dma_start3A_81 = tpu.memref_slice %arg10[%add3A_68, %dma_start3A_80] : memref<10240x128xf32, #tpu.memory_space<vmem_shared>> -> memref<128x128xf32, #tpu.memory_space<vmem_shared>>
      tpu.enqueue_dma source(%dma_start3A_81 : memref<128x128xf32, #tpu.memory_space<vmem_shared>>) target(%dma_start3A_79 : memref<128x128xf32, #tpu.memory_space<hbm>>) target_semaphore(%run_scoped3A : memref<!tpu.dma_semaphore, #tpu.memory_space<semaphore_mem>>)
      %dma_wait3A = arith.constant 0 : i32
      %dma_wait3A_82 = tpu.memref_slice %arg4[%arg0, %add3A_68, %dma_wait3A] : memref<2x10240x128xf32, #tpu.memory_space<hbm>> -> memref<1x128x128xf32, #tpu.memory_space<hbm>>
      %dma_wait3A_83 = tpu.memref_squeeze %dma_wait3A_82 : memref<1x128x128xf32, #tpu.memory_space<hbm>> -> memref<128x128xf32, #tpu.memory_space<hbm>>
      %dma_wait3A_84 = arith.constant 0 : i32
      %dma_wait3A_85 = tpu.memref_slice %arg10[%add3A_68, %dma_wait3A_84] : memref<10240x128xf32, #tpu.memory_space<vmem_shared>> -> memref<128x128xf32, #tpu.memory_space<vmem_shared>>
      tpu.wait_dma2 semaphore(%run_scoped3A : memref<!tpu.dma_semaphore, #tpu.memory_space<semaphore_mem>>) src(%dma_wait3A_85 : memref<128x128xf32, #tpu.memory_space<vmem_shared>>) dst(%dma_wait3A_83 : memref<128x128xf32, #tpu.memory_space<hbm>>)
      tpu.yield
    }) : () -> ()
    %add3A_69 = arith.constant 128 : i32
    %add3A_70 = arith.addi %mul3A_17, %add3A_69 : i32
    "tpu.region"() ({
      %run_scoped3A = tpu.sem_alloc : memref<!tpu.dma_semaphore, #tpu.memory_space<semaphore_mem>>
      %dma_start3A_77 = arith.constant 0 : i32
      %dma_start3A_78 = tpu.memref_slice %arg4[%arg0, %add3A_70, %dma_start3A_77] : memref<2x10240x128xf32, #tpu.memory_space<hbm>> -> memref<1x128x128xf32, #tpu.memory_space<hbm>>
      %dma_start3A_79 = tpu.memref_squeeze %dma_start3A_78 : memref<1x128x128xf32, #tpu.memory_space<hbm>> -> memref<128x128xf32, #tpu.memory_space<hbm>>
      %dma_start3A_80 = arith.constant 0 : i32
      %dma_start3A_81 = tpu.memref_slice %arg10[%add3A_70, %dma_start3A_80] : memref<10240x128xf32, #tpu.memory_space<vmem_shared>> -> memref<128x128xf32, #tpu.memory_space<vmem_shared>>
      tpu.enqueue_dma source(%dma_start3A_81 : memref<128x128xf32, #tpu.memory_space<vmem_shared>>) target(%dma_start3A_79 : memref<128x128xf32, #tpu.memory_space<hbm>>) target_semaphore(%run_scoped3A : memref<!tpu.dma_semaphore, #tpu.memory_space<semaphore_mem>>)
      %dma_wait3A = arith.constant 0 : i32
      %dma_wait3A_82 = tpu.memref_slice %arg4[%arg0, %add3A_70, %dma_wait3A] : memref<2x10240x128xf32, #tpu.memory_space<hbm>> -> memref<1x128x128xf32, #tpu.memory_space<hbm>>
      %dma_wait3A_83 = tpu.memref_squeeze %dma_wait3A_82 : memref<1x128x128xf32, #tpu.memory_space<hbm>> -> memref<128x128xf32, #tpu.memory_space<hbm>>
      %dma_wait3A_84 = arith.constant 0 : i32
      %dma_wait3A_85 = tpu.memref_slice %arg10[%add3A_70, %dma_wait3A_84] : memref<10240x128xf32, #tpu.memory_space<vmem_shared>> -> memref<128x128xf32, #tpu.memory_space<vmem_shared>>
      tpu.wait_dma2 semaphore(%run_scoped3A : memref<!tpu.dma_semaphore, #tpu.memory_space<semaphore_mem>>) src(%dma_wait3A_85 : memref<128x128xf32, #tpu.memory_space<vmem_shared>>) dst(%dma_wait3A_83 : memref<128x128xf32, #tpu.memory_space<hbm>>)
      tpu.yield
    }) : () -> ()
    %add3A_71 = arith.constant 256 : i32
    %add3A_72 = arith.addi %mul3A_17, %add3A_71 : i32
    "tpu.region"() ({
      %run_scoped3A = tpu.sem_alloc : memref<!tpu.dma_semaphore, #tpu.memory_space<semaphore_mem>>
      %dma_start3A_77 = arith.constant 0 : i32
      %dma_start3A_78 = tpu.memref_slice %arg4[%arg0, %add3A_72, %dma_start3A_77] : memref<2x10240x128xf32, #tpu.memory_space<hbm>> -> memref<1x128x128xf32, #tpu.memory_space<hbm>>
      %dma_start3A_79 = tpu.memref_squeeze %dma_start3A_78 : memref<1x128x128xf32, #tpu.memory_space<hbm>> -> memref<128x128xf32, #tpu.memory_space<hbm>>
      %dma_start3A_80 = arith.constant 0 : i32
      %dma_start3A_81 = tpu.memref_slice %arg10[%add3A_72, %dma_start3A_80] : memref<10240x128xf32, #tpu.memory_space<vmem_shared>> -> memref<128x128xf32, #tpu.memory_space<vmem_shared>>
      tpu.enqueue_dma source(%dma_start3A_81 : memref<128x128xf32, #tpu.memory_space<vmem_shared>>) target(%dma_start3A_79 : memref<128x128xf32, #tpu.memory_space<hbm>>) target_semaphore(%run_scoped3A : memref<!tpu.dma_semaphore, #tpu.memory_space<semaphore_mem>>)
      %dma_wait3A = arith.constant 0 : i32
      %dma_wait3A_82 = tpu.memref_slice %arg4[%arg0, %add3A_72, %dma_wait3A] : memref<2x10240x128xf32, #tpu.memory_space<hbm>> -> memref<1x128x128xf32, #tpu.memory_space<hbm>>
      %dma_wait3A_83 = tpu.memref_squeeze %dma_wait3A_82 : memref<1x128x128xf32, #tpu.memory_space<hbm>> -> memref<128x128xf32, #tpu.memory_space<hbm>>
      %dma_wait3A_84 = arith.constant 0 : i32
      %dma_wait3A_85 = tpu.memref_slice %arg10[%add3A_72, %dma_wait3A_84] : memref<10240x128xf32, #tpu.memory_space<vmem_shared>> -> memref<128x128xf32, #tpu.memory_space<vmem_shared>>
      tpu.wait_dma2 semaphore(%run_scoped3A : memref<!tpu.dma_semaphore, #tpu.memory_space<semaphore_mem>>) src(%dma_wait3A_85 : memref<128x128xf32, #tpu.memory_space<vmem_shared>>) dst(%dma_wait3A_83 : memref<128x128xf32, #tpu.memory_space<hbm>>)
      tpu.yield
    }) : () -> ()
    %add3A_73 = arith.constant 384 : i32
    %add3A_74 = arith.addi %mul3A_17, %add3A_73 : i32
    "tpu.region"() ({
      %run_scoped3A = tpu.sem_alloc : memref<!tpu.dma_semaphore, #tpu.memory_space<semaphore_mem>>
      %dma_start3A_77 = arith.constant 0 : i32
      %dma_start3A_78 = tpu.memref_slice %arg4[%arg0, %add3A_74, %dma_start3A_77] : memref<2x10240x128xf32, #tpu.memory_space<hbm>> -> memref<1x128x128xf32, #tpu.memory_space<hbm>>
      %dma_start3A_79 = tpu.memref_squeeze %dma_start3A_78 : memref<1x128x128xf32, #tpu.memory_space<hbm>> -> memref<128x128xf32, #tpu.memory_space<hbm>>
      %dma_start3A_80 = arith.constant 0 : i32
      %dma_start3A_81 = tpu.memref_slice %arg10[%add3A_74, %dma_start3A_80] : memref<10240x128xf32, #tpu.memory_space<vmem_shared>> -> memref<128x128xf32, #tpu.memory_space<vmem_shared>>
      tpu.enqueue_dma source(%dma_start3A_81 : memref<128x128xf32, #tpu.memory_space<vmem_shared>>) target(%dma_start3A_79 : memref<128x128xf32, #tpu.memory_space<hbm>>) target_semaphore(%run_scoped3A : memref<!tpu.dma_semaphore, #tpu.memory_space<semaphore_mem>>)
      %dma_wait3A = arith.constant 0 : i32
      %dma_wait3A_82 = tpu.memref_slice %arg4[%arg0, %add3A_74, %dma_wait3A] : memref<2x10240x128xf32, #tpu.memory_space<hbm>> -> memref<1x128x128xf32, #tpu.memory_space<hbm>>
      %dma_wait3A_83 = tpu.memref_squeeze %dma_wait3A_82 : memref<1x128x128xf32, #tpu.memory_space<hbm>> -> memref<128x128xf32, #tpu.memory_space<hbm>>
      %dma_wait3A_84 = arith.constant 0 : i32
      %dma_wait3A_85 = tpu.memref_slice %arg10[%add3A_74, %dma_wait3A_84] : memref<10240x128xf32, #tpu.memory_space<vmem_shared>> -> memref<128x128xf32, #tpu.memory_space<vmem_shared>>
      tpu.wait_dma2 semaphore(%run_scoped3A : memref<!tpu.dma_semaphore, #tpu.memory_space<semaphore_mem>>) src(%dma_wait3A_85 : memref<128x128xf32, #tpu.memory_space<vmem_shared>>) dst(%dma_wait3A_83 : memref<128x128xf32, #tpu.memory_space<hbm>>)
      tpu.yield
    }) : () -> ()
    %add3A_75 = arith.constant 512 : i32
    %add3A_76 = arith.addi %mul3A_17, %add3A_75 : i32
    "tpu.region"() ({
      %run_scoped3A = tpu.sem_alloc : memref<!tpu.dma_semaphore, #tpu.memory_space<semaphore_mem>>
      %dma_start3A_77 = arith.constant 0 : i32
      %dma_start3A_78 = tpu.memref_slice %arg4[%arg0, %add3A_76, %dma_start3A_77] : memref<2x10240x128xf32, #tpu.memory_space<hbm>> -> memref<1x128x128xf32, #tpu.memory_space<hbm>>
      %dma_start3A_79 = tpu.memref_squeeze %dma_start3A_78 : memref<1x128x128xf32, #tpu.memory_space<hbm>> -> memref<128x128xf32, #tpu.memory_space<hbm>>
      %dma_start3A_80 = arith.constant 0 : i32
      %dma_start3A_81 = tpu.memref_slice %arg10[%add3A_76, %dma_start3A_80] : memref<10240x128xf32, #tpu.memory_space<vmem_shared>> -> memref<128x128xf32, #tpu.memory_space<vmem_shared>>
      tpu.enqueue_dma source(%dma_start3A_81 : memref<128x128xf32, #tpu.memory_space<vmem_shared>>) target(%dma_start3A_79 : memref<128x128xf32, #tpu.memory_space<hbm>>) target_semaphore(%run_scoped3A : memref<!tpu.dma_semaphore, #tpu.memory_space<semaphore_mem>>)
      %dma_wait3A = arith.constant 0 : i32
      %dma_wait3A_82 = tpu.memref_slice %arg4[%arg0, %add3A_76, %dma_wait3A] : memref<2x10240x128xf32, #tpu.memory_space<hbm>> -> memref<1x128x128xf32, #tpu.memory_space<hbm>>
      %dma_wait3A_83 = tpu.memref_squeeze %dma_wait3A_82 : memref<1x128x128xf32, #tpu.memory_space<hbm>> -> memref<128x128xf32, #tpu.memory_space<hbm>>
      %dma_wait3A_84 = arith.constant 0 : i32
      %dma_wait3A_85 = tpu.memref_slice %arg10[%add3A_76, %dma_wait3A_84] : memref<10240x128xf32, #tpu.memory_space<vmem_shared>> -> memref<128x128xf32, #tpu.memory_space<vmem_shared>>
      tpu.wait_dma2 semaphore(%run_scoped3A : memref<!tpu.dma_semaphore, #tpu.memory_space<semaphore_mem>>) src(%dma_wait3A_85 : memref<128x128xf32, #tpu.memory_space<vmem_shared>>) dst(%dma_wait3A_83 : memref<128x128xf32, #tpu.memory_space<hbm>>)
      tpu.yield
    }) : () -> ()
    "tpu.trace_stop"() : () -> ()
    return
  }
}

#map = affine_map<(d0, d1) -> (0, 0, 0)>
#map1 = affine_map<(d0, d1) -> (0, 0)>
module attributes {stable_mosaic.version = 14 : i64} {
  func.func @agg_kernel(%arg0: i32, %arg1: i32, %arg2: memref<2560x2x128xi32, #tpu.memory_space<hbm>>, %arg3: memref<10000x128xf32, #tpu.memory_space<hbm>>, %arg4: memref<2x10240x128xf32, #tpu.memory_space<hbm>>, %arg5: memref<2x128xi32, #tpu.memory_space<vmem>>, %arg6: memref<2x128xi32, #tpu.memory_space<vmem>>, %arg7: memref<128x128xf32, #tpu.memory_space<vmem>>, %arg8: memref<128x128xf32, #tpu.memory_space<vmem>>, %arg9: memref<32x128xf32, #tpu.memory_space<vmem>>, %arg10: memref<10240x128xf32, #tpu.memory_space<vmem_shared>>, %arg11: memref<!tpu.dma_semaphore, #tpu.memory_space<semaphore_mem>>, %arg12: memref<!tpu.dma_semaphore, #tpu.memory_space<semaphore_mem>>, %arg13: memref<!tpu.dma_semaphore, #tpu.memory_space<semaphore_mem>>, %arg14: memref<!tpu.dma_semaphore, #tpu.memory_space<semaphore_mem>>) attributes {dimension_semantics = [#tpu.dimension_semantics<core_parallel>, #tpu.dimension_semantics<subcore_parallel>], iteration_bounds = array<i64: 2, 16>, scalar_prefetch = 0 : i64, scratch_operands = 10 : i64, tpu.core_type = #tpu.core_type<sc_vector_subcore>, window_params = [{transform_indices = #map}, {transform_indices = #map1}, {transform_indices = #map}]} {
    %eq3A = arith.constant 0 : i32
    %eq3A_0 = arith.cmpi eq, %arg0, %eq3A : i32
    %mul3A = arith.constant 158 : i32
    %mul3A_1 = arith.muli %arg1, %mul3A : i32
    %mul3A_2 = arith.constant 2 : i32
    %mul3A_3 = arith.muli %arg1, %mul3A_2 : i32
    %add3A = arith.constant 2528 : i32
    %add3A_4 = arith.addi %add3A, %mul3A_3 : i32
    %select_n3A = arith.select %eq3A_0, %mul3A_1, %add3A_4 : i32
    %eq3A_5 = arith.constant 0 : i32
    %eq3A_6 = arith.cmpi eq, %arg0, %eq3A_5 : i32
    %select_n3A_7 = arith.constant 2 : i32
    %select_n3A_8 = arith.constant 158 : i32
    %select_n3A_9 = arith.select %eq3A_6, %select_n3A_8, %select_n3A_7 : i32
    %broadcast_in_dim3A = arith.constant 0.000000e+00 : f32
    %broadcast_in_dim3A_10 = vector.broadcast %broadcast_in_dim3A : f32 to vector<16xf32>
    "tpu.trace_start"() <{level = 10 : i32, message = "agg_zero"}> : () -> ()
    %scan3A = arith.constant 0 : i32
    %scan3A_11 = arith.constant 0 : i32
    %scan3A_12 = arith.constant 32 : i32
    %scan3A_13 = arith.addi %scan3A_11, %scan3A_12 : i32
    %scan3A_14 = arith.constant 1 : i32
    scf.for %scan3A_77 = %scan3A_11 to %scan3A_13 step %scan3A_14  : i32 {
      %swap3A = arith.index_cast %scan3A_77 : i32 to index
      %swap3A_78 = arith.constant 0 : index
      %swap3A_79 = tpu.vector_load %arg9[%swap3A, %swap3A_78] {strides = array<i32>} : memref<32x128xf32, #tpu.memory_space<vmem>>, vector<1x16xf32>,
      %swap3A_80 = vector.shape_cast %swap3A_79 : vector<1x16xf32> to vector<16xf32>
      %swap3A_81 = vector.shape_cast %broadcast_in_dim3A_10 : vector<16xf32> to vector<1x16xf32>
      tpu.vector_store %arg9[%swap3A, %swap3A_78], %swap3A_81 {strides = array<i32>} : memref<32x128xf32, #tpu.memory_space<vmem>>, vector<1x16xf32>,
      %swap3A_82 = arith.index_cast %scan3A_77 : i32 to index
      %swap3A_83 = arith.constant 16 : index
      %swap3A_84 = tpu.vector_load %arg9[%swap3A_82, %swap3A_83] {strides = array<i32>} : memref<32x128xf32, #tpu.memory_space<vmem>>, vector<1x16xf32>,
      %swap3A_85 = vector.shape_cast %swap3A_84 : vector<1x16xf32> to vector<16xf32>
      %swap3A_86 = vector.shape_cast %broadcast_in_dim3A_10 : vector<16xf32> to vector<1x16xf32>
      tpu.vector_store %arg9[%swap3A_82, %swap3A_83], %swap3A_86 {strides = array<i32>} : memref<32x128xf32, #tpu.memory_space<vmem>>, vector<1x16xf32>,
      %swap3A_87 = arith.index_cast %scan3A_77 : i32 to index
      %swap3A_88 = arith.constant 32 : index
      %swap3A_89 = tpu.vector_load %arg9[%swap3A_87, %swap3A_88] {strides = array<i32>} : memref<32x128xf32, #tpu.memory_space<vmem>>, vector<1x16xf32>,
      %swap3A_90 = vector.shape_cast %swap3A_89 : vector<1x16xf32> to vector<16xf32>
      %swap3A_91 = vector.shape_cast %broadcast_in_dim3A_10 : vector<16xf32> to vector<1x16xf32>
      tpu.vector_store %arg9[%swap3A_87, %swap3A_88], %swap3A_91 {strides = array<i32>} : memref<32x128xf32, #tpu.memory_space<vmem>>, vector<1x16xf32>,
      %swap3A_92 = arith.index_cast %scan3A_77 : i32 to index
      %swap3A_93 = arith.constant 48 : index
      %swap3A_94 = tpu.vector_load %arg9[%swap3A_92, %swap3A_93] {strides = array<i32>} : memref<32x128xf32, #tpu.memory_space<vmem>>, vector<1x16xf32>,
      %swap3A_95 = vector.shape_cast %swap3A_94 : vector<1x16xf32> to vector<16xf32>
      %swap3A_96 = vector.shape_cast %broadcast_in_dim3A_10 : vector<16xf32> to vector<1x16xf32>
      tpu.vector_store %arg9[%swap3A_92, %swap3A_93], %swap3A_96 {strides = array<i32>} : memref<32x128xf32, #tpu.memory_space<vmem>>, vector<1x16xf32>,
      %swap3A_97 = arith.index_cast %scan3A_77 : i32 to index
      %swap3A_98 = arith.constant 64 : index
      %swap3A_99 = tpu.vector_load %arg9[%swap3A_97, %swap3A_98] {strides = array<i32>} : memref<32x128xf32, #tpu.memory_space<vmem>>, vector<1x16xf32>,
      %swap3A_100 = vector.shape_cast %swap3A_99 : vector<1x16xf32> to vector<16xf32>
      %swap3A_101 = vector.shape_cast %broadcast_in_dim3A_10 : vector<16xf32> to vector<1x16xf32>
      tpu.vector_store %arg9[%swap3A_97, %swap3A_98], %swap3A_101 {strides = array<i32>} : memref<32x128xf32, #tpu.memory_space<vmem>>, vector<1x16xf32>,
      %swap3A_102 = arith.index_cast %scan3A_77 : i32 to index
      %swap3A_103 = arith.constant 80 : index
      %swap3A_104 = tpu.vector_load %arg9[%swap3A_102, %swap3A_103] {strides = array<i32>} : memref<32x128xf32, #tpu.memory_space<vmem>>, vector<1x16xf32>,
      %swap3A_105 = vector.shape_cast %swap3A_104 : vector<1x16xf32> to vector<16xf32>
      %swap3A_106 = vector.shape_cast %broadcast_in_dim3A_10 : vector<16xf32> to vector<1x16xf32>
      tpu.vector_store %arg9[%swap3A_102, %swap3A_103], %swap3A_106 {strides = array<i32>} : memref<32x128xf32, #tpu.memory_space<vmem>>, vector<1x16xf32>,
      %swap3A_107 = arith.index_cast %scan3A_77 : i32 to index
      %swap3A_108 = arith.constant 96 : index
      %swap3A_109 = tpu.vector_load %arg9[%swap3A_107, %swap3A_108] {strides = array<i32>} : memref<32x128xf32, #tpu.memory_space<vmem>>, vector<1x16xf32>,
      %swap3A_110 = vector.shape_cast %swap3A_109 : vector<1x16xf32> to vector<16xf32>
      %swap3A_111 = vector.shape_cast %broadcast_in_dim3A_10 : vector<16xf32> to vector<1x16xf32>
      tpu.vector_store %arg9[%swap3A_107, %swap3A_108], %swap3A_111 {strides = array<i32>} : memref<32x128xf32, #tpu.memory_space<vmem>>, vector<1x16xf32>,
      %swap3A_112 = arith.index_cast %scan3A_77 : i32 to index
      %swap3A_113 = arith.constant 112 : index
      %swap3A_114 = tpu.vector_load %arg9[%swap3A_112, %swap3A_113] {strides = array<i32>} : memref<32x128xf32, #tpu.memory_space<vmem>>, vector<1x16xf32>,
      %swap3A_115 = vector.shape_cast %swap3A_114 : vector<1x16xf32> to vector<16xf32>
      %swap3A_116 = vector.shape_cast %broadcast_in_dim3A_10 : vector<16xf32> to vector<1x16xf32>
      tpu.vector_store %arg9[%swap3A_112, %swap3A_113], %swap3A_116 {strides = array<i32>} : memref<32x128xf32, #tpu.memory_space<vmem>>, vector<1x16xf32>,
    }
    %scan3A_15 = arith.constant 32 : i32
    %mul3A_16 = arith.constant 640 : i32
    %mul3A_17 = arith.muli %arg1, %mul3A_16 : i32
    %scan3A_18 = arith.constant 0 : i32
    %scan3A_19 = arith.constant 0 : i32
    %scan3A_20 = arith.constant 20 : i32
    %scan3A_21 = arith.addi %scan3A_19, %scan3A_20 : i32
    %scan3A_22 = arith.constant 1 : i32
    scf.for %scan3A_77 = %scan3A_19 to %scan3A_21 step %scan3A_22  : i32 {
      %mul3A_78 = arith.constant 32 : i32
      %mul3A_79 = arith.muli %scan3A_77, %mul3A_78 : i32
      %add3A_80 = arith.addi %mul3A_17, %mul3A_79 : i32
      "tpu.region"() ({
        %run_scoped3A = tpu.sem_alloc : memref<!tpu.dma_semaphore, #tpu.memory_space<semaphore_mem>>
        %dma_start3A_81 = arith.constant 0 : i32
        %dma_start3A_82 = tpu.memref_slice %arg10[%add3A_80, %dma_start3A_81] : memref<10240x128xf32, #tpu.memory_space<vmem_shared>> -> memref<32x128xf32, #tpu.memory_space<vmem_shared>>
        %dma_start3A_83 = arith.constant 0 : i32
        %dma_start3A_84 = tpu.memref_slice %arg10[%add3A_80, %dma_start3A_83] : memref<10240x128xf32, #tpu.memory_space<vmem_shared>> -> memref<32x128xf32, #tpu.memory_space<vmem_shared>>
        tpu.enqueue_dma source(%arg9 : memref<32x128xf32, #tpu.memory_space<vmem>>) target(%dma_start3A_84 : memref<32x128xf32, #tpu.memory_space<vmem_shared>>) target_semaphore(%run_scoped3A : memref<!tpu.dma_semaphore, #tpu.memory_space<semaphore_mem>>)
        %dma_wait3A = arith.constant 0 : i32
        %dma_wait3A_85 = tpu.memref_slice %arg10[%add3A_80, %dma_wait3A] : memref<10240x128xf32, #tpu.memory_space<vmem_shared>> -> memref<32x128xf32, #tpu.memory_space<vmem_shared>>
        %dma_wait3A_86 = arith.constant 0 : i32
        %dma_wait3A_87 = tpu.memref_slice %arg10[%add3A_80, %dma_wait3A_86] : memref<10240x128xf32, #tpu.memory_space<vmem_shared>> -> memref<32x128xf32, #tpu.memory_space<vmem_shared>>
        tpu.wait_dma2 semaphore(%run_scoped3A : memref<!tpu.dma_semaphore, #tpu.memory_space<semaphore_mem>>) src(%arg9 : memref<32x128xf32, #tpu.memory_space<vmem>>) dst(%dma_wait3A_87 : memref<32x128xf32, #tpu.memory_space<vmem_shared>>)
        tpu.yield
      }) : () -> ()
    }
    %scan3A_23 = arith.constant 20 : i32
    %barrier3A = arith.constant 0 : index
    tpu.barrier barrier_id(%barrier3A)
    "tpu.trace_stop"() : () -> ()
    "tpu.trace_start"() <{level = 10 : i32, message = "agg_loop"}> : () -> ()
    "tpu.region"() ({
      %run_scoped3A = tpu.sem_alloc : memref<!tpu.dma_semaphore, #tpu.memory_space<semaphore_mem>>
      %dma_start3A_77 = arith.constant 0 : i32
      %dma_start3A_78 = arith.constant 0 : i32
      %dma_start3A_79 = tpu.memref_slice %arg2[%select_n3A, %dma_start3A_77, %dma_start3A_78] : memref<2560x2x128xi32, #tpu.memory_space<hbm>> -> memref<1x2x128xi32, #tpu.memory_space<hbm>>
      %dma_start3A_80 = tpu.memref_squeeze %dma_start3A_79 : memref<1x2x128xi32, #tpu.memory_space<hbm>> -> memref<2x128xi32, #tpu.memory_space<hbm>>
      %dma_start3A_81 = arith.constant 0 : i32
      %dma_start3A_82 = arith.constant 0 : i32
      %dma_start3A_83 = tpu.memref_slice %arg2[%select_n3A, %dma_start3A_81, %dma_start3A_82] : memref<2560x2x128xi32, #tpu.memory_space<hbm>> -> memref<1x2x128xi32, #tpu.memory_space<hbm>>
      %dma_start3A_84 = tpu.memref_squeeze %dma_start3A_83 : memref<1x2x128xi32, #tpu.memory_space<hbm>> -> memref<2x128xi32, #tpu.memory_space<hbm>>
      tpu.enqueue_dma source(%dma_start3A_84 : memref<2x128xi32, #tpu.memory_space<hbm>>) target(%arg5 : memref<2x128xi32, #tpu.memory_space<vmem>>) target_semaphore(%run_scoped3A : memref<!tpu.dma_semaphore, #tpu.memory_space<semaphore_mem>>)
      %dma_wait3A = arith.constant 0 : i32
      %dma_wait3A_85 = arith.constant 0 : i32
      %dma_wait3A_86 = tpu.memref_slice %arg2[%select_n3A, %dma_wait3A, %dma_wait3A_85] : memref<2560x2x128xi32, #tpu.memory_space<hbm>> -> memref<1x2x128xi32, #tpu.memory_space<hbm>>
      %dma_wait3A_87 = tpu.memref_squeeze %dma_wait3A_86 : memref<1x2x128xi32, #tpu.memory_space<hbm>> -> memref<2x128xi32, #tpu.memory_space<hbm>>
      %dma_wait3A_88 = arith.constant 0 : i32
      %dma_wait3A_89 = arith.constant 0 : i32
      %dma_wait3A_90 = tpu.memref_slice %arg2[%select_n3A, %dma_wait3A_88, %dma_wait3A_89] : memref<2560x2x128xi32, #tpu.memory_space<hbm>> -> memref<1x2x128xi32, #tpu.memory_space<hbm>>
      %dma_wait3A_91 = tpu.memref_squeeze %dma_wait3A_90 : memref<1x2x128xi32, #tpu.memory_space<hbm>> -> memref<2x128xi32, #tpu.memory_space<hbm>>
      tpu.wait_dma2 semaphore(%run_scoped3A : memref<!tpu.dma_semaphore, #tpu.memory_space<semaphore_mem>>) src(%dma_wait3A_91 : memref<2x128xi32, #tpu.memory_space<hbm>>) dst(%arg5 : memref<2x128xi32, #tpu.memory_space<vmem>>)
      tpu.yield
    }) : () -> ()
    %add3A_24 = arith.constant 1 : i32
    %add3A_25 = arith.addi %select_n3A, %add3A_24 : i32
    %dma_start3A = arith.constant 0 : i32
    %dma_start3A_26 = arith.constant 0 : i32
    %dma_start3A_27 = tpu.memref_slice %arg2[%add3A_25, %dma_start3A, %dma_start3A_26] : memref<2560x2x128xi32, #tpu.memory_space<hbm>> -> memref<1x2x128xi32, #tpu.memory_space<hbm>>
    %dma_start3A_28 = tpu.memref_squeeze %dma_start3A_27 : memref<1x2x128xi32, #tpu.memory_space<hbm>> -> memref<2x128xi32, #tpu.memory_space<hbm>>
    %dma_start3A_29 = arith.constant 0 : i32
    %dma_start3A_30 = arith.constant 0 : i32
    %dma_start3A_31 = tpu.memref_slice %arg2[%add3A_25, %dma_start3A_29, %dma_start3A_30] : memref<2560x2x128xi32, #tpu.memory_space<hbm>> -> memref<1x2x128xi32, #tpu.memory_space<hbm>>
    %dma_start3A_32 = tpu.memref_squeeze %dma_start3A_31 : memref<1x2x128xi32, #tpu.memory_space<hbm>> -> memref<2x128xi32, #tpu.memory_space<hbm>>
    tpu.enqueue_dma source(%dma_start3A_32 : memref<2x128xi32, #tpu.memory_space<hbm>>) target(%arg6 : memref<2x128xi32, #tpu.memory_space<vmem>>) target_semaphore(%arg14 : memref<!tpu.dma_semaphore, #tpu.memory_space<semaphore_mem>>)
    %dma_start3A_33 = arith.constant 0 : i32
    %dma_start3A_34 = arith.constant 0 : i32
    %dma_start3A_35 = tpu.memref_slice %arg5[%dma_start3A_33, %dma_start3A_34] : memref<2x128xi32, #tpu.memory_space<vmem>> -> memref<1x128xi32, #tpu.memory_space<vmem>>
    %dma_start3A_36 = tpu.memref_squeeze %dma_start3A_35 : memref<1x128xi32, #tpu.memory_space<vmem>> -> memref<128xi32, #tpu.memory_space<vmem>>
    %dma_start3A_37 = arith.constant 0 : i32
    %dma_start3A_38 = arith.constant 0 : i32
    %dma_start3A_39 = tpu.memref_slice %arg3[%dma_start3A_37, %dma_start3A_38] : memref<10000x128xf32, #tpu.memory_space<hbm>> -> memref<10000x128xf32, #tpu.memory_space<hbm>>
    tpu.enqueue_indirect_dma source(%dma_start3A_39 : memref<10000x128xf32, #tpu.memory_space<hbm>>) target(%arg7 : memref<128x128xf32, #tpu.memory_space<vmem>>) offsets(%dma_start3A_36 : memref<128xi32, #tpu.memory_space<vmem>>) semaphore(%arg11 : memref<!tpu.dma_semaphore, #tpu.memory_space<semaphore_mem>>)
    %jit3A = arith.constant 2 : i32
    %div3A = arith.divsi %select_n3A_9, %jit3A : i32
    %sign3A = arith.constant 0 : i32
    %sign3A_40 = arith.cmpi sgt, %select_n3A_9, %sign3A : i32
    %sign3A_41 = arith.extui %sign3A_40 : i1 to i32
    %sign3A_42 = arith.constant 0 : i32
    %sign3A_43 = arith.cmpi slt, %select_n3A_9, %sign3A_42 : i32
    %sign3A_44 = arith.extui %sign3A_43 : i1 to i32
    %sign3A_45 = arith.subi %sign3A_41, %sign3A_44 : i32
    %sign3A_46 = arith.constant 0 : i32
    %sign3A_47 = arith.cmpi sgt, %jit3A, %sign3A_46 : i32
    %sign3A_48 = arith.extui %sign3A_47 : i1 to i32
    %sign3A_49 = arith.constant 0 : i32
    %sign3A_50 = arith.cmpi slt, %jit3A, %sign3A_49 : i32
    %sign3A_51 = arith.extui %sign3A_50 : i1 to i32
    %sign3A_52 = arith.subi %sign3A_48, %sign3A_51 : i32
    %ne3A = arith.cmpi ne, %sign3A_45, %sign3A_52 : i32
    %rem3A = arith.remsi %select_n3A_9, %jit3A : i32
    %ne3A_53 = arith.constant 0 : i32
    %ne3A_54 = arith.cmpi ne, %rem3A, %ne3A_53 : i32
    %and3A = arith.andi %ne3A, %ne3A_54 : i1
    %sub3A = arith.constant 1 : i32
    %sub3A_55 = arith.subi %div3A, %sub3A : i32
    %select_n3A_56 = arith.select %and3A, %sub3A_55, %div3A : i32
    %while3A = arith.constant 0 : i32
    %while3A_57 = arith.constant 0 : i32
    %while3A_58 = arith.subi %select_n3A_56, %while3A_57 : i32
    %while3A_59 = arith.addi %while3A_57, %while3A_58 : i32
    %while3A_60 = arith.constant 1 : i32
    %while3A_61 = arith.divsi %while3A_58, %while3A_60 : i32
    %while3A_62 = arith.muli %while3A_61, %while3A_60 : i32
    %while3A_63 = arith.addi %while3A_57, %while3A_62 : i32
    %while3A_64 = arith.constant 1 : i32
    scf.for %while3A_77 = %while3A_57 to %while3A_63 step %while3A_64  : i32 {
      %mul3A_78 = arith.constant 2 : i32
      %mul3A_79 = arith.muli %mul3A_78, %while3A_77 : i32
      %add3A_80 = arith.constant 0 : i32
      %add3A_81 = arith.addi %mul3A_79, %add3A_80 : i32
      %add3A_82 = arith.constant 1 : i32
      %add3A_83 = arith.addi %add3A_81, %add3A_82 : i32
      %lt3A = arith.cmpi slt, %add3A_83, %select_n3A_9 : i32
      %convert_element_type3A = arith.extui %lt3A : i1 to i32
      %cond3A = arith.constant 0 : i32
      %cond3A_84 = arith.cmpi ne, %convert_element_type3A, %cond3A : i32
      scf.if %cond3A_84 {
        %add3A_121 = arith.addi %select_n3A, %add3A_81 : i32
        %add3A_122 = arith.constant 1 : i32
        %add3A_123 = arith.addi %add3A_121, %add3A_122 : i32
        %dma_wait3A_124 = arith.constant 0 : i32
        %dma_wait3A_125 = arith.constant 0 : i32
        %dma_wait3A_126 = tpu.memref_slice %arg2[%add3A_123, %dma_wait3A_124, %dma_wait3A_125] : memref<2560x2x128xi32, #tpu.memory_space<hbm>> -> memref<1x2x128xi32, #tpu.memory_space<hbm>>
        %dma_wait3A_127 = tpu.memref_squeeze %dma_wait3A_126 : memref<1x2x128xi32, #tpu.memory_space<hbm>> -> memref<2x128xi32, #tpu.memory_space<hbm>>
        %dma_wait3A_128 = arith.constant 0 : i32
        %dma_wait3A_129 = arith.constant 0 : i32
        %dma_wait3A_130 = tpu.memref_slice %arg2[%add3A_123, %dma_wait3A_128, %dma_wait3A_129] : memref<2560x2x128xi32, #tpu.memory_space<hbm>> -> memref<1x2x128xi32, #tpu.memory_space<hbm>>
        %dma_wait3A_131 = tpu.memref_squeeze %dma_wait3A_130 : memref<1x2x128xi32, #tpu.memory_space<hbm>> -> memref<2x128xi32, #tpu.memory_space<hbm>>
        tpu.wait_dma2 semaphore(%arg14 : memref<!tpu.dma_semaphore, #tpu.memory_space<semaphore_mem>>) src(%dma_wait3A_131 : memref<2x128xi32, #tpu.memory_space<hbm>>) dst(%arg6 : memref<2x128xi32, #tpu.memory_space<vmem>>)
        %dma_start3A_132 = arith.constant 0 : i32
        %dma_start3A_133 = arith.constant 0 : i32
        %dma_start3A_134 = tpu.memref_slice %arg6[%dma_start3A_132, %dma_start3A_133] : memref<2x128xi32, #tpu.memory_space<vmem>> -> memref<1x128xi32, #tpu.memory_space<vmem>>
        %dma_start3A_135 = tpu.memref_squeeze %dma_start3A_134 : memref<1x128xi32, #tpu.memory_space<vmem>> -> memref<128xi32, #tpu.memory_space<vmem>>
        %dma_start3A_136 = arith.constant 0 : i32
        %dma_start3A_137 = arith.constant 0 : i32
        %dma_start3A_138 = tpu.memref_slice %arg3[%dma_start3A_136, %dma_start3A_137] : memref<10000x128xf32, #tpu.memory_space<hbm>> -> memref<10000x128xf32, #tpu.memory_space<hbm>>
        tpu.enqueue_indirect_dma source(%dma_start3A_138 : memref<10000x128xf32, #tpu.memory_space<hbm>>) target(%arg8 : memref<128x128xf32, #tpu.memory_space<vmem>>) offsets(%dma_start3A_135 : memref<128xi32, #tpu.memory_space<vmem>>) semaphore(%arg12 : memref<!tpu.dma_semaphore, #tpu.memory_space<semaphore_mem>>)
      } else {
      }
      %dma_wait3A = arith.constant 0 : i32
      %dma_wait3A_85 = arith.constant 0 : i32
      %dma_wait3A_86 = tpu.memref_slice %arg5[%dma_wait3A, %dma_wait3A_85] : memref<2x128xi32, #tpu.memory_space<vmem>> -> memref<1x128xi32, #tpu.memory_space<vmem>>
      %dma_wait3A_87 = tpu.memref_squeeze %dma_wait3A_86 : memref<1x128xi32, #tpu.memory_space<vmem>> -> memref<128xi32, #tpu.memory_space<vmem>>
      %dma_wait3A_88 = arith.constant 0 : i32
      %dma_wait3A_89 = arith.constant 0 : i32
      %dma_wait3A_90 = tpu.memref_slice %arg3[%dma_wait3A_88, %dma_wait3A_89] : memref<10000x128xf32, #tpu.memory_space<hbm>> -> memref<10000x128xf32, #tpu.memory_space<hbm>>
      tpu.wait_indirect_dma semaphore(%arg11 : memref<!tpu.dma_semaphore, #tpu.memory_space<semaphore_mem>>) src(%dma_wait3A_90 : memref<10000x128xf32, #tpu.memory_space<hbm>>) dst(%arg7 : memref<128x128xf32, #tpu.memory_space<vmem>>)
      %run_scoped3A = arith.constant 1 : i32
      "tpu.region"() ({
        %run_scoped3A_121 = tpu.sem_alloc : memref<!tpu.dma_semaphore, #tpu.memory_space<semaphore_mem>>
        %dma_start3A_122 = arith.constant 0 : i32
        %dma_start3A_123 = tpu.memref_slice %arg5[%run_scoped3A, %dma_start3A_122] : memref<2x128xi32, #tpu.memory_space<vmem>> -> memref<1x128xi32, #tpu.memory_space<vmem>>
        %dma_start3A_124 = tpu.memref_squeeze %dma_start3A_123 : memref<1x128xi32, #tpu.memory_space<vmem>> -> memref<128xi32, #tpu.memory_space<vmem>>
        %dma_start3A_125 = arith.constant 0 : i32
        %dma_start3A_126 = arith.constant 0 : i32
        %dma_start3A_127 = tpu.memref_slice %arg10[%dma_start3A_125, %dma_start3A_126] : memref<10240x128xf32, #tpu.memory_space<vmem_shared>> -> memref<10240x128xf32, #tpu.memory_space<vmem_shared>>
        tpu.enqueue_indirect_dma source(%arg7 : memref<128x128xf32, #tpu.memory_space<vmem>>) target(%dma_start3A_127 : memref<10240x128xf32, #tpu.memory_space<vmem_shared>>) offsets(%dma_start3A_124 : memref<128xi32, #tpu.memory_space<vmem>>) semaphore(%run_scoped3A_121 : memref<!tpu.dma_semaphore, #tpu.memory_space<semaphore_mem>>) {add = true}
        %dma_wait3A_128 = arith.constant 0 : i32
        %dma_wait3A_129 = tpu.memref_slice %arg5[%run_scoped3A, %dma_wait3A_128] : memref<2x128xi32, #tpu.memory_space<vmem>> -> memref<1x128xi32, #tpu.memory_space<vmem>>
        %dma_wait3A_130 = tpu.memref_squeeze %dma_wait3A_129 : memref<1x128xi32, #tpu.memory_space<vmem>> -> memref<128xi32, #tpu.memory_space<vmem>>
        %dma_wait3A_131 = arith.constant 0 : i32
        %dma_wait3A_132 = arith.constant 0 : i32
        %dma_wait3A_133 = tpu.memref_slice %arg10[%dma_wait3A_131, %dma_wait3A_132] : memref<10240x128xf32, #tpu.memory_space<vmem_shared>> -> memref<10240x128xf32, #tpu.memory_space<vmem_shared>>
        tpu.wait_indirect_dma semaphore(%run_scoped3A_121 : memref<!tpu.dma_semaphore, #tpu.memory_space<semaphore_mem>>) src(%arg7 : memref<128x128xf32, #tpu.memory_space<vmem>>) dst(%dma_wait3A_133 : memref<10240x128xf32, #tpu.memory_space<vmem_shared>>)
        tpu.yield
      }) : () -> ()
      %add3A_91 = arith.constant 2 : i32
      %add3A_92 = arith.addi %add3A_81, %add3A_91 : i32
      %lt3A_93 = arith.cmpi slt, %add3A_92, %select_n3A_9 : i32
      %convert_element_type3A_94 = arith.extui %lt3A_93 : i1 to i32
      %cond3A_95 = arith.constant 0 : i32
      %cond3A_96 = arith.cmpi ne, %convert_element_type3A_94, %cond3A_95 : i32
      scf.if %cond3A_96 {
        %add3A_121 = arith.addi %select_n3A, %add3A_81 : i32
        %add3A_122 = arith.constant 2 : i32
        %add3A_123 = arith.addi %add3A_121, %add3A_122 : i32
        %dma_start3A_124 = arith.constant 0 : i32
        %dma_start3A_125 = arith.constant 0 : i32
        %dma_start3A_126 = tpu.memref_slice %arg2[%add3A_123, %dma_start3A_124, %dma_start3A_125] : memref<2560x2x128xi32, #tpu.memory_space<hbm>> -> memref<1x2x128xi32, #tpu.memory_space<hbm>>
        %dma_start3A_127 = tpu.memref_squeeze %dma_start3A_126 : memref<1x2x128xi32, #tpu.memory_space<hbm>> -> memref<2x128xi32, #tpu.memory_space<hbm>>
        %dma_start3A_128 = arith.constant 0 : i32
        %dma_start3A_129 = arith.constant 0 : i32
        %dma_start3A_130 = tpu.memref_slice %arg2[%add3A_123, %dma_start3A_128, %dma_start3A_129] : memref<2560x2x128xi32, #tpu.memory_space<hbm>> -> memref<1x2x128xi32, #tpu.memory_space<hbm>>
        %dma_start3A_131 = tpu.memref_squeeze %dma_start3A_130 : memref<1x2x128xi32, #tpu.memory_space<hbm>> -> memref<2x128xi32, #tpu.memory_space<hbm>>
        tpu.enqueue_dma source(%dma_start3A_131 : memref<2x128xi32, #tpu.memory_space<hbm>>) target(%arg5 : memref<2x128xi32, #tpu.memory_space<vmem>>) target_semaphore(%arg13 : memref<!tpu.dma_semaphore, #tpu.memory_space<semaphore_mem>>)
      } else {
      }
      %mul3A_97 = arith.constant 2 : i32
      %mul3A_98 = arith.muli %mul3A_97, %while3A_77 : i32
      %add3A_99 = arith.constant 1 : i32
      %add3A_100 = arith.addi %mul3A_98, %add3A_99 : i32
      %add3A_101 = arith.constant 1 : i32
      %add3A_102 = arith.addi %add3A_100, %add3A_101 : i32
      %lt3A_103 = arith.cmpi slt, %add3A_102, %select_n3A_9 : i32
      %convert_element_type3A_104 = arith.extui %lt3A_103 : i1 to i32
      %cond3A_105 = arith.constant 0 : i32
      %cond3A_106 = arith.cmpi ne, %convert_element_type3A_104, %cond3A_105 : i32
      scf.if %cond3A_106 {
        %add3A_121 = arith.addi %select_n3A, %add3A_100 : i32
        %add3A_122 = arith.constant 1 : i32
        %add3A_123 = arith.addi %add3A_121, %add3A_122 : i32
        %dma_wait3A_124 = arith.constant 0 : i32
        %dma_wait3A_125 = arith.constant 0 : i32
        %dma_wait3A_126 = tpu.memref_slice %arg2[%add3A_123, %dma_wait3A_124, %dma_wait3A_125] : memref<2560x2x128xi32, #tpu.memory_space<hbm>> -> memref<1x2x128xi32, #tpu.memory_space<hbm>>
        %dma_wait3A_127 = tpu.memref_squeeze %dma_wait3A_126 : memref<1x2x128xi32, #tpu.memory_space<hbm>> -> memref<2x128xi32, #tpu.memory_space<hbm>>
        %dma_wait3A_128 = arith.constant 0 : i32
        %dma_wait3A_129 = arith.constant 0 : i32
        %dma_wait3A_130 = tpu.memref_slice %arg2[%add3A_123, %dma_wait3A_128, %dma_wait3A_129] : memref<2560x2x128xi32, #tpu.memory_space<hbm>> -> memref<1x2x128xi32, #tpu.memory_space<hbm>>
        %dma_wait3A_131 = tpu.memref_squeeze %dma_wait3A_130 : memref<1x2x128xi32, #tpu.memory_space<hbm>> -> memref<2x128xi32, #tpu.memory_space<hbm>>
        tpu.wait_dma2 semaphore(%arg13 : memref<!tpu.dma_semaphore, #tpu.memory_space<semaphore_mem>>) src(%dma_wait3A_131 : memref<2x128xi32, #tpu.memory_space<hbm>>) dst(%arg5 : memref<2x128xi32, #tpu.memory_space<vmem>>)
        %dma_start3A_132 = arith.constant 0 : i32
        %dma_start3A_133 = arith.constant 0 : i32
        %dma_start3A_134 = tpu.memref_slice %arg5[%dma_start3A_132, %dma_start3A_133] : memref<2x128xi32, #tpu.memory_space<vmem>> -> memref<1x128xi32, #tpu.memory_space<vmem>>
        %dma_start3A_135 = tpu.memref_squeeze %dma_start3A_134 : memref<1x128xi32, #tpu.memory_space<vmem>> -> memref<128xi32, #tpu.memory_space<vmem>>
        %dma_start3A_136 = arith.constant 0 : i32
        %dma_start3A_137 = arith.constant 0 : i32
        %dma_start3A_138 = tpu.memref_slice %arg3[%dma_start3A_136, %dma_start3A_137] : memref<10000x128xf32, #tpu.memory_space<hbm>> -> memref<10000x128xf32, #tpu.memory_space<hbm>>
        tpu.enqueue_indirect_dma source(%dma_start3A_138 : memref<10000x128xf32, #tpu.memory_space<hbm>>) target(%arg7 : memref<128x128xf32, #tpu.memory_space<vmem>>) offsets(%dma_start3A_135 : memref<128xi32, #tpu.memory_space<vmem>>) semaphore(%arg11 : memref<!tpu.dma_semaphore, #tpu.memory_space<semaphore_mem>>)
      } else {
      }
      %dma_wait3A_107 = arith.constant 0 : i32
      %dma_wait3A_108 = arith.constant 0 : i32
      %dma_wait3A_109 = tpu.memref_slice %arg6[%dma_wait3A_107, %dma_wait3A_108] : memref<2x128xi32, #tpu.memory_space<vmem>> -> memref<1x128xi32, #tpu.memory_space<vmem>>
      %dma_wait3A_110 = tpu.memref_squeeze %dma_wait3A_109 : memref<1x128xi32, #tpu.memory_space<vmem>> -> memref<128xi32, #tpu.memory_space<vmem>>
      %dma_wait3A_111 = arith.constant 0 : i32
      %dma_wait3A_112 = arith.constant 0 : i32
      %dma_wait3A_113 = tpu.memref_slice %arg3[%dma_wait3A_111, %dma_wait3A_112] : memref<10000x128xf32, #tpu.memory_space<hbm>> -> memref<10000x128xf32, #tpu.memory_space<hbm>>
      tpu.wait_indirect_dma semaphore(%arg12 : memref<!tpu.dma_semaphore, #tpu.memory_space<semaphore_mem>>) src(%dma_wait3A_113 : memref<10000x128xf32, #tpu.memory_space<hbm>>) dst(%arg8 : memref<128x128xf32, #tpu.memory_space<vmem>>)
      %run_scoped3A_114 = arith.constant 1 : i32
      "tpu.region"() ({
        %run_scoped3A_121 = tpu.sem_alloc : memref<!tpu.dma_semaphore, #tpu.memory_space<semaphore_mem>>
        %dma_start3A_122 = arith.constant 0 : i32
        %dma_start3A_123 = tpu.memref_slice %arg6[%run_scoped3A_114, %dma_start3A_122] : memref<2x128xi32, #tpu.memory_space<vmem>> -> memref<1x128xi32, #tpu.memory_space<vmem>>
        %dma_start3A_124 = tpu.memref_squeeze %dma_start3A_123 : memref<1x128xi32, #tpu.memory_space<vmem>> -> memref<128xi32, #tpu.memory_space<vmem>>
        %dma_start3A_125 = arith.constant 0 : i32
        %dma_start3A_126 = arith.constant 0 : i32
        %dma_start3A_127 = tpu.memref_slice %arg10[%dma_start3A_125, %dma_start3A_126] : memref<10240x128xf32, #tpu.memory_space<vmem_shared>> -> memref<10240x128xf32, #tpu.memory_space<vmem_shared>>
        tpu.enqueue_indirect_dma source(%arg8 : memref<128x128xf32, #tpu.memory_space<vmem>>) target(%dma_start3A_127 : memref<10240x128xf32, #tpu.memory_space<vmem_shared>>) offsets(%dma_start3A_124 : memref<128xi32, #tpu.memory_space<vmem>>) semaphore(%run_scoped3A_121 : memref<!tpu.dma_semaphore, #tpu.memory_space<semaphore_mem>>) {add = true}
        %dma_wait3A_128 = arith.constant 0 : i32
        %dma_wait3A_129 = tpu.memref_slice %arg6[%run_scoped3A_114, %dma_wait3A_128] : memref<2x128xi32, #tpu.memory_space<vmem>> -> memref<1x128xi32, #tpu.memory_space<vmem>>
        %dma_wait3A_130 = tpu.memref_squeeze %dma_wait3A_129 : memref<1x128xi32, #tpu.memory_space<vmem>> -> memref<128xi32, #tpu.memory_space<vmem>>
        %dma_wait3A_131 = arith.constant 0 : i32
        %dma_wait3A_132 = arith.constant 0 : i32
        %dma_wait3A_133 = tpu.memref_slice %arg10[%dma_wait3A_131, %dma_wait3A_132] : memref<10240x128xf32, #tpu.memory_space<vmem_shared>> -> memref<10240x128xf32, #tpu.memory_space<vmem_shared>>
        tpu.wait_indirect_dma semaphore(%run_scoped3A_121 : memref<!tpu.dma_semaphore, #tpu.memory_space<semaphore_mem>>) src(%arg8 : memref<128x128xf32, #tpu.memory_space<vmem>>) dst(%dma_wait3A_133 : memref<10240x128xf32, #tpu.memory_space<vmem_shared>>)
        tpu.yield
      }) : () -> ()
      %add3A_115 = arith.constant 2 : i32
      %add3A_116 = arith.addi %add3A_100, %add3A_115 : i32
      %lt3A_117 = arith.cmpi slt, %add3A_116, %select_n3A_9 : i32
      %convert_element_type3A_118 = arith.extui %lt3A_117 : i1 to i32
      %cond3A_119 = arith.constant 0 : i32
      %cond3A_120 = arith.cmpi ne, %convert_element_type3A_118, %cond3A_119 : i32
      scf.if %cond3A_120 {
        %add3A_121 = arith.addi %select_n3A, %add3A_100 : i32
        %add3A_122 = arith.constant 2 : i32
        %add3A_123 = arith.addi %add3A_121, %add3A_122 : i32
        %dma_start3A_124 = arith.constant 0 : i32
        %dma_start3A_125 = arith.constant 0 : i32
        %dma_start3A_126 = tpu.memref_slice %arg2[%add3A_123, %dma_start3A_124, %dma_start3A_125] : memref<2560x2x128xi32, #tpu.memory_space<hbm>> -> memref<1x2x128xi32, #tpu.memory_space<hbm>>
        %dma_start3A_127 = tpu.memref_squeeze %dma_start3A_126 : memref<1x2x128xi32, #tpu.memory_space<hbm>> -> memref<2x128xi32, #tpu.memory_space<hbm>>
        %dma_start3A_128 = arith.constant 0 : i32
        %dma_start3A_129 = arith.constant 0 : i32
        %dma_start3A_130 = tpu.memref_slice %arg2[%add3A_123, %dma_start3A_128, %dma_start3A_129] : memref<2560x2x128xi32, #tpu.memory_space<hbm>> -> memref<1x2x128xi32, #tpu.memory_space<hbm>>
        %dma_start3A_131 = tpu.memref_squeeze %dma_start3A_130 : memref<1x2x128xi32, #tpu.memory_space<hbm>> -> memref<2x128xi32, #tpu.memory_space<hbm>>
        tpu.enqueue_dma source(%dma_start3A_131 : memref<2x128xi32, #tpu.memory_space<hbm>>) target(%arg6 : memref<2x128xi32, #tpu.memory_space<vmem>>) target_semaphore(%arg14 : memref<!tpu.dma_semaphore, #tpu.memory_space<semaphore_mem>>)
      } else {
      }
    }
    %while3A_65 = arith.constant 1 : i32
    scf.for %while3A_77 = %while3A_63 to %while3A_59 step %while3A_65  : i32 {
      %mul3A_78 = arith.constant 2 : i32
      %mul3A_79 = arith.muli %mul3A_78, %while3A_77 : i32
      %add3A_80 = arith.constant 0 : i32
      %add3A_81 = arith.addi %mul3A_79, %add3A_80 : i32
      %add3A_82 = arith.constant 1 : i32
      %add3A_83 = arith.addi %add3A_81, %add3A_82 : i32
      %lt3A = arith.cmpi slt, %add3A_83, %select_n3A_9 : i32
      %convert_element_type3A = arith.extui %lt3A : i1 to i32
      %cond3A = arith.constant 0 : i32
      %cond3A_84 = arith.cmpi ne, %convert_element_type3A, %cond3A : i32
      scf.if %cond3A_84 {
        %add3A_121 = arith.addi %select_n3A, %add3A_81 : i32
        %add3A_122 = arith.constant 1 : i32
        %add3A_123 = arith.addi %add3A_121, %add3A_122 : i32
        %dma_wait3A_124 = arith.constant 0 : i32
        %dma_wait3A_125 = arith.constant 0 : i32
        %dma_wait3A_126 = tpu.memref_slice %arg2[%add3A_123, %dma_wait3A_124, %dma_wait3A_125] : memref<2560x2x128xi32, #tpu.memory_space<hbm>> -> memref<1x2x128xi32, #tpu.memory_space<hbm>>
        %dma_wait3A_127 = tpu.memref_squeeze %dma_wait3A_126 : memref<1x2x128xi32, #tpu.memory_space<hbm>> -> memref<2x128xi32, #tpu.memory_space<hbm>>
        %dma_wait3A_128 = arith.constant 0 : i32
        %dma_wait3A_129 = arith.constant 0 : i32
        %dma_wait3A_130 = tpu.memref_slice %arg2[%add3A_123, %dma_wait3A_128, %dma_wait3A_129] : memref<2560x2x128xi32, #tpu.memory_space<hbm>> -> memref<1x2x128xi32, #tpu.memory_space<hbm>>
        %dma_wait3A_131 = tpu.memref_squeeze %dma_wait3A_130 : memref<1x2x128xi32, #tpu.memory_space<hbm>> -> memref<2x128xi32, #tpu.memory_space<hbm>>
        tpu.wait_dma2 semaphore(%arg14 : memref<!tpu.dma_semaphore, #tpu.memory_space<semaphore_mem>>) src(%dma_wait3A_131 : memref<2x128xi32, #tpu.memory_space<hbm>>) dst(%arg6 : memref<2x128xi32, #tpu.memory_space<vmem>>)
        %dma_start3A_132 = arith.constant 0 : i32
        %dma_start3A_133 = arith.constant 0 : i32
        %dma_start3A_134 = tpu.memref_slice %arg6[%dma_start3A_132, %dma_start3A_133] : memref<2x128xi32, #tpu.memory_space<vmem>> -> memref<1x128xi32, #tpu.memory_space<vmem>>
        %dma_start3A_135 = tpu.memref_squeeze %dma_start3A_134 : memref<1x128xi32, #tpu.memory_space<vmem>> -> memref<128xi32, #tpu.memory_space<vmem>>
        %dma_start3A_136 = arith.constant 0 : i32
        %dma_start3A_137 = arith.constant 0 : i32
        %dma_start3A_138 = tpu.memref_slice %arg3[%dma_start3A_136, %dma_start3A_137] : memref<10000x128xf32, #tpu.memory_space<hbm>> -> memref<10000x128xf32, #tpu.memory_space<hbm>>
        tpu.enqueue_indirect_dma source(%dma_start3A_138 : memref<10000x128xf32, #tpu.memory_space<hbm>>) target(%arg8 : memref<128x128xf32, #tpu.memory_space<vmem>>) offsets(%dma_start3A_135 : memref<128xi32, #tpu.memory_space<vmem>>) semaphore(%arg12 : memref<!tpu.dma_semaphore, #tpu.memory_space<semaphore_mem>>)
      } else {
      }
      %dma_wait3A = arith.constant 0 : i32
      %dma_wait3A_85 = arith.constant 0 : i32
      %dma_wait3A_86 = tpu.memref_slice %arg5[%dma_wait3A, %dma_wait3A_85] : memref<2x128xi32, #tpu.memory_space<vmem>> -> memref<1x128xi32, #tpu.memory_space<vmem>>
      %dma_wait3A_87 = tpu.memref_squeeze %dma_wait3A_86 : memref<1x128xi32, #tpu.memory_space<vmem>> -> memref<128xi32, #tpu.memory_space<vmem>>
      %dma_wait3A_88 = arith.constant 0 : i32
      %dma_wait3A_89 = arith.constant 0 : i32
      %dma_wait3A_90 = tpu.memref_slice %arg3[%dma_wait3A_88, %dma_wait3A_89] : memref<10000x128xf32, #tpu.memory_space<hbm>> -> memref<10000x128xf32, #tpu.memory_space<hbm>>
      tpu.wait_indirect_dma semaphore(%arg11 : memref<!tpu.dma_semaphore, #tpu.memory_space<semaphore_mem>>) src(%dma_wait3A_90 : memref<10000x128xf32, #tpu.memory_space<hbm>>) dst(%arg7 : memref<128x128xf32, #tpu.memory_space<vmem>>)
      %run_scoped3A = arith.constant 1 : i32
      "tpu.region"() ({
        %run_scoped3A_121 = tpu.sem_alloc : memref<!tpu.dma_semaphore, #tpu.memory_space<semaphore_mem>>
        %dma_start3A_122 = arith.constant 0 : i32
        %dma_start3A_123 = tpu.memref_slice %arg5[%run_scoped3A, %dma_start3A_122] : memref<2x128xi32, #tpu.memory_space<vmem>> -> memref<1x128xi32, #tpu.memory_space<vmem>>
        %dma_start3A_124 = tpu.memref_squeeze %dma_start3A_123 : memref<1x128xi32, #tpu.memory_space<vmem>> -> memref<128xi32, #tpu.memory_space<vmem>>
        %dma_start3A_125 = arith.constant 0 : i32
        %dma_start3A_126 = arith.constant 0 : i32
        %dma_start3A_127 = tpu.memref_slice %arg10[%dma_start3A_125, %dma_start3A_126] : memref<10240x128xf32, #tpu.memory_space<vmem_shared>> -> memref<10240x128xf32, #tpu.memory_space<vmem_shared>>
        tpu.enqueue_indirect_dma source(%arg7 : memref<128x128xf32, #tpu.memory_space<vmem>>) target(%dma_start3A_127 : memref<10240x128xf32, #tpu.memory_space<vmem_shared>>) offsets(%dma_start3A_124 : memref<128xi32, #tpu.memory_space<vmem>>) semaphore(%run_scoped3A_121 : memref<!tpu.dma_semaphore, #tpu.memory_space<semaphore_mem>>) {add = true}
        %dma_wait3A_128 = arith.constant 0 : i32
        %dma_wait3A_129 = tpu.memref_slice %arg5[%run_scoped3A, %dma_wait3A_128] : memref<2x128xi32, #tpu.memory_space<vmem>> -> memref<1x128xi32, #tpu.memory_space<vmem>>
        %dma_wait3A_130 = tpu.memref_squeeze %dma_wait3A_129 : memref<1x128xi32, #tpu.memory_space<vmem>> -> memref<128xi32, #tpu.memory_space<vmem>>
        %dma_wait3A_131 = arith.constant 0 : i32
        %dma_wait3A_132 = arith.constant 0 : i32
        %dma_wait3A_133 = tpu.memref_slice %arg10[%dma_wait3A_131, %dma_wait3A_132] : memref<10240x128xf32, #tpu.memory_space<vmem_shared>> -> memref<10240x128xf32, #tpu.memory_space<vmem_shared>>
        tpu.wait_indirect_dma semaphore(%run_scoped3A_121 : memref<!tpu.dma_semaphore, #tpu.memory_space<semaphore_mem>>) src(%arg7 : memref<128x128xf32, #tpu.memory_space<vmem>>) dst(%dma_wait3A_133 : memref<10240x128xf32, #tpu.memory_space<vmem_shared>>)
        tpu.yield
      }) : () -> ()
      %add3A_91 = arith.constant 2 : i32
      %add3A_92 = arith.addi %add3A_81, %add3A_91 : i32
      %lt3A_93 = arith.cmpi slt, %add3A_92, %select_n3A_9 : i32
      %convert_element_type3A_94 = arith.extui %lt3A_93 : i1 to i32
      %cond3A_95 = arith.constant 0 : i32
      %cond3A_96 = arith.cmpi ne, %convert_element_type3A_94, %cond3A_95 : i32
      scf.if %cond3A_96 {
        %add3A_121 = arith.addi %select_n3A, %add3A_81 : i32
        %add3A_122 = arith.constant 2 : i32
        %add3A_123 = arith.addi %add3A_121, %add3A_122 : i32
        %dma_start3A_124 = arith.constant 0 : i32
        %dma_start3A_125 = arith.constant 0 : i32
        %dma_start3A_126 = tpu.memref_slice %arg2[%add3A_123, %dma_start3A_124, %dma_start3A_125] : memref<2560x2x128xi32, #tpu.memory_space<hbm>> -> memref<1x2x128xi32, #tpu.memory_space<hbm>>
        %dma_start3A_127 = tpu.memref_squeeze %dma_start3A_126 : memref<1x2x128xi32, #tpu.memory_space<hbm>> -> memref<2x128xi32, #tpu.memory_space<hbm>>
        %dma_start3A_128 = arith.constant 0 : i32
        %dma_start3A_129 = arith.constant 0 : i32
        %dma_start3A_130 = tpu.memref_slice %arg2[%add3A_123, %dma_start3A_128, %dma_start3A_129] : memref<2560x2x128xi32, #tpu.memory_space<hbm>> -> memref<1x2x128xi32, #tpu.memory_space<hbm>>
        %dma_start3A_131 = tpu.memref_squeeze %dma_start3A_130 : memref<1x2x128xi32, #tpu.memory_space<hbm>> -> memref<2x128xi32, #tpu.memory_space<hbm>>
        tpu.enqueue_dma source(%dma_start3A_131 : memref<2x128xi32, #tpu.memory_space<hbm>>) target(%arg5 : memref<2x128xi32, #tpu.memory_space<vmem>>) target_semaphore(%arg13 : memref<!tpu.dma_semaphore, #tpu.memory_space<semaphore_mem>>)
      } else {
      }
      %mul3A_97 = arith.constant 2 : i32
      %mul3A_98 = arith.muli %mul3A_97, %while3A_77 : i32
      %add3A_99 = arith.constant 1 : i32
      %add3A_100 = arith.addi %mul3A_98, %add3A_99 : i32
      %add3A_101 = arith.constant 1 : i32
      %add3A_102 = arith.addi %add3A_100, %add3A_101 : i32
      %lt3A_103 = arith.cmpi slt, %add3A_102, %select_n3A_9 : i32
      %convert_element_type3A_104 = arith.extui %lt3A_103 : i1 to i32
      %cond3A_105 = arith.constant 0 : i32
      %cond3A_106 = arith.cmpi ne, %convert_element_type3A_104, %cond3A_105 : i32
      scf.if %cond3A_106 {
        %add3A_121 = arith.addi %select_n3A, %add3A_100 : i32
        %add3A_122 = arith.constant 1 : i32
        %add3A_123 = arith.addi %add3A_121, %add3A_122 : i32
        %dma_wait3A_124 = arith.constant 0 : i32
        %dma_wait3A_125 = arith.constant 0 : i32
        %dma_wait3A_126 = tpu.memref_slice %arg2[%add3A_123, %dma_wait3A_124, %dma_wait3A_125] : memref<2560x2x128xi32, #tpu.memory_space<hbm>> -> memref<1x2x128xi32, #tpu.memory_space<hbm>>
        %dma_wait3A_127 = tpu.memref_squeeze %dma_wait3A_126 : memref<1x2x128xi32, #tpu.memory_space<hbm>> -> memref<2x128xi32, #tpu.memory_space<hbm>>
        %dma_wait3A_128 = arith.constant 0 : i32
        %dma_wait3A_129 = arith.constant 0 : i32
        %dma_wait3A_130 = tpu.memref_slice %arg2[%add3A_123, %dma_wait3A_128, %dma_wait3A_129] : memref<2560x2x128xi32, #tpu.memory_space<hbm>> -> memref<1x2x128xi32, #tpu.memory_space<hbm>>
        %dma_wait3A_131 = tpu.memref_squeeze %dma_wait3A_130 : memref<1x2x128xi32, #tpu.memory_space<hbm>> -> memref<2x128xi32, #tpu.memory_space<hbm>>
        tpu.wait_dma2 semaphore(%arg13 : memref<!tpu.dma_semaphore, #tpu.memory_space<semaphore_mem>>) src(%dma_wait3A_131 : memref<2x128xi32, #tpu.memory_space<hbm>>) dst(%arg5 : memref<2x128xi32, #tpu.memory_space<vmem>>)
        %dma_start3A_132 = arith.constant 0 : i32
        %dma_start3A_133 = arith.constant 0 : i32
        %dma_start3A_134 = tpu.memref_slice %arg5[%dma_start3A_132, %dma_start3A_133] : memref<2x128xi32, #tpu.memory_space<vmem>> -> memref<1x128xi32, #tpu.memory_space<vmem>>
        %dma_start3A_135 = tpu.memref_squeeze %dma_start3A_134 : memref<1x128xi32, #tpu.memory_space<vmem>> -> memref<128xi32, #tpu.memory_space<vmem>>
        %dma_start3A_136 = arith.constant 0 : i32
        %dma_start3A_137 = arith.constant 0 : i32
        %dma_start3A_138 = tpu.memref_slice %arg3[%dma_start3A_136, %dma_start3A_137] : memref<10000x128xf32, #tpu.memory_space<hbm>> -> memref<10000x128xf32, #tpu.memory_space<hbm>>
        tpu.enqueue_indirect_dma source(%dma_start3A_138 : memref<10000x128xf32, #tpu.memory_space<hbm>>) target(%arg7 : memref<128x128xf32, #tpu.memory_space<vmem>>) offsets(%dma_start3A_135 : memref<128xi32, #tpu.memory_space<vmem>>) semaphore(%arg11 : memref<!tpu.dma_semaphore, #tpu.memory_space<semaphore_mem>>)
      } else {
      }
      %dma_wait3A_107 = arith.constant 0 : i32
      %dma_wait3A_108 = arith.constant 0 : i32
      %dma_wait3A_109 = tpu.memref_slice %arg6[%dma_wait3A_107, %dma_wait3A_108] : memref<2x128xi32, #tpu.memory_space<vmem>> -> memref<1x128xi32, #tpu.memory_space<vmem>>
      %dma_wait3A_110 = tpu.memref_squeeze %dma_wait3A_109 : memref<1x128xi32, #tpu.memory_space<vmem>> -> memref<128xi32, #tpu.memory_space<vmem>>
      %dma_wait3A_111 = arith.constant 0 : i32
      %dma_wait3A_112 = arith.constant 0 : i32
      %dma_wait3A_113 = tpu.memref_slice %arg3[%dma_wait3A_111, %dma_wait3A_112] : memref<10000x128xf32, #tpu.memory_space<hbm>> -> memref<10000x128xf32, #tpu.memory_space<hbm>>
      tpu.wait_indirect_dma semaphore(%arg12 : memref<!tpu.dma_semaphore, #tpu.memory_space<semaphore_mem>>) src(%dma_wait3A_113 : memref<10000x128xf32, #tpu.memory_space<hbm>>) dst(%arg8 : memref<128x128xf32, #tpu.memory_space<vmem>>)
      %run_scoped3A_114 = arith.constant 1 : i32
      "tpu.region"() ({
        %run_scoped3A_121 = tpu.sem_alloc : memref<!tpu.dma_semaphore, #tpu.memory_space<semaphore_mem>>
        %dma_start3A_122 = arith.constant 0 : i32
        %dma_start3A_123 = tpu.memref_slice %arg6[%run_scoped3A_114, %dma_start3A_122] : memref<2x128xi32, #tpu.memory_space<vmem>> -> memref<1x128xi32, #tpu.memory_space<vmem>>
        %dma_start3A_124 = tpu.memref_squeeze %dma_start3A_123 : memref<1x128xi32, #tpu.memory_space<vmem>> -> memref<128xi32, #tpu.memory_space<vmem>>
        %dma_start3A_125 = arith.constant 0 : i32
        %dma_start3A_126 = arith.constant 0 : i32
        %dma_start3A_127 = tpu.memref_slice %arg10[%dma_start3A_125, %dma_start3A_126] : memref<10240x128xf32, #tpu.memory_space<vmem_shared>> -> memref<10240x128xf32, #tpu.memory_space<vmem_shared>>
        tpu.enqueue_indirect_dma source(%arg8 : memref<128x128xf32, #tpu.memory_space<vmem>>) target(%dma_start3A_127 : memref<10240x128xf32, #tpu.memory_space<vmem_shared>>) offsets(%dma_start3A_124 : memref<128xi32, #tpu.memory_space<vmem>>) semaphore(%run_scoped3A_121 : memref<!tpu.dma_semaphore, #tpu.memory_space<semaphore_mem>>) {add = true}
        %dma_wait3A_128 = arith.constant 0 : i32
        %dma_wait3A_129 = tpu.memref_slice %arg6[%run_scoped3A_114, %dma_wait3A_128] : memref<2x128xi32, #tpu.memory_space<vmem>> -> memref<1x128xi32, #tpu.memory_space<vmem>>
        %dma_wait3A_130 = tpu.memref_squeeze %dma_wait3A_129 : memref<1x128xi32, #tpu.memory_space<vmem>> -> memref<128xi32, #tpu.memory_space<vmem>>
        %dma_wait3A_131 = arith.constant 0 : i32
        %dma_wait3A_132 = arith.constant 0 : i32
        %dma_wait3A_133 = tpu.memref_slice %arg10[%dma_wait3A_131, %dma_wait3A_132] : memref<10240x128xf32, #tpu.memory_space<vmem_shared>> -> memref<10240x128xf32, #tpu.memory_space<vmem_shared>>
        tpu.wait_indirect_dma semaphore(%run_scoped3A_121 : memref<!tpu.dma_semaphore, #tpu.memory_space<semaphore_mem>>) src(%arg8 : memref<128x128xf32, #tpu.memory_space<vmem>>) dst(%dma_wait3A_133 : memref<10240x128xf32, #tpu.memory_space<vmem_shared>>)
        tpu.yield
      }) : () -> ()
      %add3A_115 = arith.constant 2 : i32
      %add3A_116 = arith.addi %add3A_100, %add3A_115 : i32
      %lt3A_117 = arith.cmpi slt, %add3A_116, %select_n3A_9 : i32
      %convert_element_type3A_118 = arith.extui %lt3A_117 : i1 to i32
      %cond3A_119 = arith.constant 0 : i32
      %cond3A_120 = arith.cmpi ne, %convert_element_type3A_118, %cond3A_119 : i32
      scf.if %cond3A_120 {
        %add3A_121 = arith.addi %select_n3A, %add3A_100 : i32
        %add3A_122 = arith.constant 2 : i32
        %add3A_123 = arith.addi %add3A_121, %add3A_122 : i32
        %dma_start3A_124 = arith.constant 0 : i32
        %dma_start3A_125 = arith.constant 0 : i32
        %dma_start3A_126 = tpu.memref_slice %arg2[%add3A_123, %dma_start3A_124, %dma_start3A_125] : memref<2560x2x128xi32, #tpu.memory_space<hbm>> -> memref<1x2x128xi32, #tpu.memory_space<hbm>>
        %dma_start3A_127 = tpu.memref_squeeze %dma_start3A_126 : memref<1x2x128xi32, #tpu.memory_space<hbm>> -> memref<2x128xi32, #tpu.memory_space<hbm>>
        %dma_start3A_128 = arith.constant 0 : i32
        %dma_start3A_129 = arith.constant 0 : i32
        %dma_start3A_130 = tpu.memref_slice %arg2[%add3A_123, %dma_start3A_128, %dma_start3A_129] : memref<2560x2x128xi32, #tpu.memory_space<hbm>> -> memref<1x2x128xi32, #tpu.memory_space<hbm>>
        %dma_start3A_131 = tpu.memref_squeeze %dma_start3A_130 : memref<1x2x128xi32, #tpu.memory_space<hbm>> -> memref<2x128xi32, #tpu.memory_space<hbm>>
        tpu.enqueue_dma source(%dma_start3A_131 : memref<2x128xi32, #tpu.memory_space<hbm>>) target(%arg6 : memref<2x128xi32, #tpu.memory_space<vmem>>) target_semaphore(%arg14 : memref<!tpu.dma_semaphore, #tpu.memory_space<semaphore_mem>>)
      } else {
      }
    }
    %barrier3A_66 = arith.constant 0 : index
    tpu.barrier barrier_id(%barrier3A_66)
    "tpu.trace_stop"() : () -> ()
    "tpu.trace_start"() <{level = 10 : i32, message = "agg_copyout"}> : () -> ()
    %add3A_67 = arith.constant 0 : i32
    %add3A_68 = arith.addi %mul3A_17, %add3A_67 : i32
    "tpu.region"() ({
      %run_scoped3A = tpu.sem_alloc : memref<!tpu.dma_semaphore, #tpu.memory_space<semaphore_mem>>
      %dma_start3A_77 = arith.constant 0 : i32
      %dma_start3A_78 = tpu.memref_slice %arg4[%arg0, %add3A_68, %dma_start3A_77] : memref<2x10240x128xf32, #tpu.memory_space<hbm>> -> memref<1x128x128xf32, #tpu.memory_space<hbm>>
      %dma_start3A_79 = tpu.memref_squeeze %dma_start3A_78 : memref<1x128x128xf32, #tpu.memory_space<hbm>> -> memref<128x128xf32, #tpu.memory_space<hbm>>
      %dma_start3A_80 = arith.constant 0 : i32
      %dma_start3A_81 = tpu.memref_slice %arg10[%add3A_68, %dma_start3A_80] : memref<10240x128xf32, #tpu.memory_space<vmem_shared>> -> memref<128x128xf32, #tpu.memory_space<vmem_shared>>
      tpu.enqueue_dma source(%dma_start3A_81 : memref<128x128xf32, #tpu.memory_space<vmem_shared>>) target(%dma_start3A_79 : memref<128x128xf32, #tpu.memory_space<hbm>>) target_semaphore(%run_scoped3A : memref<!tpu.dma_semaphore, #tpu.memory_space<semaphore_mem>>)
      %dma_wait3A = arith.constant 0 : i32
      %dma_wait3A_82 = tpu.memref_slice %arg4[%arg0, %add3A_68, %dma_wait3A] : memref<2x10240x128xf32, #tpu.memory_space<hbm>> -> memref<1x128x128xf32, #tpu.memory_space<hbm>>
      %dma_wait3A_83 = tpu.memref_squeeze %dma_wait3A_82 : memref<1x128x128xf32, #tpu.memory_space<hbm>> -> memref<128x128xf32, #tpu.memory_space<hbm>>
      %dma_wait3A_84 = arith.constant 0 : i32
      %dma_wait3A_85 = tpu.memref_slice %arg10[%add3A_68, %dma_wait3A_84] : memref<10240x128xf32, #tpu.memory_space<vmem_shared>> -> memref<128x128xf32, #tpu.memory_space<vmem_shared>>
      tpu.wait_dma2 semaphore(%run_scoped3A : memref<!tpu.dma_semaphore, #tpu.memory_space<semaphore_mem>>) src(%dma_wait3A_85 : memref<128x128xf32, #tpu.memory_space<vmem_shared>>) dst(%dma_wait3A_83 : memref<128x128xf32, #tpu.memory_space<hbm>>)
      tpu.yield
    }) : () -> ()
    %add3A_69 = arith.constant 128 : i32
    %add3A_70 = arith.addi %mul3A_17, %add3A_69 : i32
    "tpu.region"() ({
      %run_scoped3A = tpu.sem_alloc : memref<!tpu.dma_semaphore, #tpu.memory_space<semaphore_mem>>
      %dma_start3A_77 = arith.constant 0 : i32
      %dma_start3A_78 = tpu.memref_slice %arg4[%arg0, %add3A_70, %dma_start3A_77] : memref<2x10240x128xf32, #tpu.memory_space<hbm>> -> memref<1x128x128xf32, #tpu.memory_space<hbm>>
      %dma_start3A_79 = tpu.memref_squeeze %dma_start3A_78 : memref<1x128x128xf32, #tpu.memory_space<hbm>> -> memref<128x128xf32, #tpu.memory_space<hbm>>
      %dma_start3A_80 = arith.constant 0 : i32
      %dma_start3A_81 = tpu.memref_slice %arg10[%add3A_70, %dma_start3A_80] : memref<10240x128xf32, #tpu.memory_space<vmem_shared>> -> memref<128x128xf32, #tpu.memory_space<vmem_shared>>
      tpu.enqueue_dma source(%dma_start3A_81 : memref<128x128xf32, #tpu.memory_space<vmem_shared>>) target(%dma_start3A_79 : memref<128x128xf32, #tpu.memory_space<hbm>>) target_semaphore(%run_scoped3A : memref<!tpu.dma_semaphore, #tpu.memory_space<semaphore_mem>>)
      %dma_wait3A = arith.constant 0 : i32
      %dma_wait3A_82 = tpu.memref_slice %arg4[%arg0, %add3A_70, %dma_wait3A] : memref<2x10240x128xf32, #tpu.memory_space<hbm>> -> memref<1x128x128xf32, #tpu.memory_space<hbm>>
      %dma_wait3A_83 = tpu.memref_squeeze %dma_wait3A_82 : memref<1x128x128xf32, #tpu.memory_space<hbm>> -> memref<128x128xf32, #tpu.memory_space<hbm>>
      %dma_wait3A_84 = arith.constant 0 : i32
      %dma_wait3A_85 = tpu.memref_slice %arg10[%add3A_70, %dma_wait3A_84] : memref<10240x128xf32, #tpu.memory_space<vmem_shared>> -> memref<128x128xf32, #tpu.memory_space<vmem_shared>>
      tpu.wait_dma2 semaphore(%run_scoped3A : memref<!tpu.dma_semaphore, #tpu.memory_space<semaphore_mem>>) src(%dma_wait3A_85 : memref<128x128xf32, #tpu.memory_space<vmem_shared>>) dst(%dma_wait3A_83 : memref<128x128xf32, #tpu.memory_space<hbm>>)
      tpu.yield
    }) : () -> ()
    %add3A_71 = arith.constant 256 : i32
    %add3A_72 = arith.addi %mul3A_17, %add3A_71 : i32
    "tpu.region"() ({
      %run_scoped3A = tpu.sem_alloc : memref<!tpu.dma_semaphore, #tpu.memory_space<semaphore_mem>>
      %dma_start3A_77 = arith.constant 0 : i32
      %dma_start3A_78 = tpu.memref_slice %arg4[%arg0, %add3A_72, %dma_start3A_77] : memref<2x10240x128xf32, #tpu.memory_space<hbm>> -> memref<1x128x128xf32, #tpu.memory_space<hbm>>
      %dma_start3A_79 = tpu.memref_squeeze %dma_start3A_78 : memref<1x128x128xf32, #tpu.memory_space<hbm>> -> memref<128x128xf32, #tpu.memory_space<hbm>>
      %dma_start3A_80 = arith.constant 0 : i32
      %dma_start3A_81 = tpu.memref_slice %arg10[%add3A_72, %dma_start3A_80] : memref<10240x128xf32, #tpu.memory_space<vmem_shared>> -> memref<128x128xf32, #tpu.memory_space<vmem_shared>>
      tpu.enqueue_dma source(%dma_start3A_81 : memref<128x128xf32, #tpu.memory_space<vmem_shared>>) target(%dma_start3A_79 : memref<128x128xf32, #tpu.memory_space<hbm>>) target_semaphore(%run_scoped3A : memref<!tpu.dma_semaphore, #tpu.memory_space<semaphore_mem>>)
      %dma_wait3A = arith.constant 0 : i32
      %dma_wait3A_82 = tpu.memref_slice %arg4[%arg0, %add3A_72, %dma_wait3A] : memref<2x10240x128xf32, #tpu.memory_space<hbm>> -> memref<1x128x128xf32, #tpu.memory_space<hbm>>
      %dma_wait3A_83 = tpu.memref_squeeze %dma_wait3A_82 : memref<1x128x128xf32, #tpu.memory_space<hbm>> -> memref<128x128xf32, #tpu.memory_space<hbm>>
      %dma_wait3A_84 = arith.constant 0 : i32
      %dma_wait3A_85 = tpu.memref_slice %arg10[%add3A_72, %dma_wait3A_84] : memref<10240x128xf32, #tpu.memory_space<vmem_shared>> -> memref<128x128xf32, #tpu.memory_space<vmem_shared>>
      tpu.wait_dma2 semaphore(%run_scoped3A : memref<!tpu.dma_semaphore, #tpu.memory_space<semaphore_mem>>) src(%dma_wait3A_85 : memref<128x128xf32, #tpu.memory_space<vmem_shared>>) dst(%dma_wait3A_83 : memref<128x128xf32, #tpu.memory_space<hbm>>)
      tpu.yield
    }) : () -> ()
    %add3A_73 = arith.constant 384 : i32
    %add3A_74 = arith.addi %mul3A_17, %add3A_73 : i32
    "tpu.region"() ({
      %run_scoped3A = tpu.sem_alloc : memref<!tpu.dma_semaphore, #tpu.memory_space<semaphore_mem>>
      %dma_start3A_77 = arith.constant 0 : i32
      %dma_start3A_78 = tpu.memref_slice %arg4[%arg0, %add3A_74, %dma_start3A_77] : memref<2x10240x128xf32, #tpu.memory_space<hbm>> -> memref<1x128x128xf32, #tpu.memory_space<hbm>>
      %dma_start3A_79 = tpu.memref_squeeze %dma_start3A_78 : memref<1x128x128xf32, #tpu.memory_space<hbm>> -> memref<128x128xf32, #tpu.memory_space<hbm>>
      %dma_start3A_80 = arith.constant 0 : i32
      %dma_start3A_81 = tpu.memref_slice %arg10[%add3A_74, %dma_start3A_80] : memref<10240x128xf32, #tpu.memory_space<vmem_shared>> -> memref<128x128xf32, #tpu.memory_space<vmem_shared>>
      tpu.enqueue_dma source(%dma_start3A_81 : memref<128x128xf32, #tpu.memory_space<vmem_shared>>) target(%dma_start3A_79 : memref<128x128xf32, #tpu.memory_space<hbm>>) target_semaphore(%run_scoped3A : memref<!tpu.dma_semaphore, #tpu.memory_space<semaphore_mem>>)
      %dma_wait3A = arith.constant 0 : i32
      %dma_wait3A_82 = tpu.memref_slice %arg4[%arg0, %add3A_74, %dma_wait3A] : memref<2x10240x128xf32, #tpu.memory_space<hbm>> -> memref<1x128x128xf32, #tpu.memory_space<hbm>>
      %dma_wait3A_83 = tpu.memref_squeeze %dma_wait3A_82 : memref<1x128x128xf32, #tpu.memory_space<hbm>> -> memref<128x128xf32, #tpu.memory_space<hbm>>
      %dma_wait3A_84 = arith.constant 0 : i32
      %dma_wait3A_85 = tpu.memref_slice %arg10[%add3A_74, %dma_wait3A_84] : memref<10240x128xf32, #tpu.memory_space<vmem_shared>> -> memref<128x128xf32, #tpu.memory_space<vmem_shared>>
      tpu.wait_dma2 semaphore(%run_scoped3A : memref<!tpu.dma_semaphore, #tpu.memory_space<semaphore_mem>>) src(%dma_wait3A_85 : memref<128x128xf32, #tpu.memory_space<vmem_shared>>) dst(%dma_wait3A_83 : memref<128x128xf32, #tpu.memory_space<hbm>>)
      tpu.yield
    }) : () -> ()
    %add3A_75 = arith.constant 512 : i32
    %add3A_76 = arith.addi %mul3A_17, %add3A_75 : i32
    "tpu.region"() ({
      %run_scoped3A = tpu.sem_alloc : memref<!tpu.dma_semaphore, #tpu.memory_space<semaphore_mem>>
      %dma_start3A_77 = arith.constant 0 : i32
      %dma_start3A_78 = tpu.memref_slice %arg4[%arg0, %add3A_76, %dma_start3A_77] : memref<2x10240x128xf32, #tpu.memory_space<hbm>> -> memref<1x128x128xf32, #tpu.memory_space<hbm>>
      %dma_start3A_79 = tpu.memref_squeeze %dma_start3A_78 : memref<1x128x128xf32, #tpu.memory_space<hbm>> -> memref<128x128xf32, #tpu.memory_space<hbm>>
      %dma_start3A_80 = arith.constant 0 : i32
      %dma_start3A_81 = tpu.memref_slice %arg10[%add3A_76, %dma_start3A_80] : memref<10240x128xf32, #tpu.memory_space<vmem_shared>> -> memref<128x128xf32, #tpu.memory_space<vmem_shared>>
      tpu.enqueue_dma source(%dma_start3A_81 : memref<128x128xf32, #tpu.memory_space<vmem_shared>>) target(%dma_start3A_79 : memref<128x128xf32, #tpu.memory_space<hbm>>) target_semaphore(%run_scoped3A : memref<!tpu.dma_semaphore, #tpu.memory_space<semaphore_mem>>)
      %dma_wait3A = arith.constant 0 : i32
      %dma_wait3A_82 = tpu.memref_slice %arg4[%arg0, %add3A_76, %dma_wait3A] : memref<2x10240x128xf32, #tpu.memory_space<hbm>> -> memref<1x128x128xf32, #tpu.memory_space<hbm>>
      %dma_wait3A_83 = tpu.memref_squeeze %dma_wait3A_82 : memref<1x128x128xf32, #tpu.memory_space<hbm>> -> memref<128x128xf32, #tpu.memory_space<hbm>>
      %dma_wait3A_84 = arith.constant 0 : i32
      %dma_wait3A_85 = tpu.memref_slice %arg10[%add3A_76, %dma_wait3A_84] : memref<10240x128xf32, #tpu.memory_space<vmem_shared>> -> memref<128x128xf32, #tpu.memory_space<vmem_shared>>
      tpu.wait_dma2 semaphore(%run_scoped3A : memref<!tpu.dma_semaphore, #tpu.memory_space<semaphore_mem>>) src(%dma_wait3A_85 : memref<128x128xf32, #tpu.memory_space<vmem_shared>>) dst(%dma_wait3A_83 : memref<128x128xf32, #tpu.memory_space<hbm>>)
      tpu.yield
    }) : () -> ()
    "tpu.trace_stop"() : () -> ()
    return
  }
}

module attributes {stable_mosaic.version = 14 : i64} {
  func.func @_tc_scale_body(%arg0: i32, %arg1: memref<2x512x1xf32, #tpu.memory_space<vmem>>, %arg2: memref<512x128xf32, #tpu.memory_space<vmem>>, %arg3: memref<512x128xf32, #tpu.memory_space<vmem>>) attributes {dimension_semantics = [#tpu.dimension_semantics<arbitrary>], iteration_bounds = array<i64: 20>, scalar_prefetch = 0 : i64, scratch_operands = 0 : i64, tpu.core_type = #tpu.core_type<tc>, window_params = [{transform_indices = @transform_0, window_bounds = array<i64: 2, 512, 1>}, {transform_indices = @transform_1, window_bounds = array<i64: 512, 128>}, {transform_indices = @transform_2, window_bounds = array<i64: 512, 128>}]} {
    %get3A = arith.constant 0 : index
    %get3A_0 = arith.constant 0 : index
    %get3A_1 = vector.load %arg2[%get3A, %get3A_0] : memref<512x128xf32, #tpu.memory_space<vmem>>, vector<512x128xf32>
    %get3A_2 = arith.constant 0 : index
    %get3A_3 = arith.constant 0 : index
    %get3A_4 = arith.constant 0 : index
    %get3A_5 = vector.load %arg1[%get3A_2, %get3A_3, %get3A_4] : memref<2x512x1xf32, #tpu.memory_space<vmem>>, vector<1x512x1xf32>
    %get3A_6 = vector.shape_cast %get3A_5 : vector<1x512x1xf32> to vector<512x1xf32>
    %get3A_7 = arith.constant 1 : index
    %get3A_8 = arith.constant 0 : index
    %get3A_9 = arith.constant 0 : index
    %get3A_10 = vector.load %arg1[%get3A_7, %get3A_8, %get3A_9] : memref<2x512x1xf32, #tpu.memory_space<vmem>>, vector<1x512x1xf32>
    %get3A_11 = vector.shape_cast %get3A_10 : vector<1x512x1xf32> to vector<512x1xf32>
    %add3A = arith.addf %get3A_6, %get3A_11 : vector<512x1xf32>
    %add3A_12 = arith.constant 1.000000e+00 : f32
    %add3A_13 = vector.broadcast %add3A_12 : f32 to vector<512x1xf32>
    %add3A_14 = arith.addf %add3A, %add3A_13 : vector<512x1xf32>
    %rsqrt3A = math.rsqrt %add3A_14 : vector<512x1xf32>
    %mul3A = vector.broadcast %rsqrt3A : vector<512x1xf32> to vector<512x128xf32>
    %mul3A_15 = arith.mulf %get3A_1, %mul3A : vector<512x128xf32>
    %swap3A = arith.constant 0 : index
    %swap3A_16 = arith.constant 0 : index
    %swap3A_17 = vector.load %arg3[%swap3A, %swap3A_16] : memref<512x128xf32, #tpu.memory_space<vmem>>, vector<512x128xf32>
    tpu.vector_store %arg3[%swap3A, %swap3A_16], %mul3A_15 {strides = array<i32>} : memref<512x128xf32, #tpu.memory_space<vmem>>, vector<512x128xf32>,
    return
  }
  func.func @transform_0(%arg0: i32) -> (i32, i32, i32) {
    %c0_i32 = arith.constant 0 : i32
    %c0_i32_0 = arith.constant 0 : i32
    %c0_i32_1 = arith.constant 0 : i32
    return %c0_i32, %arg0, %c0_i32_0 : i32, i32, i32
  }
  func.func @transform_1(%arg0: i32) -> (i32, i32) {
    %c0_i32 = arith.constant 0 : i32
    %c0_i32_0 = arith.constant 0 : i32
    return %arg0, %c0_i32 : i32, i32
  }
  func.func @transform_2(%arg0: i32) -> (i32, i32) {
    %c0_i32 = arith.constant 0 : i32
    %c0_i32_0 = arith.constant 0 : i32
    return %arg0, %c0_i32 : i32, i32
  }
}

module attributes {stable_mosaic.version = 14 : i64} {
  func.func @_tc_hidden_body(%arg0: i32, %arg1: memref<2x512x1xf32, #tpu.memory_space<vmem>>, %arg2: memref<2x512x128xf32, #tpu.memory_space<vmem>>, %arg3: memref<512x128xf32, #tpu.memory_space<vmem>>, %arg4: memref<128x128xf32, #tpu.memory_space<vmem>>, %arg5: memref<1x128xf32, #tpu.memory_space<vmem>>, %arg6: memref<512x128xf32, #tpu.memory_space<vmem>>) attributes {dimension_semantics = [#tpu.dimension_semantics<arbitrary>], iteration_bounds = array<i64: 20>, scalar_prefetch = 0 : i64, scratch_operands = 0 : i64, tpu.core_type = #tpu.core_type<tc>, window_params = [{transform_indices = @transform_0, window_bounds = array<i64: 2, 512, 1>}, {transform_indices = @transform_1, window_bounds = array<i64: 2, 512, 128>}, {transform_indices = @transform_2, window_bounds = array<i64: 512, 128>}, {pipeline_mode = #tpu.pipeline_mode<synchronous>, transform_indices = @transform_3, window_bounds = array<i64: 128, 128>}, {pipeline_mode = #tpu.pipeline_mode<synchronous>, transform_indices = @transform_4, window_bounds = array<i64: 1, 128>}, {transform_indices = @transform_5, window_bounds = array<i64: 512, 128>}]} {
    %get3A = arith.constant 0 : index
    %get3A_0 = arith.constant 0 : index
    %get3A_1 = arith.constant 0 : index
    %get3A_2 = vector.load %arg1[%get3A, %get3A_0, %get3A_1] : memref<2x512x1xf32, #tpu.memory_space<vmem>>, vector<1x512x1xf32>
    %get3A_3 = vector.shape_cast %get3A_2 : vector<1x512x1xf32> to vector<512x1xf32>
    %get3A_4 = arith.constant 1 : index
    %get3A_5 = arith.constant 0 : index
    %get3A_6 = arith.constant 0 : index
    %get3A_7 = vector.load %arg1[%get3A_4, %get3A_5, %get3A_6] : memref<2x512x1xf32, #tpu.memory_space<vmem>>, vector<1x512x1xf32>
    %get3A_8 = vector.shape_cast %get3A_7 : vector<1x512x1xf32> to vector<512x1xf32>
    %add3A = arith.addf %get3A_3, %get3A_8 : vector<512x1xf32>
    %add3A_9 = arith.constant 1.000000e+00 : f32
    %add3A_10 = vector.broadcast %add3A_9 : f32 to vector<512x1xf32>
    %add3A_11 = arith.addf %add3A, %add3A_10 : vector<512x1xf32>
    %rsqrt3A = math.rsqrt %add3A_11 : vector<512x1xf32>
    %get3A_12 = arith.constant 0 : index
    %get3A_13 = arith.constant 0 : index
    %get3A_14 = arith.constant 0 : index
    %get3A_15 = vector.load %arg2[%get3A_12, %get3A_13, %get3A_14] : memref<2x512x128xf32, #tpu.memory_space<vmem>>, vector<1x512x128xf32>
    %get3A_16 = vector.shape_cast %get3A_15 : vector<1x512x128xf32> to vector<512x128xf32>
    %get3A_17 = arith.constant 1 : index
    %get3A_18 = arith.constant 0 : index
    %get3A_19 = arith.constant 0 : index
    %get3A_20 = vector.load %arg2[%get3A_17, %get3A_18, %get3A_19] : memref<2x512x128xf32, #tpu.memory_space<vmem>>, vector<1x512x128xf32>
    %get3A_21 = vector.shape_cast %get3A_20 : vector<1x512x128xf32> to vector<512x128xf32>
    %add3A_22 = arith.addf %get3A_16, %get3A_21 : vector<512x128xf32>
    %get3A_23 = arith.constant 0 : index
    %get3A_24 = arith.constant 0 : index
    %get3A_25 = vector.load %arg3[%get3A_23, %get3A_24] : memref<512x128xf32, #tpu.memory_space<vmem>>, vector<512x128xf32>
    %add3A_26 = arith.addf %add3A_22, %get3A_25 : vector<512x128xf32>
    %mul3A = vector.broadcast %rsqrt3A : vector<512x1xf32> to vector<512x128xf32>
    %mul3A_27 = arith.mulf %add3A_26, %mul3A : vector<512x128xf32>
    %get3A_28 = arith.constant 0 : index
    %get3A_29 = arith.constant 0 : index
    %get3A_30 = vector.load %arg4[%get3A_28, %get3A_29] : memref<128x128xf32, #tpu.memory_space<vmem>>, vector<128x128xf32>
    %dot_general3A = arith.constant dense<0.000000e+00> : vector<512x128xf32>
    %dot_general3A_31 = tpu.matmul %mul3A_27, %get3A_30, %dot_general3A {dimension_numbers = #tpu.dot_dimension_numbers<[1], [0], [0], [1], [0, 0, 1, 1], [], []>, transpose_lhs_hint = false} : vector<512x128xf32>, vector<128x128xf32>, vector<512x128xf32> -> vector<512x128xf32>
    %get3A_32 = arith.constant 0 : index
    %get3A_33 = arith.constant 0 : index
    %get3A_34 = vector.load %arg5[%get3A_32, %get3A_33] : memref<1x128xf32, #tpu.memory_space<vmem>>, vector<1x128xf32>
    %add3A_35 = vector.broadcast %get3A_34 : vector<1x128xf32> to vector<512x128xf32>
    %add3A_36 = arith.addf %dot_general3A_31, %add3A_35 : vector<512x128xf32>
    %max3A = arith.constant 0.000000e+00 : f32
    %max3A_37 = vector.broadcast %max3A : f32 to vector<512x128xf32>
    %max3A_38 = arith.maximumf %add3A_36, %max3A_37 : vector<512x128xf32>
    %mul3A_39 = vector.broadcast %rsqrt3A : vector<512x1xf32> to vector<512x128xf32>
    %mul3A_40 = arith.mulf %max3A_38, %mul3A_39 : vector<512x128xf32>
    %swap3A = arith.constant 0 : index
    %swap3A_41 = arith.constant 0 : index
    %swap3A_42 = vector.load %arg6[%swap3A, %swap3A_41] : memref<512x128xf32, #tpu.memory_space<vmem>>, vector<512x128xf32>
    tpu.vector_store %arg6[%swap3A, %swap3A_41], %mul3A_40 {strides = array<i32>} : memref<512x128xf32, #tpu.memory_space<vmem>>, vector<512x128xf32>,
    return
  }
  func.func @transform_0(%arg0: i32) -> (i32, i32, i32) {
    %c0_i32 = arith.constant 0 : i32
    %c0_i32_0 = arith.constant 0 : i32
    %c0_i32_1 = arith.constant 0 : i32
    return %c0_i32, %arg0, %c0_i32_0 : i32, i32, i32
  }
  func.func @transform_1(%arg0: i32) -> (i32, i32, i32) {
    %c0_i32 = arith.constant 0 : i32
    %c0_i32_0 = arith.constant 0 : i32
    %c0_i32_1 = arith.constant 0 : i32
    return %c0_i32, %arg0, %c0_i32_0 : i32, i32, i32
  }
  func.func @transform_2(%arg0: i32) -> (i32, i32) {
    %c0_i32 = arith.constant 0 : i32
    %c0_i32_0 = arith.constant 0 : i32
    return %arg0, %c0_i32 : i32, i32
  }
  func.func @transform_3(%arg0: i32) -> (i32, i32) {
    %c0_i32 = arith.constant 0 : i32
    %c0_i32_0 = arith.constant 0 : i32
    %c0_i32_1 = arith.constant 0 : i32
    return %c0_i32, %c0_i32_0 : i32, i32
  }
  func.func @transform_4(%arg0: i32) -> (i32, i32) {
    %c0_i32 = arith.constant 0 : i32
    %c0_i32_0 = arith.constant 0 : i32
    %c0_i32_1 = arith.constant 0 : i32
    return %c0_i32, %c0_i32_0 : i32, i32
  }
  func.func @transform_5(%arg0: i32) -> (i32, i32) {
    %c0_i32 = arith.constant 0 : i32
    %c0_i32_0 = arith.constant 0 : i32
    return %arg0, %c0_i32 : i32, i32
  }
}

module attributes {stable_mosaic.version = 14 : i64} {
  func.func @_tc_out_body(%arg0: i32, %arg1: memref<2x512x1xf32, #tpu.memory_space<vmem>>, %arg2: memref<2x512x128xf32, #tpu.memory_space<vmem>>, %arg3: memref<512x128xf32, #tpu.memory_space<vmem>>, %arg4: memref<128x64xf32, #tpu.memory_space<vmem>>, %arg5: memref<1x64xf32, #tpu.memory_space<vmem>>, %arg6: memref<128x64xf32, #tpu.memory_space<vmem>>, %arg7: memref<1x64xf32, #tpu.memory_space<vmem>>, %arg8: memref<512x64xf32, #tpu.memory_space<vmem>>, %arg9: memref<512x64xf32, #tpu.memory_space<vmem>>) attributes {dimension_semantics = [#tpu.dimension_semantics<arbitrary>], iteration_bounds = array<i64: 20>, scalar_prefetch = 0 : i64, scratch_operands = 0 : i64, tpu.core_type = #tpu.core_type<tc>, window_params = [{transform_indices = @transform_0, window_bounds = array<i64: 2, 512, 1>}, {transform_indices = @transform_1, window_bounds = array<i64: 2, 512, 128>}, {transform_indices = @transform_2, window_bounds = array<i64: 512, 128>}, {pipeline_mode = #tpu.pipeline_mode<synchronous>, transform_indices = @transform_3, window_bounds = array<i64: 128, 64>}, {pipeline_mode = #tpu.pipeline_mode<synchronous>, transform_indices = @transform_4, window_bounds = array<i64: 1, 64>}, {pipeline_mode = #tpu.pipeline_mode<synchronous>, transform_indices = @transform_5, window_bounds = array<i64: 128, 64>}, {pipeline_mode = #tpu.pipeline_mode<synchronous>, transform_indices = @transform_6, window_bounds = array<i64: 1, 64>}, {transform_indices = @transform_7, window_bounds = array<i64: 512, 64>}, {transform_indices = @transform_8, window_bounds = array<i64: 512, 64>}]} {
    %get3A = arith.constant 0 : index
    %get3A_0 = arith.constant 0 : index
    %get3A_1 = arith.constant 0 : index
    %get3A_2 = vector.load %arg1[%get3A, %get3A_0, %get3A_1] : memref<2x512x1xf32, #tpu.memory_space<vmem>>, vector<1x512x1xf32>
    %get3A_3 = vector.shape_cast %get3A_2 : vector<1x512x1xf32> to vector<512x1xf32>
    %get3A_4 = arith.constant 1 : index
    %get3A_5 = arith.constant 0 : index
    %get3A_6 = arith.constant 0 : index
    %get3A_7 = vector.load %arg1[%get3A_4, %get3A_5, %get3A_6] : memref<2x512x1xf32, #tpu.memory_space<vmem>>, vector<1x512x1xf32>
    %get3A_8 = vector.shape_cast %get3A_7 : vector<1x512x1xf32> to vector<512x1xf32>
    %add3A = arith.addf %get3A_3, %get3A_8 : vector<512x1xf32>
    %add3A_9 = arith.constant 1.000000e+00 : f32
    %add3A_10 = vector.broadcast %add3A_9 : f32 to vector<512x1xf32>
    %add3A_11 = arith.addf %add3A, %add3A_10 : vector<512x1xf32>
    %rsqrt3A = math.rsqrt %add3A_11 : vector<512x1xf32>
    %get3A_12 = arith.constant 0 : index
    %get3A_13 = arith.constant 0 : index
    %get3A_14 = arith.constant 0 : index
    %get3A_15 = vector.load %arg2[%get3A_12, %get3A_13, %get3A_14] : memref<2x512x128xf32, #tpu.memory_space<vmem>>, vector<1x512x128xf32>
    %get3A_16 = vector.shape_cast %get3A_15 : vector<1x512x128xf32> to vector<512x128xf32>
    %get3A_17 = arith.constant 1 : index
    %get3A_18 = arith.constant 0 : index
    %get3A_19 = arith.constant 0 : index
    %get3A_20 = vector.load %arg2[%get3A_17, %get3A_18, %get3A_19] : memref<2x512x128xf32, #tpu.memory_space<vmem>>, vector<1x512x128xf32>
    %get3A_21 = vector.shape_cast %get3A_20 : vector<1x512x128xf32> to vector<512x128xf32>
    %add3A_22 = arith.addf %get3A_16, %get3A_21 : vector<512x128xf32>
    %get3A_23 = arith.constant 0 : index
    %get3A_24 = arith.constant 0 : index
    %get3A_25 = vector.load %arg3[%get3A_23, %get3A_24] : memref<512x128xf32, #tpu.memory_space<vmem>>, vector<512x128xf32>
    %add3A_26 = arith.addf %add3A_22, %get3A_25 : vector<512x128xf32>
    %mul3A = vector.broadcast %rsqrt3A : vector<512x1xf32> to vector<512x128xf32>
    %mul3A_27 = arith.mulf %add3A_26, %mul3A : vector<512x128xf32>
    %get3A_28 = arith.constant 0 : index
    %get3A_29 = arith.constant 0 : index
    %get3A_30 = vector.load %arg4[%get3A_28, %get3A_29] : memref<128x64xf32, #tpu.memory_space<vmem>>, vector<128x64xf32>
    %dot_general3A = arith.constant dense<0.000000e+00> : vector<512x64xf32>
    %dot_general3A_31 = tpu.matmul %mul3A_27, %get3A_30, %dot_general3A {dimension_numbers = #tpu.dot_dimension_numbers<[1], [0], [0], [1], [0, 0, 1, 1], [], []>, transpose_lhs_hint = false} : vector<512x128xf32>, vector<128x64xf32>, vector<512x64xf32> -> vector<512x64xf32>
    %get3A_32 = arith.constant 0 : index
    %get3A_33 = arith.constant 0 : index
    %get3A_34 = vector.load %arg5[%get3A_32, %get3A_33] : memref<1x64xf32, #tpu.memory_space<vmem>>, vector<1x64xf32>
    %add3A_35 = vector.broadcast %get3A_34 : vector<1x64xf32> to vector<512x64xf32>
    %add3A_36 = arith.addf %dot_general3A_31, %add3A_35 : vector<512x64xf32>
    %swap3A = arith.constant 0 : index
    %swap3A_37 = arith.constant 0 : index
    %swap3A_38 = vector.load %arg8[%swap3A, %swap3A_37] : memref<512x64xf32, #tpu.memory_space<vmem>>, vector<512x64xf32>
    tpu.vector_store %arg8[%swap3A, %swap3A_37], %add3A_36 {strides = array<i32>} : memref<512x64xf32, #tpu.memory_space<vmem>>, vector<512x64xf32>,
    %get3A_39 = arith.constant 0 : index
    %get3A_40 = arith.constant 0 : index
    %get3A_41 = vector.load %arg6[%get3A_39, %get3A_40] : memref<128x64xf32, #tpu.memory_space<vmem>>, vector<128x64xf32>
    %dot_general3A_42 = arith.constant dense<0.000000e+00> : vector<512x64xf32>
    %dot_general3A_43 = tpu.matmul %mul3A_27, %get3A_41, %dot_general3A_42 {dimension_numbers = #tpu.dot_dimension_numbers<[1], [0], [0], [1], [0, 0, 1, 1], [], []>, transpose_lhs_hint = false} : vector<512x128xf32>, vector<128x64xf32>, vector<512x64xf32> -> vector<512x64xf32>
    %get3A_44 = arith.constant 0 : index
    %get3A_45 = arith.constant 0 : index
    %get3A_46 = vector.load %arg7[%get3A_44, %get3A_45] : memref<1x64xf32, #tpu.memory_space<vmem>>, vector<1x64xf32>
    %add3A_47 = vector.broadcast %get3A_46 : vector<1x64xf32> to vector<512x64xf32>
    %add3A_48 = arith.addf %dot_general3A_43, %add3A_47 : vector<512x64xf32>
    %swap3A_49 = arith.constant 0 : index
    %swap3A_50 = arith.constant 0 : index
    %swap3A_51 = vector.load %arg9[%swap3A_49, %swap3A_50] : memref<512x64xf32, #tpu.memory_space<vmem>>, vector<512x64xf32>
    tpu.vector_store %arg9[%swap3A_49, %swap3A_50], %add3A_48 {strides = array<i32>} : memref<512x64xf32, #tpu.memory_space<vmem>>, vector<512x64xf32>,
    return
  }
  func.func @transform_0(%arg0: i32) -> (i32, i32, i32) {
    %c0_i32 = arith.constant 0 : i32
    %c0_i32_0 = arith.constant 0 : i32
    %c0_i32_1 = arith.constant 0 : i32
    return %c0_i32, %arg0, %c0_i32_0 : i32, i32, i32
  }
  func.func @transform_1(%arg0: i32) -> (i32, i32, i32) {
    %c0_i32 = arith.constant 0 : i32
    %c0_i32_0 = arith.constant 0 : i32
    %c0_i32_1 = arith.constant 0 : i32
    return %c0_i32, %arg0, %c0_i32_0 : i32, i32, i32
  }
  func.func @transform_2(%arg0: i32) -> (i32, i32) {
    %c0_i32 = arith.constant 0 : i32
    %c0_i32_0 = arith.constant 0 : i32
    return %arg0, %c0_i32 : i32, i32
  }
  func.func @transform_3(%arg0: i32) -> (i32, i32) {
    %c0_i32 = arith.constant 0 : i32
    %c0_i32_0 = arith.constant 0 : i32
    %c0_i32_1 = arith.constant 0 : i32
    return %c0_i32, %c0_i32_0 : i32, i32
  }
  func.func @transform_4(%arg0: i32) -> (i32, i32) {
    %c0_i32 = arith.constant 0 : i32
    %c0_i32_0 = arith.constant 0 : i32
    %c0_i32_1 = arith.constant 0 : i32
    return %c0_i32, %c0_i32_0 : i32, i32
  }
  func.func @transform_5(%arg0: i32) -> (i32, i32) {
    %c0_i32 = arith.constant 0 : i32
    %c0_i32_0 = arith.constant 0 : i32
    %c0_i32_1 = arith.constant 0 : i32
    return %c0_i32, %c0_i32_0 : i32, i32
  }
  func.func @transform_6(%arg0: i32) -> (i32, i32) {
    %c0_i32 = arith.constant 0 : i32
    %c0_i32_0 = arith.constant 0 : i32
    %c0_i32_1 = arith.constant 0 : i32
    return %c0_i32, %c0_i32_0 : i32, i32
  }
  func.func @transform_7(%arg0: i32) -> (i32, i32) {
    %c0_i32 = arith.constant 0 : i32
    %c0_i32_0 = arith.constant 0 : i32
    return %arg0, %c0_i32 : i32, i32
  }
  func.func @transform_8(%arg0: i32) -> (i32, i32) {
    %c0_i32 = arith.constant 0 : i32
    %c0_i32_0 = arith.constant 0 : i32
    return %arg0, %c0_i32 : i32, i32
  }
}

</mosaic_0001>

<sc_bundles>
// kernel: kernel.11.cloned.1.call-start
scs
__scs_entry_jumppad:
0x0: {  	(pc) =	sbr.rel $0x88, $3  }
0x1: {  	(tag) =	ssettag $0x0;
	lr =	simm.s32 $0x1  }
0x2: {  	[smem:$0x3F99] =	sst lr;
	_ =	strace $0xD0000000  }
0x3: {  	_ = 	snop  }
0x4: {  	_ = 	snop  }
0x5: {  	_ = 	snop  }
0x6: {  	_ = 	snop  }
0x7: {  	_ = 	snop  }
__scs_overlays_trampoline_lowered:
0x8: {  	[smem:$0x3FA8] =	sst s0  }
0x9: {  	[smem:$0x3FA9] =	sst s1  }
0xa: {  	[smem:$0x3FAA] =	sst s2  }
0xb: {  	[smem:$0x3FAB] =	sst s3  }
0xc: {  	[smem:$0x3FAC] =	sst s4  }
0xd: {  	[smem:$0x3FAD] =	sst s5  }
0xe: {  	[smem:$0x3FAE] =	sst s6  }
0xf: {  	[smem:$0x3FAF] =	sst s7  }
0x10: {  	[smem:$0x3FB0] =	sst s8  }
0x11: {  	[smem:$0x3FB1] =	sst s9;
	s0 =	simm.s32 @!p0 $0x0  }
0x12: {  	s1 =	sld [smem:$0x3F97];
	s0 =	simm.s32 @p0 $0x1  }
0x13: {  	[smem:$0x3FB2] =	sst s0;
	s0 =	simm.s32 @!p1 $0x0  }
0x14: {  	s2 =	sld [smem:$0x3F96];
	s0 =	simm.s32 @p1 $0x1  }
0x15: {  	[smem:$0x3FB3] =	sst s0;
	s0 =	simm.s32 @!p2 $0x0  }
0x16: {  	s3 =	sld [smem:$0x3FDB];
	s0 =	simm.s32 @p2 $0x1  }
0x17: {  	s4 =	simm.s32 $0x1BF5;
	[smem:$0x3FB5] =	sst s0  }
0x18: {  	s0 =	sld [smem:$0x3F98];
	_ =	swait.ge [sflag:s4], $0x0  }
0x19: {  	s7 =	sld [smem:$0x3F99]  }
0x1a: {  	s8 =	sadd.s32 $0xFFFFE003, lr  }
0x1b: {  	s9 =	sadd.s32 $0xFFFFFEF7, lr;
	s5 =	simm.s32 $0xFFFFFFFF;
	p2 =	slt.u32 s8, $0xFFFFF086  }
0x1c: {  	p1 =	slt.u32 s9, $0xF7A;
	s5 =	simm.s32 @!p2 $0x0  }
0x1d: {  	s5 =	simm.s32 @p1 $0x1;
	p0 =	seq.s32 s7, s2  }
0x1e: {  	s7 =	smul.u32 @!p0 $0xF7A, s2;
	p2 =	seq.s32 @!p0 s5, $0x0  }
0x1f: {  	s9 =	smul.u32 $0xF7A, s1;
	s8 =	simm.s32 @!p0 $0x1BF5;
	p2 =	por !p2, p0  }
0x20: {  	[sflag:s8] =	ssyncset.s32 @!p0 $0xFFFFF086;
	s6 =	sadd.s32 @!p0 s3, s7;
	s7 =	simm.s32 @!p0 $0x108  }
0x21: {  	s3 =	sadd.s32 s3, s9;
	s6 =	sadd.s32 @!p0 $0x88, s6;
	s7 =	simm.s32 @p2 $0x1082  }
0x22: {  	[simem:s7], [sflag:s8] =	dma.local @!p0 [hbm:s6], $0xF7A  }
0x23: {  	s9 =	sor.u32 $0xD0000000, s2;
	s6 =	simm.s32 $0x108;
	_ =	swait.ge @!p0 [sflag:s8], $0x0  }
0x24: {  	s3 =	sadd.s32 $0x88, s3;
	s6 =	simm.s32 @!p1 $0x1082;
	[sflag:s4] =	ssyncset.s32 $0xFFFFF086  }
0x25: {  	[simem:s6], [sflag:s4] =	dma.local [hbm:s3], $0xF7A  }
0x26: {  	[smem:$0x3F99] =	sst s1;
	(tag) =	ssettag s2;
	_ =	strace s9  }
0x27: {  	s1 =	sld [smem:$0x3FA9]  }
0x28: {  	s2 =	sld [smem:$0x3FAA]  }
0x29: {  	s4 =	sld [smem:$0x3FAC]  }
0x2a: {  	p0 =	seq.s32 s5, $0x0;
	s5 =	sld [smem:$0x3FAD]  }
0x2b: {  	s6 =	sld [smem:$0x3FAE]  }
0x2c: {  	s7 =	sld [smem:$0x3FAF]  }
0x2d: {  	s3 =	simm.s32 $0x108;
	s8 =	sld [smem:$0x3FB0]  }
0x2e: {  	s3 =	simm.s32 @!p0 $0x1082;
	s9 =	sld [smem:$0x3FB1]  }
0x2f: {  	lr =	sadd.s32 s0, s3;
	s0 =	sld [smem:$0x3FA8]  }
0x30: {  	s3 =	sld [smem:$0x3FAB]  }
0x31: {  	[smem:$0x3FB4] =	sst s10  }
0x32: {  	s10 =	sld [smem:$0x3FB2];
	_ =	sdelay $0x3  }
0x33: {  	p0 =	seq.s32 s10, $0x1;
	s10 =	sld [smem:$0x3FB4];
	_ =	sdelay $0x3  }
0x34: {  	[smem:$0x3FB4] =	sst s10  }
0x35: {  	s10 =	sld [smem:$0x3FB3];
	_ =	sdelay $0x3  }
0x36: {  	p1 =	seq.s32 s10, $0x1;
	s10 =	sld [smem:$0x3FB4];
	_ =	sdelay $0x3  }
0x37: {  	[smem:$0x3FB4] =	sst s10  }
0x38: {  	s10 =	sld [smem:$0x3FB5]  }
0x39: {  	_ = 	snop;
	(pc) =	sbr.ind lr, $3  }
0x3a: {  	_ = 	snop  }
0x3b: {  	_ = 	snop  }
0x3c: {  	p2 =	seq.s32 s10, $0x1;
	s10 =	sld [smem:$0x3FB4]  }
0x3d: {  	_ =	shalt  }
0x3e: {  	_ =	shalt  }
0x3f: {  	_ =	shalt  }
0x40: {  	_ =	shalt  }
0x41: {  	_ =	shalt  }
0x42: {  	_ =	shalt  }
0x43: {  	_ =	shalt  }
0x44: {  	_ =	shalt  }
0x45: {  	_ =	shalt  }
0x46: {  	_ =	shalt  }
0x47: {  	_ =	shalt  }
0x48: {  	_ =	shalt  }
0x49: {  	_ =	shalt  }
0x4a: {  	_ =	shalt  }
0x4b: {  	_ =	shalt  }
0x4c: {  	_ =	shalt  }
0x4d: {  	_ =	shalt  }
0x4e: {  	_ =	shalt  }
0x4f: {  	_ =	shalt  }
0x50: {  	_ =	shalt  }
0x51: {  	_ =	shalt  }
0x52: {  	_ =	shalt  }
0x53: {  	_ =	shalt  }
0x54: {  	_ =	shalt  }
0x55: {  	_ =	shalt  }
0x56: {  	_ =	shalt  }
0x57: {  	_ =	shalt  }
0x58: {  	_ =	shalt  }
0x59: {  	_ =	shalt  }
0x5a: {  	_ =	shalt  }
0x5b: {  	_ =	shalt  }
0x5c: {  	_ =	shalt  }
0x5d: {  	_ =	shalt  }
0x5e: {  	_ =	shalt  }
0x5f: {  	_ =	shalt  }
0x60: {  	_ =	shalt  }
0x61: {  	_ =	shalt  }
0x62: {  	_ =	shalt  }
0x63: {  	_ =	shalt  }
0x64: {  	_ =	shalt  }
0x65: {  	_ =	shalt  }
0x66: {  	_ =	shalt  }
0x67: {  	_ =	shalt  }
0x68: {  	_ =	shalt  }
0x69: {  	_ =	shalt  }
0x6a: {  	_ =	shalt  }
0x6b: {  	_ =	shalt  }
0x6c: {  	_ =	shalt  }
0x6d: {  	_ =	shalt  }
0x6e: {  	_ =	shalt  }
0x6f: {  	_ =	shalt  }
0x70: {  	_ =	shalt  }
0x71: {  	_ =	shalt  }
0x72: {  	_ =	shalt  }
0x73: {  	_ =	shalt  }
0x74: {  	_ =	shalt  }
0x75: {  	_ =	shalt  }
0x76: {  	_ =	shalt  }
0x77: {  	_ =	shalt  }
0x78: {  	_ =	shalt  }
0x79: {  	_ =	shalt  }
0x7a: {  	_ =	shalt  }
0x7b: {  	_ =	shalt  }
0x7c: {  	_ =	shalt  }
0x7d: {  	_ =	shalt  }
0x7e: {  	_ =	shalt  }
0x7f: {  	_ =	shalt  }
0x80: {  	_ =	shalt  }
0x81: {  	_ =	shalt  }
0x82: {  	_ =	shalt  }
0x83: {  	_ =	shalt  }
0x84: {  	_ =	shalt  }
0x85: {  	_ =	shalt  }
0x86: {  	_ =	shalt  }
0x87: {  	_ =	shalt  }
.Lfunc_end0:
.L_simem_size_0:
called_computation.1_lowered:
.L_overlay_start_0:
0x88: {  	s2 =	sld [smem:$0x3FD9]  }
0x89: {  	s3 =	sld [smem:$0x3FFE];
	_ =	sdelay $0x1  }
0x8a: {  	s1 =	srdreg.scid  }
0x8b: {  	s0 =	sand.u32 $0x1, s1  }
0x8c: {  	s16 =	sshll.u32 s0, $0xA;
	s2 =	sadd.s32 s3, s2  }
0x8d: {  	s2 =	sadd.s32 s2, s16  }
0x8e: {  	[smem:$0x3FC0] =	sst s2  }
0x8f: {  	_ = 	snop  }
0x90: {  	(tm) =	ssettm $0x1  }
0x91: {  	s17 =	sld [smem:$0x3FFB];
	_ =	sdelay $0x3  }
0x92: {  	_ =	strace s17  }
0x93: {  	s2 =	sld [smem:$0x3FFC];
	_ =	sdelay $0x3  }
0x94: {  	_ =	strace s2  }
0x95: {  	s2 =	sld [smem:$0x3FFD];
	_ =	sdelay $0x3  }
0x96: {  	_ =	strace s2  }
0x97: {  	_ =	strace $0x8FFFFFFF  }
0x98: {  	s18 =	sld [smem:$0x3FDB];
	_ =	sdelay $0x1  }
0x99: {  	s19 =	simm.s32 $_scs_section_size  }
0x9a: {  	s4 =	simm.s32 $_size__tile_overlayer_lowered;
	s5 =	simm.s32 $_tile_overlayer_lowered  }
0x9b: {  	s22 =	simm.s32 $0x1BFF;
	s21 =	sshll.u32 s5, $0x1;
	s2 =	sadd.s32 s19, s18  }
0x9c: {  	s6 =	simm.s32 $0x0;
	s20 =	sshll.u32 s4, $0x1;
	s4 =	sadd.s32 s21, s2  }
0x9d: {  	[timem:s6], [sflag:s22] =	dma.local [hbm:s4], s20  }
0x9e: {  	_ =	swait.ge [sflag:s22], s20  }
0x9f: {  	s3 =	ssub.s32 $0x0, s20;
	[sflag:s22] =	ssyncset.done $0x0  }
0xa0: {  	[sflag:s22] =	ssyncadd.s32 s3;
	_ =	sdelay $0x1  }
0xa1: {  	s23 =	simm.s32 $0x1B8B  }
0xa2: {  	_ =	swait.ge [sflag:s23], $0x1  }
0xa3: {  	[sflag:s23] =	ssyncset.done $0x0  }
0xa4: {  	s25 =	simm.s32 $0x1B8E;
	s24 =	sld [smem:$0x3FFE];
	[sflag:s23] =	ssyncadd.s32 $0xFFFFFFFF  }
0xa5: {  	s26 =	simm.s32 $execute0_lowered;
	[smem:$0x3FD2] =	sst s25  }
0xa6: {  	s4 =	sshll.u32 s26, $0x1;
	_ =	strace $0x80000049;
	[dreg:$0x1] =	wrdreg $0xFFFFFFFF  }
0xa7: {  	s28 =	simm.s32 $_size_execute0_lowered;
	s2 =	sadd.s32 s2, s4;
	[dreg:$0x0] =	wrdreg $0x0  }
0xa8: {  	s4 =	sshll.u32 s28, $0x1;
	[dreg:$0x2] =	wrdreg s2  }
0xa9: {  	[dreg:$0x3] =	wrdreg s4  }
0xaa: {  	[dreg:$0x4] =	wrdreg $0xC0  }
0xab: {  	_ =	task [dreg:s6], $0x5FFFF  }
0xac: {  	[dreg:$0x1] =	wrdreg $0xFFFFFFFF  }
0xad: {  	[dreg:$0x0] =	wrdreg $0x60  }
0xae: {  	[dreg:$0x2] =	wrdreg s24  }
0xaf: {  	[dreg:$0x3] =	wrdreg $0x92000  }
0xb0: {  	[dreg:$0x4] =	wrdreg $0x9  }
0xb1: {  	_ =	task.clear_ibuf [dreg:s6], $0x5FFFF;
	_ =	strace $0x90000049  }
0xb2: {  	s29 =	simm.s32 $0x9;
	_ =	strace $0x8000004E  }
0xb3: {  	_ =	swait.ge [sflag:s29], $0x1  }
0xb4: {  	[sflag:s29] =	ssyncadd.s32 $0xFFFFFFFF  }
0xb5: {  	_ =	strace $0x9000004E  }
0xb6: {  	_ =	sfence  }
0xb7: {  	s30 =	sld [smem:$0x0];
	_ =	sdelay $0x2  }
0xb8: {  	s31 =	sshll.u32 s1, $0xD;
	s1 =	sshrl.u32 s1, $0x2  }
0xb9: {  	s3 =	sand.u32 $0x4000, s31;
	s1 =	sadd.s32 s1, s30  }
0xba: {  	s0 =	sor.u32 s3, s0;
	s1 =	sshll.u32 s1, $0x11  }
0xbb: {  	s0 =	sor.u32 s1, s0  }
0xbc: {  	s0 =	sadd.s32 $0x8F2B, s0  }
0xbd: {  	[sflag:s0] =	ssyncadd.remote.s32 $0x1  }
0xbe: {  	_ =	sfence.sel $0xFFFF  }
0xbf: {  	[dreg:$0x0] =	wrdreg $0xFFFFFFFF;
	(pc) =	sbr.abs _section_cstart, $3  }
0xc0: {  	[dreg:$0x1] =	wrdreg $0xFFFFFFFF  }
0xc1: {  	_ =	task.clear_ibuf [dreg:s6], $0x2FFFF;
	_ =	strace $0x9FFFFFFF  }
0xc2: {  	(tm) =	ssettm $0x7FFFFFFF  }
0xc3: {  	_ =	shalt  }
tec
execute0_lowered:
.L_overlay_start_1:
0x0: {  	(tag) =	ssettag $0x1  }
0x1: {  	s0 =	rddreg [dreg:$0x0];
	s10 =	stileid.u32  }
0x2: {  	s1 =	srdreg.scid;
	s4 =	smul.u32 $0x9E, s10  }
0x3: {  	s2 =	rddreg [dreg:$0x1];
	s1 =	sand.u32 $0x1, s1;
	s8 =	smul.u32 $0x50000, s10  }
0x4: {  	s3 =	sshll.u32 s10, $0x1;
	s19 =	smul.u32 $0x14000, s10;
	p0 =	seq.s32 s1, $0x0  }
0x5: {  	s5 =	sor.u32 $0x9E0, s3;
	s3 =	simm.s32 $0x0;
	s17 =	ssub.s32 $0x2, s1  }
0x6: {  	s1 =	smul.u32 $0x140000, s1;
	s5 =	smov.u32 @p0 s4;
	[smem:$0x7FF] =	sst s3  }
0x7: {  	s6 =	sshrl.u32 s17, $0x1;
	s18 =	sshrl.u32 s8, $0x2;
	s11 =	sadd.s32 $0x4000, s19  }
0x8: {  	s25 =	sadd.s32 $0x8000, s19;
	s13 =	sadd.s32 $0xC000, s19;
	s8 =	sadd.s32 $0x10000, s19  }
0x9: {  	s4 =	sshll.u32 s5, $0x5;
	_ =	strace $0x8000004A;
	s9 =	ssub.s32 s17, s6  }
0xa: {  	s5 =	simm.s32 $0x9E;
	s6 =	sadd.s32 s18, s2;
	s22 =	sadd.s32 s19, s1  }
0xb: {  	s23 =	sadd.s32 s1, s11;
	s26 =	sadd.s32 s11, s2;
	s28 =	sadd.s32 s1, s25  }
0xc: {  	s30 =	sadd.s32 s1, s13;
	s1 =	sadd.s32 s1, s8;
	s31 =	sadd.s32 s13, s2  }
0xd: {  	s13 =	sadd.s32 s8, s2;
	s7 =	sadd.s32 s4, s0;
	s14 =	smax.u32 s9, $0x1  }
0xe: {  	s4 =	sadd.s32 $0x66600, s0;
	s15 =	sadd.s32 $0x1000, s6;
	[dreg:$0xb] =	wrdreg s14  }
0xf: {  	s0 =	sadd.s32 $0x8D800, s0;
	s16 =	sadd.s32 $0x2000, s6;
	[dreg:$0xc] =	wrdreg s15  }
0x10: {  	s5 =	simm.s32 @!p0 $0x2;
	s17 =	sadd.s32 $0x3000, s6;
	[dreg:$0xd] =	wrdreg s16  }
0x11: {  	s10 =	sshrl.u32 s22, $0x3;
	s18 =	sadd.s32 $0x4000, s6;
	[dreg:$0xe] =	wrdreg s17  }
0x12: {  	s24 =	sshrl.u32 s23, $0x3;
	s19 =	sadd.s32 $0x5000, s6;
	[dreg:$0xf] =	wrdreg s18  }
0x13: {  	s11 =	sshrl.u32 s28, $0x3;
	s22 =	sshrl.u32 s31, $0x3;
	[dreg:$0x10] =	wrdreg s19  }
0x14: {  	s1 =	sshrl.u32 s1, $0x3;
	s23 =	sadd.s32 $0x6000, s6;
	[dreg:$0x13] =	wrdreg s22  }
0x15: {  	s28 =	sadd.s32 $0xA000, s6;
	s31 =	sadd.s32 $0xC000, s6;
	[dreg:$0x15] =	wrdreg s23  }
0x16: {  	s8 =	sadd.s32 $0xE000, s6;
	s9 =	sadd.s32 $0xF000, s6;
	[dreg:$0x19] =	wrdreg s28  }
0x17: {  	s20 =	sadd.s32 $0x2600, s7;
	s21 =	sadd.s32 $0x2620, s7;
	[dreg:$0x1b] =	wrdreg s31  }
0x18: {  	s12 =	sshrl.u32 s5, $0x1;
	s10 =	sadd.s32 s0, s10;
	[dreg:$0x3] =	wrdreg s20  }
0x19: {  	s11 =	sadd.s32 s0, s11;
	s29 =	sadd.s32 $0x2660, s7;
	[dreg:$0x4] =	wrdreg s21  }
0x1a: {  	s7 =	sadd.s32 $0xD000, s6;
	s14 =	sadd.s32 $0xFFFFFFFE, s5;
	[dreg:$0x5] =	wrdreg s12  }
0x1b: {  	s15 =	simm.s32 $0x8200;
	s16 =	simm.s32 $0x5;
	[dreg:$0x6] =	wrdreg s10  }
0x1c: {  	s17 =	simm.s32 $0x80;
	s10 =	sadd.s32 s0, s24;
	[dreg:$0x8] =	wrdreg s11  }
0x1d: {  	s18 =	simm.s32 $0x200;
	s20 =	sshrl.u32 s26, $0x3;
	[dreg:$0x7] =	wrdreg s10  }
0x1e: {  	s19 =	simm.s32 $0x1;
	s24 =	sadd.s32 $0x7000, s6;
	[dreg:$0x11] =	wrdreg s20  }
0x1f: {  	s12 =	sadd.s32 s25, s2;
	s25 =	sadd.s32 $0x8000, s6;
	[dreg:$0x16] =	wrdreg s24  }
0x20: {  	s22 =	simm.s32 $0x180;
	s26 =	sadd.s32 $0x9000, s6;
	[dreg:$0x17] =	wrdreg s25  }
0x21: {  	s11 =	sshrl.u32 s30, $0x3;
	s30 =	sadd.s32 $0xB000, s6;
	[dreg:$0x18] =	wrdreg s26  }
0x22: {  	s23 =	simm.s32 $0x4200;
	s11 =	sadd.s32 s0, s11;
	[dreg:$0x1a] =	wrdreg s30  }
0x23: {  	s0 =	sadd.s32 s0, s1;
	s21 =	sshrl.u32 s12, $0x3;
	[dreg:$0x9] =	wrdreg s11  }
0x24: {  	s10 =	sadd.s32 $0x10000, s6;
	s12 =	sadd.s32 $0x12000, s6;
	[dreg:$0xa] =	wrdreg s0  }
0x25: {  	s20 =	simm.s32 $0x2;
	[dreg:$0x12] =	wrdreg s21;
	s0 =	sshrl.u32 s13, $0x3  }
0x26: {  	v0 =	vimm.f32 $0.0e+00;
	s11 =	sadd.s32 $0x11000, s6;
	s13 =	sadd.s32 $0x13000, s6;
	[dreg:$0x14] =	wrdreg s0  }
.LBB2_1:
0x27: {  	_ =	strace $0x8000004B;
	s21 =	simm.s32 $0x0;
	s24 =	simm.s32 $0x200  }
.LBB2_2:
0x28: {  	p0 =	sne.s32 s24, $0x3E00;
	[tilespmem:s21+$0x8270] =	vst v0  }
0x29: {  	[tilespmem:s21+$0x8200] =	vst v0  }
0x2a: {  	[tilespmem:s21+$0x8210] =	vst v0  }
.Ltmp0:
0x2b: {  	[tilespmem:s21+$0x8220] =	vst v0;
	(pc) =	sbr.rel @p0 .LBB2_2-.Ltmp0, $4  }
0x2c: {  	[tilespmem:s21+$0x8230] =	vst v0  }
0x2d: {  	[tilespmem:s21+$0x8240] =	vst v0  }
0x2e: {  	[tilespmem:s21+$0x8250] =	vst v0  }
0x2f: {  	[tilespmem:s21+$0x8260] =	vst v0;
	s21 =	sshra.s32 s24, $0x2;
	s24 =	sadd.s32 $0x200, s24  }
0x30: {  	[tilespmem:s21+$0x8270] =	vst v0  }
0x31: {  	[tilespmem:s21+$0x8200] =	vst v0  }
0x32: {  	[tilespmem:s21+$0x8210] =	vst v0  }
0x33: {  	[tilespmem:s21+$0x8220] =	vst v0  }
0x34: {  	[tilespmem:s21+$0x8230] =	vst v0  }
0x35: {  	[tilespmem:s21+$0x8240] =	vst v0  }
0x36: {  	[tilespmem:s21+$0x8250] =	vst v0  }
0x37: {  	[tilespmem:s21+$0x8260] =	vst v0  }
0x38: {  	[spmem:s6] =	stream.linear.scatter [tilespmem:s15], [sflag:$0x5], $0x1000, $0x200038;
	[tilespmem:$0x1D200] =	vst v63  }
0x39: {  	_ =	swait.ge [sflag:s16], $0x1000  }
0x3a: {  	[sflag:s16] =	ssyncset.done $0x0  }
0x3b: {  	s0 =	rddreg [dreg:$0xc];
	[sflag:s16] =	ssyncadd.s32 $0xFFFFF000  }
0x3c: {  	[spmem:s0] =	stream.linear.scatter [tilespmem:s15], [sflag:$0x5], $0x1000, $0x200038;
	[tilespmem:$0x1D200] =	vst v63  }
0x3d: {  	_ =	swait.ge [sflag:s16], $0x1000  }
0x3e: {  	[sflag:s16] =	ssyncset.done $0x0  }
0x3f: {  	s24 =	rddreg [dreg:$0xd];
	[sflag:s16] =	ssyncadd.s32 $0xFFFFF000  }
0x40: {  	[spmem:s24] =	stream.linear.scatter [tilespmem:s15], [sflag:$0x5], $0x1000, $0x200038;
	[tilespmem:$0x1D200] =	vst v63  }
0x41: {  	_ =	swait.ge [sflag:s16], $0x1000  }
0x42: {  	[sflag:s16] =	ssyncset.done $0x0  }
0x43: {  	s25 =	rddreg [dreg:$0xe];
	[sflag:s16] =	ssyncadd.s32 $0xFFFFF000  }
0x44: {  	[spmem:s25] =	stream.linear.scatter [tilespmem:s15], [sflag:$0x5], $0x1000, $0x200038;
	[tilespmem:$0x1D200] =	vst v63  }
0x45: {  	_ =	swait.ge [sflag:s16], $0x1000  }
0x46: {  	[sflag:s16] =	ssyncset.done $0x0  }
0x47: {  	s26 =	rddreg [dreg:$0xf];
	[sflag:s16] =	ssyncadd.s32 $0xFFFFF000  }
0x48: {  	[spmem:s26] =	stream.linear.scatter [tilespmem:s15], [sflag:$0x5], $0x1000, $0x200038;
	[tilespmem:$0x1D200] =	vst v63  }
0x49: {  	_ =	swait.ge [sflag:s16], $0x1000  }
0x4a: {  	[sflag:s16] =	ssyncset.done $0x0  }
0x4b: {  	s28 =	rddreg [dreg:$0x10];
	[sflag:s16] =	ssyncadd.s32 $0xFFFFF000  }
0x4c: {  	[spmem:s28] =	stream.linear.scatter [tilespmem:s15], [sflag:$0x5], $0x1000, $0x200038;
	[tilespmem:$0x1D200] =	vst v63  }
0x4d: {  	_ =	swait.ge [sflag:s16], $0x1000  }
0x4e: {  	[sflag:s16] =	ssyncset.done $0x0  }
0x4f: {  	s30 =	rddreg [dreg:$0x15];
	[sflag:s16] =	ssyncadd.s32 $0xFFFFF000  }
0x50: {  	[spmem:s30] =	stream.linear.scatter [tilespmem:s15], [sflag:$0x5], $0x1000, $0x200038;
	[tilespmem:$0x1D200] =	vst v63  }
0x51: {  	_ =	swait.ge [sflag:s16], $0x1000  }
0x52: {  	[sflag:s16] =	ssyncset.done $0x0  }
0x53: {  	s31 =	rddreg [dreg:$0x16];
	[sflag:s16] =	ssyncadd.s32 $0xFFFFF000  }
0x54: {  	[spmem:s31] =	stream.linear.scatter [tilespmem:s15], [sflag:$0x5], $0x1000, $0x200038;
	[tilespmem:$0x1D200] =	vst v63  }
0x55: {  	_ =	swait.ge [sflag:s16], $0x1000  }
0x56: {  	[sflag:s16] =	ssyncset.done $0x0  }
0x57: {  	s1 =	rddreg [dreg:$0x17];
	[sflag:s16] =	ssyncadd.s32 $0xFFFFF000  }
0x58: {  	[spmem:s1] =	stream.linear.scatter [tilespmem:s15], [sflag:$0x5], $0x1000, $0x200038;
	[tilespmem:$0x1D200] =	vst v63  }
0x59: {  	_ =	swait.ge [sflag:s16], $0x1000  }
0x5a: {  	[sflag:s16] =	ssyncset.done $0x0  }
0x5b: {  	s21 =	rddreg [dreg:$0x18];
	[sflag:s16] =	ssyncadd.s32 $0xFFFFF000  }
0x5c: {  	[spmem:s21] =	stream.linear.scatter [tilespmem:s15], [sflag:$0x5], $0x1000, $0x200038;
	[tilespmem:$0x1D200] =	vst v63  }
0x5d: {  	_ =	swait.ge [sflag:s16], $0x1000  }
0x5e: {  	[sflag:s16] =	ssyncset.done $0x0  }
0x5f: {  	s24 =	rddreg [dreg:$0x19];
	[sflag:s16] =	ssyncadd.s32 $0xFFFFF000  }
0x60: {  	[spmem:s24] =	stream.linear.scatter [tilespmem:s15], [sflag:$0x5], $0x1000, $0x200038;
	[tilespmem:$0x1D200] =	vst v63  }
0x61: {  	_ =	swait.ge [sflag:s16], $0x1000  }
0x62: {  	[sflag:s16] =	ssyncset.done $0x0  }
0x63: {  	s25 =	rddreg [dreg:$0x1a];
	[sflag:s16] =	ssyncadd.s32 $0xFFFFF000  }
0x64: {  	[spmem:s25] =	stream.linear.scatter [tilespmem:s15], [sflag:$0x5], $0x1000, $0x200038;
	[tilespmem:$0x1D200] =	vst v63  }
0x65: {  	_ =	swait.ge [sflag:s16], $0x1000  }
0x66: {  	[sflag:s16] =	ssyncset.done $0x0  }
0x67: {  	s26 =	rddreg [dreg:$0x1b];
	[sflag:s16] =	ssyncadd.s32 $0xFFFFF000  }
0x68: {  	[spmem:s26] =	stream.linear.scatter [tilespmem:s15], [sflag:$0x5], $0x1000, $0x200038;
	[tilespmem:$0x1D200] =	vst v63  }
0x69: {  	_ =	swait.ge [sflag:s16], $0x1000  }
0x6a: {  	[sflag:s16] =	ssyncset.done $0x0  }
0x6b: {  	[sflag:s16] =	ssyncadd.s32 $0xFFFFF000  }
0x6c: {  	[spmem:s7] =	stream.linear.scatter [tilespmem:s15], [sflag:$0x5], $0x1000, $0x200038;
	[tilespmem:$0x1D200] =	vst v63  }
0x6d: {  	_ =	swait.ge [sflag:s16], $0x1000  }
0x6e: {  	[sflag:s16] =	ssyncset.done $0x0  }
0x6f: {  	[sflag:s16] =	ssyncadd.s32 $0xFFFFF000  }
0x70: {  	[spmem:s8] =	stream.linear.scatter [tilespmem:s15], [sflag:$0x5], $0x1000, $0x200038;
	[tilespmem:$0x1D200] =	vst v63  }
0x71: {  	_ =	swait.ge [sflag:s16], $0x1000  }
0x72: {  	[sflag:s16] =	ssyncset.done $0x0  }
0x73: {  	[sflag:s16] =	ssyncadd.s32 $0xFFFFF000  }
0x74: {  	[spmem:s9] =	stream.linear.scatter [tilespmem:s15], [sflag:$0x5], $0x1000, $0x200038;
	[tilespmem:$0x1D200] =	vst v63  }
0x75: {  	_ =	swait.ge [sflag:s16], $0x1000  }
0x76: {  	[sflag:s16] =	ssyncset.done $0x0  }
0x77: {  	[sflag:s16] =	ssyncadd.s32 $0xFFFFF000  }
0x78: {  	[spmem:s10] =	stream.linear.scatter [tilespmem:s15], [sflag:$0x5], $0x1000, $0x200038;
	[tilespmem:$0x1D200] =	vst v63  }
0x79: {  	_ =	swait.ge [sflag:s16], $0x1000  }
0x7a: {  	[sflag:s16] =	ssyncset.done $0x0  }
0x7b: {  	[sflag:s16] =	ssyncadd.s32 $0xFFFFF000  }
0x7c: {  	[spmem:s11] =	stream.linear.scatter [tilespmem:s15], [sflag:$0x5], $0x1000, $0x200038;
	[tilespmem:$0x1D200] =	vst v63  }
0x7d: {  	_ =	swait.ge [sflag:s16], $0x1000  }
0x7e: {  	[sflag:s16] =	ssyncset.done $0x0  }
0x7f: {  	[sflag:s16] =	ssyncadd.s32 $0xFFFFF000  }
0x80: {  	[spmem:s12] =	stream.linear.scatter [tilespmem:s15], [sflag:$0x5], $0x1000, $0x200038;
	[tilespmem:$0x1D200] =	vst v63  }
0x81: {  	_ =	swait.ge [sflag:s16], $0x1000  }
0x82: {  	[sflag:s16] =	ssyncset.done $0x0  }
0x83: {  	[sflag:s16] =	ssyncadd.s32 $0xFFFFF000  }
0x84: {  	[spmem:s13] =	stream.linear.scatter [tilespmem:s15], [sflag:$0x5], $0x1000, $0x200038;
	[tilespmem:$0x1D200] =	vst v63  }
0x85: {  	_ =	swait.ge [sflag:s16], $0x1000  }
0x86: {  	[sflag:s16] =	ssyncset.done $0x0  }
0x87: {  	[sflag:s16] =	ssyncadd.s32 $0xFFFFF000  }
0x88: {  	[bflag:$0x0] =	sbarrier.arrive $0xFFFF  }
0x89: {  	_ =	strace $0x9000004B  }
0x8a: {  	_ =	strace $0x8000004C  }
0x8b: {  	s25 =	simm.s32 $0x0;
	s28 =	rddreg [dreg:$0x3]  }
0x8c: {  	[tilespmem:s25], [sflag:$0x5] =	stream.linear.gather [hbm4b:s28+s25], $0x100, $0x200038;
	[tilespmem:$0x1D200] =	vst v63  }
0x8d: {  	_ =	swait.ge [sflag:s16], $0x100  }
0x8e: {  	s31 =	rddreg [dreg:$0x5]  }
0x8f: {  	s21 =	sadd.s32 $0xFFFFFFFF, s31  }
0x90: {  	p2 =	sne.s32 s21, $0x0  }
.Ltmp1:
0x91: {  	[sflag:s16] =	ssyncset.done $0x0;
	(pc) =	sbr.rel @!p2 .LBB2_4-.Ltmp1, $4  }
0x92: {  	s1 =	simm.s32 $0x100;
	s30 =	rddreg [dreg:$0x4];
	[sflag:s16] =	ssyncadd.s32 $0xFFFFFF00  }
0x93: {  	[tilespmem:s1], [sflag:$0x4] =	stream.linear.gather [hbm4b:s30+s25], $0x100, $0x200038;
	[tilespmem:$0x1D200] =	vst v63  }
0x94: {  	p1 =	sle.u32 s5, $0x1;
	p0 =	por $0x0, $0x0;
	s26 =	simm.s32 $0x3  }
0x95: {  	[tilespmem:s18], [sflag:$0x1] =	stream.indirect.gather [hbm4b:s4+s17], $0x80, s25, s17, $0x2000b8;
	[tilespmem:$0x1D200] =	vst v63  }
0x96: {  	s24 =	simm.s32 @!p1 $0x4  }
0x97: {  	_ =	swait.ge @!p1 [sflag:s24], $0x100  }
0x98: {  	s25 =	simm.s32 @!p1 $0x4200;
	[sflag:s24] =	ssyncset.done @!p1 $0x0  }
0x99: {  	s26 =	simm.s32 @!p1 $0x80;
	s28 =	simm.s32 @!p1 $0x100;
	[sflag:s24] =	ssyncadd.s32 @!p1 $0xFFFFFF00  }
0x9a: {  	[tilespmem:s25], [sflag:$0x2] =	stream.indirect.gather @!p1 [hbm4b:s4+s26], $0x80, s28, s26, $0x2000b8;
	[tilespmem:$0x1D200] =	vst v63  }
0x9b: {  	_ =	swait.ge [sflag:s19], $0x4000  }
0x9c: {  	[sflag:s19] =	ssyncset.done $0x0  }
0x9d: {  	[sflag:s19] =	ssyncadd.s32 $0xFFFFC000  }
0x9e: {  	[spmem:s2] =	stream.indirect.scatter.add.f32 [tilespmem:s18], [sflag:$0x5], $0x80, s17, s17, $0x2000b8;
	[tilespmem:$0x1D200] =	vst v63  }
0x9f: {  	p0 =	sle.u32 s14, $0x0;
	_ =	swait.ge [sflag:s16], $0x4000  }
0xa0: {  	s24 =	sadd.s32 @!p0 $0xFFFFFFE0, s29;
	[sflag:s16] =	ssyncset.done $0x0  }
0xa1: {  	s25 =	simm.s32 @!p0 $0x0;
	s26 =	simm.s32 @!p0 $0x3;
	[sflag:s16] =	ssyncadd.s32 $0xFFFFC000  }
0xa2: {  	[tilespmem:s25], [sflag:$0x3] =	stream.linear.gather @!p0 [hbm4b:s24+s25], $0x100, $0x200038;
	[tilespmem:$0x1D200] =	vst v63  }
0xa3: {  	_ =	swait.ge @!p0 [sflag:s26], $0x100  }
0xa4: {  	[sflag:s26] =	ssyncset.done @!p0 $0x0  }
0xa5: {  	s28 =	simm.s32 @!p0 $0x200;
	s24 =	simm.s32 @!p0 $0x80;
	[sflag:s26] =	ssyncadd.s32 @!p0 $0xFFFFFF00  }
0xa6: {  	[tilespmem:s28], [sflag:$0x1] =	stream.indirect.gather @!p0 [hbm4b:s4+s24], $0x80, s25, s24, $0x2000b8;
	[tilespmem:$0x1D200] =	vst v63  }
0xa7: {  	s28 =	sadd.s32 $0xFFFFFFFF, s21  }
0xa8: {  	p2 =	sne.s32 s28, $0x0  }
.Ltmp2:
0xa9: {  	p3 =	sle.u32 s5, $0x3;
	_ =	swait.ge [sflag:s20], $0x4000;
	(pc) =	sbr.rel @!p2 .LBB2_6-.Ltmp2, $4  }
0xaa: {  	p1 =	sle.u32 s5, $0x3;
	s26 =	simm.s32 $0x5;
	[sflag:s20] =	ssyncset.done $0x0  }
0xab: {  	s25 =	simm.s32 $0x2;
	s21 =	sadd.s32 $0x40, s29;
	[sflag:s20] =	ssyncadd.s32 $0xFFFFC000  }
0xac: {  	[spmem:s2] =	stream.indirect.scatter.add.f32 [tilespmem:s23], [sflag:$0x5], $0x80, s22, s17, $0x2000b8;
	[tilespmem:$0x1D200] =	vst v63  }
0xad: {  	p0 =	por $0x1, $0x1;
	s24 =	smov.u32 s29;
	_ =	swait.ge [sflag:s16], $0x4000  }
.LBB2_7:
0xae: {  	s30 =	simm.s32 @!p1 $0x4;
	[sflag:s16] =	ssyncset.done $0x0;
	s31 =	simm.s32 @!p3 $0x100  }
0xaf: {  	s28 =	sadd.s32 $0xFFFFFFFF, s28;
	s1 =	simm.s32 @!p3 $0x0;
	[sflag:s16] =	ssyncadd.s32 $0xFFFFC000  }
0xb0: {  	[tilespmem:s31], [sflag:$0x4] =	stream.linear.gather @!p3 [hbm4b:s24+s1], $0x100, $0x200038;
	[tilespmem:$0x1D200] =	vst v63  }
0xb1: {  	p2 =	sne.s32 s28, $0x0;
	s1 =	simm.s32 @!p1 $0x4200;
	_ =	swait.ge @!p1 [sflag:s30], $0x100  }
0xb2: {  	s0 =	simm.s32 @!p1 $0x100;
	s31 =	simm.s32 @!p1 $0x80;
	[sflag:s30] =	ssyncset.done @!p1 $0x0  }
0xb3: {  	s24 =	smov.u32 s21;
	[sflag:s30] =	ssyncadd.s32 @!p1 $0xFFFFFF00;
	s30 =	smov.u32 s26  }
0xb4: {  	[tilespmem:s1], [sflag:$0x2] =	stream.indirect.gather @!p1 [hbm4b:s4+s31], $0x80, s0, s31, $0x2000b8;
	[tilespmem:$0x1D200] =	vst v63  }
0xb5: {  	_ =	swait.ge [sflag:s19], $0x4000  }
0xb6: {  	[sflag:s19] =	ssyncset.done $0x0  }
0xb7: {  	[sflag:s19] =	ssyncadd.s32 $0xFFFFC000  }
0xb8: {  	[spmem:s2] =	stream.indirect.scatter.add.f32 [tilespmem:s18], [sflag:$0x5], $0x80, s17, s17, $0x2000b8;
	[tilespmem:$0x1D200] =	vst v63  }
0xb9: {  	p1 =	sge.u32 s25, s14;
	_ =	swait.ge [sflag:s16], $0x4000  }
0xba: {  	s0 =	sadd.s32 @!p1 $0xFFFFFFE0, s21;
	s1 =	simm.s32 @!p1 $0x0;
	[sflag:s16] =	ssyncset.done $0x0  }
0xbb: {  	s26 =	simm.s32 @!p1 $0x3;
	[sflag:s16] =	ssyncadd.s32 $0xFFFFC000  }
0xbc: {  	[tilespmem:s1], [sflag:$0x3] =	stream.linear.gather @!p1 [hbm4b:s0+s1], $0x100, $0x200038;
	[tilespmem:$0x1D200] =	vst v63  }
0xbd: {  	_ =	swait.ge @!p1 [sflag:s26], $0x100  }
0xbe: {  	s31 =	simm.s32 @!p1 $0x200;
	s0 =	simm.s32 @!p1 $0x80;
	[sflag:s26] =	ssyncset.done @!p1 $0x0  }
0xbf: {  	[sflag:s26] =	ssyncadd.s32 @!p1 $0xFFFFFF00  }
0xc0: {  	[tilespmem:s31], [sflag:$0x1] =	stream.indirect.gather @!p1 [hbm4b:s4+s0], $0x80, s1, s0, $0x2000b8;
	[tilespmem:$0x1D200] =	vst v63  }
.Ltmp3:
0xc1: {  	_ =	swait.ge [sflag:s20], $0x4000;
	(pc) =	sbr.rel @p2 .LBB2_7-.Ltmp3, $4  }
0xc2: {  	s25 =	sadd.s32 $0x2, s25;
	s21 =	sadd.s32 $0x40, s21;
	[sflag:s20] =	ssyncset.done $0x0  }
0xc3: {  	s26 =	sadd.s32 $0x3, s25;
	s0 =	sadd.s32 $0x1, s25;
	[sflag:s20] =	ssyncadd.s32 $0xFFFFC000  }
0xc4: {  	[spmem:s2] =	stream.indirect.scatter.add.f32 [tilespmem:s23], [sflag:$0x5], $0x80, s22, s17, $0x2000b8;
	[tilespmem:$0x1D200] =	vst v63  }
0xc5: {  	p3 =	sge.u32 s30, s5;
	p1 =	sge.u32 s0, s5;
	_ =	swait.ge [sflag:s16], $0x4000  }
.LBB2_8:
0xc6: {  	[sflag:s16] =	ssyncset.done @p0 $0x0;
	p2 =	por p3, !p0  }
0xc7: {  	s0 =	simm.s32 @!p2 $0x100;
	[sflag:s16] =	ssyncadd.s32 @p0 $0xFFFFC000;
	s1 =	simm.s32 @!p2 $0x0  }
0xc8: {  	[tilespmem:s0], [sflag:$0x4] =	stream.linear.gather @!p2 [hbm4b:s24+s1], $0x100, $0x200038;
	[tilespmem:$0x1D200] =	vst v63  }
0xc9: {  	s0 =	simm.s32 @!p1 $0x4  }
0xca: {  	_ =	swait.ge @!p1 [sflag:s0], $0x100  }
0xcb: {  	s1 =	simm.s32 @!p1 $0x4200;
	[sflag:s0] =	ssyncset.done @!p1 $0x0  }
0xcc: {  	s24 =	simm.s32 @!p1 $0x80;
	[sflag:s0] =	ssyncadd.s32 @!p1 $0xFFFFFF00;
	s0 =	simm.s32 @!p1 $0x100  }
0xcd: {  	[tilespmem:s1], [sflag:$0x2] =	stream.indirect.gather @!p1 [hbm4b:s4+s24], $0x80, s0, s24, $0x2000b8;
	[tilespmem:$0x1D200] =	vst v63  }
0xce: {  	_ =	swait.ge [sflag:s19], $0x4000  }
0xcf: {  	[sflag:s19] =	ssyncset.done $0x0  }
0xd0: {  	[sflag:s19] =	ssyncadd.s32 $0xFFFFC000  }
0xd1: {  	[spmem:s2] =	stream.indirect.scatter.add.f32 [tilespmem:s18], [sflag:$0x5], $0x80, s17, s17, $0x2000b8;
	[tilespmem:$0x1D200] =	vst v63  }
0xd2: {  	p0 =	sge.u32 s25, s14;
	_ =	swait.ge [sflag:s16], $0x4000  }
0xd3: {  	s0 =	sadd.s32 @!p0 $0xFFFFFFE0, s21;
	[sflag:s16] =	ssyncset.done $0x0  }
0xd4: {  	s1 =	simm.s32 @!p0 $0x0;
	s24 =	simm.s32 @!p0 $0x3;
	[sflag:s16] =	ssyncadd.s32 $0xFFFFC000  }
0xd5: {  	[tilespmem:s1], [sflag:$0x3] =	stream.linear.gather @!p0 [hbm4b:s0+s1], $0x100, $0x200038;
	[tilespmem:$0x1D200] =	vst v63  }
0xd6: {  	_ =	swait.ge @!p0 [sflag:s24], $0x100  }
0xd7: {  	[sflag:s24] =	ssyncset.done @!p0 $0x0  }
0xd8: {  	s0 =	simm.s32 @!p0 $0x80;
	[sflag:s24] =	ssyncadd.s32 @!p0 $0xFFFFFF00;
	s24 =	simm.s32 @!p0 $0x200  }
0xd9: {  	[tilespmem:s24], [sflag:$0x1] =	stream.indirect.gather @!p0 [hbm4b:s4+s0], $0x80, s1, s0, $0x2000b8;
	[tilespmem:$0x1D200] =	vst v63  }
0xda: {  	_ =	swait.ge [sflag:s20], $0x4000  }
0xdb: {  	[sflag:s20] =	ssyncset.done $0x0  }
0xdc: {  	[sflag:s20] =	ssyncadd.s32 $0xFFFFC000  }
0xdd: {  	[spmem:s2] =	stream.indirect.scatter.add.f32 [tilespmem:s23], [sflag:$0x5], $0x80, s22, s17, $0x2000b8;
	[tilespmem:$0x1D200] =	vst v63  }
0xde: {  	_ =	swait.ge [sflag:s16], $0x4000  }
0xdf: {  	p0 =	sge.u32 s26, s5;
	[sflag:s16] =	ssyncset.done $0x0  }
0xe0: {  	s0 =	simm.s32 @!p0 $0x100;
	s1 =	simm.s32 @!p0 $0x0;
	[sflag:s16] =	ssyncadd.s32 $0xFFFFC000  }
0xe1: {  	[tilespmem:s0], [sflag:$0x4] =	stream.linear.gather @!p0 [hbm4b:s21+s1], $0x100, $0x200038;
	[tilespmem:$0x1D200] =	vst v63  }
0xe2: {  	[bflag:$0x0] =	sbarrier.arrive $0xFFFF  }
0xe3: {  	s25 =	stileid.u32;
	_ =	strace $0x9000004C  }
0xe4: {  	s0 =	sshll.u32 s25, $0x6;
	_ =	strace $0x8000004D  }
0xe5: {  	s26 =	sshrl.u32 s6, $0x3;
	s0 =	sor.u32 $0x1C05, s0;
	s28 =	rddreg [dreg:$0x6]  }
0xe6: {  	[hbm:s28], [sflag:s0] =	dma.local [spmem:s26], $0x800  }
0xe7: {  	_ =	swait.ge [sflag:s16], $0x800  }
0xe8: {  	[sflag:s16] =	ssyncset.done $0x0;
	s30 =	rddreg [dreg:$0x7]  }
0xe9: {  	s31 =	rddreg [dreg:$0x11];
	[sflag:s16] =	ssyncadd.s32 $0xFFFFF800  }
0xea: {  	[hbm:s30], [sflag:s0] =	dma.local [spmem:s31], $0x800  }
0xeb: {  	_ =	swait.ge [sflag:s16], $0x800  }
0xec: {  	[sflag:s16] =	ssyncset.done $0x0;
	s21 =	rddreg [dreg:$0x8]  }
0xed: {  	s24 =	rddreg [dreg:$0x12];
	[sflag:s16] =	ssyncadd.s32 $0xFFFFF800  }
0xee: {  	[hbm:s21], [sflag:s0] =	dma.local [spmem:s24], $0x800  }
0xef: {  	_ =	swait.ge [sflag:s16], $0x800  }
0xf0: {  	[sflag:s16] =	ssyncset.done $0x0;
	s25 =	rddreg [dreg:$0x9]  }
0xf1: {  	s26 =	rddreg [dreg:$0x13];
	[sflag:s16] =	ssyncadd.s32 $0xFFFFF800  }
0xf2: {  	[hbm:s25], [sflag:s0] =	dma.local [spmem:s26], $0x800  }
0xf3: {  	_ =	swait.ge [sflag:s16], $0x800  }
0xf4: {  	[sflag:s16] =	ssyncset.done $0x0;
	s28 =	rddreg [dreg:$0xa]  }
0xf5: {  	s30 =	rddreg [dreg:$0x14];
	[sflag:s16] =	ssyncadd.s32 $0xFFFFF800  }
0xf6: {  	[hbm:s28], [sflag:s0] =	dma.local [spmem:s30], $0x800  }
0xf7: {  	_ =	swait.ge [sflag:s16], $0x800  }
0xf8: {  	s3 =	sadd.s32 $0x1, s3;
	s31 =	rddreg [dreg:$0xb]  }
0xf9: {  	p0 =	sne.s32 s3, s31  }
.Ltmp4:
0xfa: {  	_ = 	snop;
	(pc) =	sbr.rel @p0 .LBB2_1-.Ltmp4, $4  }
.Ltmp5:
0xfb: {  	_ = 	snop;
	(pc) =	sbr.rel @!p0 .LBB2_9-.Ltmp5, $4  }
0xfc: {  	[sflag:s16] =	ssyncset.done $0x0  }
0xfd: {  	[sflag:s16] =	ssyncadd.s32 $0xFFFFF800  }
0xfe: {  	_ =	strace $0x9000004D  }
0xff: {  	_ = 	snop  }
.LBB2_4:
.Ltmp6:
0x100: {  	(pc) =	sbr.rel .LBB2_8-.Ltmp6, $2  }
0x101: {  	_ =	sdelay $0x2  }
0x102: {  	s21 =	smov.u32 s29  }
.LBB2_6:
.Ltmp7:
0x103: {  	(pc) =	sbr.rel .LBB2_8-.Ltmp7, $2  }
0x104: {  	_ =	sdelay $0x2  }
0x105: {  	s24 =	smov.u32 s29  }
.LBB2_9:
0x106: {  	_ =	sfence.sel $0x180000  }
0x107: {  	[bflag:$0x0] =	sbarrier.arrive $0xFFFF  }
0x108: {  	_ =	strace $0x9000004A  }
0x109: {  	s0 =	stileid.u32;
	[bflag:$0x2] =	sbarrier.arrive $0xFFFF  }
0x10a: {  	p0 =	sne.s32 s0, $0x0;
	s0 =	rddreg [dreg:$0x2]  }
0x10b: {  	s0 =	sadd.s32 @!p0 $0x100000, s0  }
0x10c: {  	[sflag:s0] =	ssyncadd.tile.s32 @!p0 $0x1;
	_ =	shalt  }
.Lfunc_end2:
_tile_overlayer_lowered:
.L_overlay_start_2:
0x10d: {  	(tag) =	ssettag $0x2  }
0x10e: {  	s0 =	rddreg [dreg:$0x0];
	s2 =	stileid.u32  }
0x10f: {  	s1 =	rddreg [dreg:$0x1];
	p0 =	sne.s32 s2, $0x0  }
0x110: {  	s3 =	rddreg [dreg:$0x2];
	[bflag:$0x3] =	sbarrier.arrive $0xFFFF;
	s2 =	simm.s32 @!p0 $0x1C05  }
0x111: {  	[timem:s3], [sflag:s2] =	dma.local @!p0 [hbm:s0], s1  }
0x112: {  	s0 =	simm.s32 @!p0 $0x5  }
0x113: {  	_ =	swait.ge @!p0 [sflag:s0], s1  }
0x114: {  	s1 =	ssub.s32 @!p0 $0x0, s1;
	[sflag:s0] =	ssyncset.done @!p0 $0x0  }
0x115: {  	[sflag:s0] =	ssyncadd.s32 @!p0 s1  }
0x116: {  	[bflag:$0x3] =	sbarrier.arrive $0xFFFF  }
0x117: {  	_ =	shalt  }

// kernel: kernel.14.cloned.1.call-start
scs
__scs_entry_jumppad:
0x0: {  	(pc) =	sbr.rel $0x88, $3  }
0x1: {  	(tag) =	ssettag $0x0;
	lr =	simm.s32 $0x1  }
0x2: {  	[smem:$0x3F99] =	sst lr;
	_ =	strace $0xD0000000  }
0x3: {  	_ = 	snop  }
0x4: {  	_ = 	snop  }
0x5: {  	_ = 	snop  }
0x6: {  	_ = 	snop  }
0x7: {  	_ = 	snop  }
__scs_overlays_trampoline_lowered:
0x8: {  	[smem:$0x3FA8] =	sst s0  }
0x9: {  	[smem:$0x3FA9] =	sst s1  }
0xa: {  	[smem:$0x3FAA] =	sst s2  }
0xb: {  	[smem:$0x3FAB] =	sst s3  }
0xc: {  	[smem:$0x3FAC] =	sst s4  }
0xd: {  	[smem:$0x3FAD] =	sst s5  }
0xe: {  	[smem:$0x3FAE] =	sst s6  }
0xf: {  	[smem:$0x3FAF] =	sst s7  }
0x10: {  	[smem:$0x3FB0] =	sst s8  }
0x11: {  	[smem:$0x3FB1] =	sst s9;
	s0 =	simm.s32 @!p0 $0x0  }
0x12: {  	s1 =	sld [smem:$0x3F97];
	s0 =	simm.s32 @p0 $0x1  }
0x13: {  	[smem:$0x3FB2] =	sst s0;
	s0 =	simm.s32 @!p1 $0x0  }
0x14: {  	s2 =	sld [smem:$0x3F96];
	s0 =	simm.s32 @p1 $0x1  }
0x15: {  	[smem:$0x3FB3] =	sst s0;
	s0 =	simm.s32 @!p2 $0x0  }
0x16: {  	s3 =	sld [smem:$0x3FDB];
	s0 =	simm.s32 @p2 $0x1  }
0x17: {  	s4 =	simm.s32 $0x1BF5;
	[smem:$0x3FB5] =	sst s0  }
0x18: {  	s0 =	sld [smem:$0x3F98];
	_ =	swait.ge [sflag:s4], $0x0  }
0x19: {  	s7 =	sld [smem:$0x3F99]  }
0x1a: {  	s8 =	sadd.s32 $0xFFFFE003, lr  }
0x1b: {  	s9 =	sadd.s32 $0xFFFFFEF7, lr;
	s5 =	simm.s32 $0xFFFFFFFF;
	p2 =	slt.u32 s8, $0xFFFFF086  }
0x1c: {  	p1 =	slt.u32 s9, $0xF7A;
	s5 =	simm.s32 @!p2 $0x0  }
0x1d: {  	s5 =	simm.s32 @p1 $0x1;
	p0 =	seq.s32 s7, s2  }
0x1e: {  	s7 =	smul.u32 @!p0 $0xF7A, s2;
	p2 =	seq.s32 @!p0 s5, $0x0  }
0x1f: {  	s9 =	smul.u32 $0xF7A, s1;
	s8 =	simm.s32 @!p0 $0x1BF5;
	p2 =	por !p2, p0  }
0x20: {  	[sflag:s8] =	ssyncset.s32 @!p0 $0xFFFFF086;
	s6 =	sadd.s32 @!p0 s3, s7;
	s7 =	simm.s32 @!p0 $0x108  }
0x21: {  	s3 =	sadd.s32 s3, s9;
	s6 =	sadd.s32 @!p0 $0x88, s6;
	s7 =	simm.s32 @p2 $0x1082  }
0x22: {  	[simem:s7], [sflag:s8] =	dma.local @!p0 [hbm:s6], $0xF7A  }
0x23: {  	s9 =	sor.u32 $0xD0000000, s2;
	s6 =	simm.s32 $0x108;
	_ =	swait.ge @!p0 [sflag:s8], $0x0  }
0x24: {  	s3 =	sadd.s32 $0x88, s3;
	s6 =	simm.s32 @!p1 $0x1082;
	[sflag:s4] =	ssyncset.s32 $0xFFFFF086  }
0x25: {  	[simem:s6], [sflag:s4] =	dma.local [hbm:s3], $0xF7A  }
0x26: {  	[smem:$0x3F99] =	sst s1;
	(tag) =	ssettag s2;
	_ =	strace s9  }
0x27: {  	s1 =	sld [smem:$0x3FA9]  }
0x28: {  	s2 =	sld [smem:$0x3FAA]  }
0x29: {  	s4 =	sld [smem:$0x3FAC]  }
0x2a: {  	p0 =	seq.s32 s5, $0x0;
	s5 =	sld [smem:$0x3FAD]  }
0x2b: {  	s6 =	sld [smem:$0x3FAE]  }
0x2c: {  	s7 =	sld [smem:$0x3FAF]  }
0x2d: {  	s3 =	simm.s32 $0x108;
	s8 =	sld [smem:$0x3FB0]  }
0x2e: {  	s3 =	simm.s32 @!p0 $0x1082;
	s9 =	sld [smem:$0x3FB1]  }
0x2f: {  	lr =	sadd.s32 s0, s3;
	s0 =	sld [smem:$0x3FA8]  }
0x30: {  	s3 =	sld [smem:$0x3FAB]  }
0x31: {  	[smem:$0x3FB4] =	sst s10  }
0x32: {  	s10 =	sld [smem:$0x3FB2];
	_ =	sdelay $0x3  }
0x33: {  	p0 =	seq.s32 s10, $0x1;
	s10 =	sld [smem:$0x3FB4];
	_ =	sdelay $0x3  }
0x34: {  	[smem:$0x3FB4] =	sst s10  }
0x35: {  	s10 =	sld [smem:$0x3FB3];
	_ =	sdelay $0x3  }
0x36: {  	p1 =	seq.s32 s10, $0x1;
	s10 =	sld [smem:$0x3FB4];
	_ =	sdelay $0x3  }
0x37: {  	[smem:$0x3FB4] =	sst s10  }
0x38: {  	s10 =	sld [smem:$0x3FB5]  }
0x39: {  	_ = 	snop;
	(pc) =	sbr.ind lr, $3  }
0x3a: {  	_ = 	snop  }
0x3b: {  	_ = 	snop  }
0x3c: {  	p2 =	seq.s32 s10, $0x1;
	s10 =	sld [smem:$0x3FB4]  }
0x3d: {  	_ =	shalt  }
0x3e: {  	_ =	shalt  }
0x3f: {  	_ =	shalt  }
0x40: {  	_ =	shalt  }
0x41: {  	_ =	shalt  }
0x42: {  	_ =	shalt  }
0x43: {  	_ =	shalt  }
0x44: {  	_ =	shalt  }
0x45: {  	_ =	shalt  }
0x46: {  	_ =	shalt  }
0x47: {  	_ =	shalt  }
0x48: {  	_ =	shalt  }
0x49: {  	_ =	shalt  }
0x4a: {  	_ =	shalt  }
0x4b: {  	_ =	shalt  }
0x4c: {  	_ =	shalt  }
0x4d: {  	_ =	shalt  }
0x4e: {  	_ =	shalt  }
0x4f: {  	_ =	shalt  }
0x50: {  	_ =	shalt  }
0x51: {  	_ =	shalt  }
0x52: {  	_ =	shalt  }
0x53: {  	_ =	shalt  }
0x54: {  	_ =	shalt  }
0x55: {  	_ =	shalt  }
0x56: {  	_ =	shalt  }
0x57: {  	_ =	shalt  }
0x58: {  	_ =	shalt  }
0x59: {  	_ =	shalt  }
0x5a: {  	_ =	shalt  }
0x5b: {  	_ =	shalt  }
0x5c: {  	_ =	shalt  }
0x5d: {  	_ =	shalt  }
0x5e: {  	_ =	shalt  }
0x5f: {  	_ =	shalt  }
0x60: {  	_ =	shalt  }
0x61: {  	_ =	shalt  }
0x62: {  	_ =	shalt  }
0x63: {  	_ =	shalt  }
0x64: {  	_ =	shalt  }
0x65: {  	_ =	shalt  }
0x66: {  	_ =	shalt  }
0x67: {  	_ =	shalt  }
0x68: {  	_ =	shalt  }
0x69: {  	_ =	shalt  }
0x6a: {  	_ =	shalt  }
0x6b: {  	_ =	shalt  }
0x6c: {  	_ =	shalt  }
0x6d: {  	_ =	shalt  }
0x6e: {  	_ =	shalt  }
0x6f: {  	_ =	shalt  }
0x70: {  	_ =	shalt  }
0x71: {  	_ =	shalt  }
0x72: {  	_ =	shalt  }
0x73: {  	_ =	shalt  }
0x74: {  	_ =	shalt  }
0x75: {  	_ =	shalt  }
0x76: {  	_ =	shalt  }
0x77: {  	_ =	shalt  }
0x78: {  	_ =	shalt  }
0x79: {  	_ =	shalt  }
0x7a: {  	_ =	shalt  }
0x7b: {  	_ =	shalt  }
0x7c: {  	_ =	shalt  }
0x7d: {  	_ =	shalt  }
0x7e: {  	_ =	shalt  }
0x7f: {  	_ =	shalt  }
0x80: {  	_ =	shalt  }
0x81: {  	_ =	shalt  }
0x82: {  	_ =	shalt  }
0x83: {  	_ =	shalt  }
0x84: {  	_ =	shalt  }
0x85: {  	_ =	shalt  }
0x86: {  	_ =	shalt  }
0x87: {  	_ =	shalt  }
.Lfunc_end0:
.L_simem_size_0:
called_computation.2_lowered:
.L_overlay_start_0:
0x88: {  	s2 =	sld [smem:$0x3FD9]  }
0x89: {  	s3 =	sld [smem:$0x3FFE];
	_ =	sdelay $0x1  }
0x8a: {  	s1 =	srdreg.scid  }
0x8b: {  	s0 =	sand.u32 $0x1, s1  }
0x8c: {  	s16 =	sshll.u32 s0, $0xA;
	s2 =	sadd.s32 s3, s2  }
0x8d: {  	s2 =	sadd.s32 s2, s16  }
0x8e: {  	[smem:$0x3FC0] =	sst s2  }
0x8f: {  	_ = 	snop  }
0x90: {  	(tm) =	ssettm $0x1  }
0x91: {  	s17 =	sld [smem:$0x3FFB];
	_ =	sdelay $0x3  }
0x92: {  	_ =	strace s17  }
0x93: {  	s2 =	sld [smem:$0x3FFC];
	_ =	sdelay $0x3  }
0x94: {  	_ =	strace s2  }
0x95: {  	s2 =	sld [smem:$0x3FFD];
	_ =	sdelay $0x3  }
0x96: {  	_ =	strace s2  }
0x97: {  	_ =	strace $0x8FFFFFFF  }
0x98: {  	s18 =	sld [smem:$0x3FDB];
	_ =	sdelay $0x1  }
0x99: {  	s19 =	simm.s32 $_scs_section_size  }
0x9a: {  	s4 =	simm.s32 $_size__tile_overlayer_lowered;
	s5 =	simm.s32 $_tile_overlayer_lowered  }
0x9b: {  	s22 =	simm.s32 $0x1BFF;
	s21 =	sshll.u32 s5, $0x1;
	s2 =	sadd.s32 s19, s18  }
0x9c: {  	s6 =	simm.s32 $0x0;
	s20 =	sshll.u32 s4, $0x1;
	s4 =	sadd.s32 s21, s2  }
0x9d: {  	[timem:s6], [sflag:s22] =	dma.local [hbm:s4], s20  }
0x9e: {  	_ =	swait.ge [sflag:s22], s20  }
0x9f: {  	s3 =	ssub.s32 $0x0, s20;
	[sflag:s22] =	ssyncset.done $0x0  }
0xa0: {  	[sflag:s22] =	ssyncadd.s32 s3;
	_ =	sdelay $0x1  }
0xa1: {  	s23 =	simm.s32 $0x1B8B  }
0xa2: {  	_ =	swait.ge [sflag:s23], $0x1  }
0xa3: {  	[sflag:s23] =	ssyncset.done $0x0  }
0xa4: {  	s25 =	simm.s32 $0x1B8E;
	s24 =	sld [smem:$0x3FFE];
	[sflag:s23] =	ssyncadd.s32 $0xFFFFFFFF  }
0xa5: {  	s26 =	simm.s32 $execute0_lowered;
	[smem:$0x3FD2] =	sst s25  }
0xa6: {  	s4 =	sshll.u32 s26, $0x1;
	_ =	strace $0x8000004F;
	[dreg:$0x1] =	wrdreg $0xFFFFFFFF  }
0xa7: {  	s28 =	simm.s32 $_size_execute0_lowered;
	s2 =	sadd.s32 s2, s4;
	[dreg:$0x0] =	wrdreg $0x0  }
0xa8: {  	s4 =	sshll.u32 s28, $0x1;
	[dreg:$0x2] =	wrdreg s2  }
0xa9: {  	[dreg:$0x3] =	wrdreg s4  }
0xaa: {  	[dreg:$0x4] =	wrdreg $0xC0  }
0xab: {  	_ =	task [dreg:s6], $0x5FFFF  }
0xac: {  	[dreg:$0x1] =	wrdreg $0xFFFFFFFF  }
0xad: {  	[dreg:$0x0] =	wrdreg $0x60  }
0xae: {  	[dreg:$0x2] =	wrdreg s24  }
0xaf: {  	[dreg:$0x3] =	wrdreg $0x92000  }
0xb0: {  	[dreg:$0x4] =	wrdreg $0x9  }
0xb1: {  	_ =	task.clear_ibuf [dreg:s6], $0x5FFFF;
	_ =	strace $0x9000004F  }
0xb2: {  	s29 =	simm.s32 $0x9;
	_ =	strace $0x80000054  }
0xb3: {  	_ =	swait.ge [sflag:s29], $0x1  }
0xb4: {  	[sflag:s29] =	ssyncadd.s32 $0xFFFFFFFF  }
0xb5: {  	_ =	strace $0x90000054  }
0xb6: {  	_ =	sfence  }
0xb7: {  	s30 =	sld [smem:$0x0];
	_ =	sdelay $0x2  }
0xb8: {  	s31 =	sshll.u32 s1, $0xD;
	s1 =	sshrl.u32 s1, $0x2  }
0xb9: {  	s3 =	sand.u32 $0x4000, s31;
	s1 =	sadd.s32 s1, s30  }
0xba: {  	s0 =	sor.u32 s3, s0;
	s1 =	sshll.u32 s1, $0x11  }
0xbb: {  	s0 =	sor.u32 s1, s0  }
0xbc: {  	s0 =	sadd.s32 $0x8F2B, s0  }
0xbd: {  	[sflag:s0] =	ssyncadd.remote.s32 $0x1  }
0xbe: {  	_ =	sfence.sel $0xFFFF  }
0xbf: {  	[dreg:$0x0] =	wrdreg $0xFFFFFFFF;
	(pc) =	sbr.abs _section_cstart, $3  }
0xc0: {  	[dreg:$0x1] =	wrdreg $0xFFFFFFFF  }
0xc1: {  	_ =	task.clear_ibuf [dreg:s6], $0x2FFFF;
	_ =	strace $0x9FFFFFFF  }
0xc2: {  	(tm) =	ssettm $0x7FFFFFFF  }
0xc3: {  	_ =	shalt  }
tec
execute0_lowered:
.L_overlay_start_1:
0x0: {  	(tag) =	ssettag $0x1  }
0x1: {  	s0 =	rddreg [dreg:$0x0];
	s10 =	stileid.u32  }
0x2: {  	s1 =	srdreg.scid;
	s4 =	smul.u32 $0x9E, s10  }
0x3: {  	s2 =	rddreg [dreg:$0x1];
	s1 =	sand.u32 $0x1, s1;
	s8 =	smul.u32 $0x50000, s10  }
0x4: {  	s3 =	sshll.u32 s10, $0x1;
	s19 =	smul.u32 $0x14000, s10;
	p0 =	seq.s32 s1, $0x0  }
0x5: {  	s5 =	sor.u32 $0x9E0, s3;
	s3 =	simm.s32 $0x0;
	s17 =	ssub.s32 $0x2, s1  }
0x6: {  	s1 =	smul.u32 $0x140000, s1;
	s5 =	smov.u32 @p0 s4;
	[smem:$0x7FF] =	sst s3  }
0x7: {  	s6 =	sshrl.u32 s17, $0x1;
	s18 =	sshrl.u32 s8, $0x2;
	s11 =	sadd.s32 $0x4000, s19  }
0x8: {  	s25 =	sadd.s32 $0x8000, s19;
	s13 =	sadd.s32 $0xC000, s19;
	s8 =	sadd.s32 $0x10000, s19  }
0x9: {  	s4 =	sshll.u32 s5, $0x5;
	_ =	strace $0x80000050;
	s9 =	ssub.s32 s17, s6  }
0xa: {  	s5 =	simm.s32 $0x9E;
	s6 =	sadd.s32 s18, s2;
	s22 =	sadd.s32 s19, s1  }
0xb: {  	s23 =	sadd.s32 s1, s11;
	s26 =	sadd.s32 s11, s2;
	s28 =	sadd.s32 s1, s25  }
0xc: {  	s30 =	sadd.s32 s1, s13;
	s1 =	sadd.s32 s1, s8;
	s31 =	sadd.s32 s13, s2  }
0xd: {  	s13 =	sadd.s32 s8, s2;
	s7 =	sadd.s32 s4, s0;
	s14 =	smax.u32 s9, $0x1  }
0xe: {  	s4 =	sadd.s32 $0x66600, s0;
	s15 =	sadd.s32 $0x1000, s6;
	[dreg:$0xb] =	wrdreg s14  }
0xf: {  	s0 =	sadd.s32 $0x8D800, s0;
	s16 =	sadd.s32 $0x2000, s6;
	[dreg:$0xc] =	wrdreg s15  }
0x10: {  	s5 =	simm.s32 @!p0 $0x2;
	s17 =	sadd.s32 $0x3000, s6;
	[dreg:$0xd] =	wrdreg s16  }
0x11: {  	s10 =	sshrl.u32 s22, $0x3;
	s18 =	sadd.s32 $0x4000, s6;
	[dreg:$0xe] =	wrdreg s17  }
0x12: {  	s24 =	sshrl.u32 s23, $0x3;
	s19 =	sadd.s32 $0x5000, s6;
	[dreg:$0xf] =	wrdreg s18  }
0x13: {  	s11 =	sshrl.u32 s28, $0x3;
	s22 =	sshrl.u32 s31, $0x3;
	[dreg:$0x10] =	wrdreg s19  }
0x14: {  	s1 =	sshrl.u32 s1, $0x3;
	s23 =	sadd.s32 $0x6000, s6;
	[dreg:$0x13] =	wrdreg s22  }
0x15: {  	s28 =	sadd.s32 $0xA000, s6;
	s31 =	sadd.s32 $0xC000, s6;
	[dreg:$0x15] =	wrdreg s23  }
0x16: {  	s8 =	sadd.s32 $0xE000, s6;
	s9 =	sadd.s32 $0xF000, s6;
	[dreg:$0x19] =	wrdreg s28  }
0x17: {  	s20 =	sadd.s32 $0x2600, s7;
	s21 =	sadd.s32 $0x2620, s7;
	[dreg:$0x1b] =	wrdreg s31  }
0x18: {  	s12 =	sshrl.u32 s5, $0x1;
	s10 =	sadd.s32 s0, s10;
	[dreg:$0x3] =	wrdreg s20  }
0x19: {  	s11 =	sadd.s32 s0, s11;
	s29 =	sadd.s32 $0x2660, s7;
	[dreg:$0x4] =	wrdreg s21  }
0x1a: {  	s7 =	sadd.s32 $0xD000, s6;
	s14 =	sadd.s32 $0xFFFFFFFE, s5;
	[dreg:$0x5] =	wrdreg s12  }
0x1b: {  	s15 =	simm.s32 $0x8200;
	s16 =	simm.s32 $0x5;
	[dreg:$0x6] =	wrdreg s10  }
0x1c: {  	s17 =	simm.s32 $0x80;
	s10 =	sadd.s32 s0, s24;
	[dreg:$0x8] =	wrdreg s11  }
0x1d: {  	s18 =	simm.s32 $0x200;
	s20 =	sshrl.u32 s26, $0x3;
	[dreg:$0x7] =	wrdreg s10  }
0x1e: {  	s19 =	simm.s32 $0x1;
	s24 =	sadd.s32 $0x7000, s6;
	[dreg:$0x11] =	wrdreg s20  }
0x1f: {  	s12 =	sadd.s32 s25, s2;
	s25 =	sadd.s32 $0x8000, s6;
	[dreg:$0x16] =	wrdreg s24  }
0x20: {  	s22 =	simm.s32 $0x180;
	s26 =	sadd.s32 $0x9000, s6;
	[dreg:$0x17] =	wrdreg s25  }
0x21: {  	s11 =	sshrl.u32 s30, $0x3;
	s30 =	sadd.s32 $0xB000, s6;
	[dreg:$0x18] =	wrdreg s26  }
0x22: {  	s23 =	simm.s32 $0x4200;
	s11 =	sadd.s32 s0, s11;
	[dreg:$0x1a] =	wrdreg s30  }
0x23: {  	s0 =	sadd.s32 s0, s1;
	s21 =	sshrl.u32 s12, $0x3;
	[dreg:$0x9] =	wrdreg s11  }
0x24: {  	s10 =	sadd.s32 $0x10000, s6;
	s12 =	sadd.s32 $0x12000, s6;
	[dreg:$0xa] =	wrdreg s0  }
0x25: {  	s20 =	simm.s32 $0x2;
	[dreg:$0x12] =	wrdreg s21;
	s0 =	sshrl.u32 s13, $0x3  }
0x26: {  	v0 =	vimm.f32 $0.0e+00;
	s11 =	sadd.s32 $0x11000, s6;
	s13 =	sadd.s32 $0x13000, s6;
	[dreg:$0x14] =	wrdreg s0  }
.LBB2_1:
0x27: {  	_ =	strace $0x80000051;
	s21 =	simm.s32 $0x0;
	s24 =	simm.s32 $0x200  }
.LBB2_2:
0x28: {  	p0 =	sne.s32 s24, $0x3E00;
	[tilespmem:s21+$0x8270] =	vst v0  }
0x29: {  	[tilespmem:s21+$0x8200] =	vst v0  }
0x2a: {  	[tilespmem:s21+$0x8210] =	vst v0  }
.Ltmp0:
0x2b: {  	[tilespmem:s21+$0x8220] =	vst v0;
	(pc) =	sbr.rel @p0 .LBB2_2-.Ltmp0, $4  }
0x2c: {  	[tilespmem:s21+$0x8230] =	vst v0  }
0x2d: {  	[tilespmem:s21+$0x8240] =	vst v0  }
0x2e: {  	[tilespmem:s21+$0x8250] =	vst v0  }
0x2f: {  	[tilespmem:s21+$0x8260] =	vst v0;
	s21 =	sshra.s32 s24, $0x2;
	s24 =	sadd.s32 $0x200, s24  }
0x30: {  	[tilespmem:s21+$0x8270] =	vst v0  }
0x31: {  	[tilespmem:s21+$0x8200] =	vst v0  }
0x32: {  	[tilespmem:s21+$0x8210] =	vst v0  }
0x33: {  	[tilespmem:s21+$0x8220] =	vst v0  }
0x34: {  	[tilespmem:s21+$0x8230] =	vst v0  }
0x35: {  	[tilespmem:s21+$0x8240] =	vst v0  }
0x36: {  	[tilespmem:s21+$0x8250] =	vst v0  }
0x37: {  	[tilespmem:s21+$0x8260] =	vst v0  }
0x38: {  	[spmem:s6] =	stream.linear.scatter [tilespmem:s15], [sflag:$0x5], $0x1000, $0x200038;
	[tilespmem:$0x1D200] =	vst v63  }
0x39: {  	_ =	swait.ge [sflag:s16], $0x1000  }
0x3a: {  	[sflag:s16] =	ssyncset.done $0x0  }
0x3b: {  	s0 =	rddreg [dreg:$0xc];
	[sflag:s16] =	ssyncadd.s32 $0xFFFFF000  }
0x3c: {  	[spmem:s0] =	stream.linear.scatter [tilespmem:s15], [sflag:$0x5], $0x1000, $0x200038;
	[tilespmem:$0x1D200] =	vst v63  }
0x3d: {  	_ =	swait.ge [sflag:s16], $0x1000  }
0x3e: {  	[sflag:s16] =	ssyncset.done $0x0  }
0x3f: {  	s24 =	rddreg [dreg:$0xd];
	[sflag:s16] =	ssyncadd.s32 $0xFFFFF000  }
0x40: {  	[spmem:s24] =	stream.linear.scatter [tilespmem:s15], [sflag:$0x5], $0x1000, $0x200038;
	[tilespmem:$0x1D200] =	vst v63  }
0x41: {  	_ =	swait.ge [sflag:s16], $0x1000  }
0x42: {  	[sflag:s16] =	ssyncset.done $0x0  }
0x43: {  	s25 =	rddreg [dreg:$0xe];
	[sflag:s16] =	ssyncadd.s32 $0xFFFFF000  }
0x44: {  	[spmem:s25] =	stream.linear.scatter [tilespmem:s15], [sflag:$0x5], $0x1000, $0x200038;
	[tilespmem:$0x1D200] =	vst v63  }
0x45: {  	_ =	swait.ge [sflag:s16], $0x1000  }
0x46: {  	[sflag:s16] =	ssyncset.done $0x0  }
0x47: {  	s26 =	rddreg [dreg:$0xf];
	[sflag:s16] =	ssyncadd.s32 $0xFFFFF000  }
0x48: {  	[spmem:s26] =	stream.linear.scatter [tilespmem:s15], [sflag:$0x5], $0x1000, $0x200038;
	[tilespmem:$0x1D200] =	vst v63  }
0x49: {  	_ =	swait.ge [sflag:s16], $0x1000  }
0x4a: {  	[sflag:s16] =	ssyncset.done $0x0  }
0x4b: {  	s28 =	rddreg [dreg:$0x10];
	[sflag:s16] =	ssyncadd.s32 $0xFFFFF000  }
0x4c: {  	[spmem:s28] =	stream.linear.scatter [tilespmem:s15], [sflag:$0x5], $0x1000, $0x200038;
	[tilespmem:$0x1D200] =	vst v63  }
0x4d: {  	_ =	swait.ge [sflag:s16], $0x1000  }
0x4e: {  	[sflag:s16] =	ssyncset.done $0x0  }
0x4f: {  	s30 =	rddreg [dreg:$0x15];
	[sflag:s16] =	ssyncadd.s32 $0xFFFFF000  }
0x50: {  	[spmem:s30] =	stream.linear.scatter [tilespmem:s15], [sflag:$0x5], $0x1000, $0x200038;
	[tilespmem:$0x1D200] =	vst v63  }
0x51: {  	_ =	swait.ge [sflag:s16], $0x1000  }
0x52: {  	[sflag:s16] =	ssyncset.done $0x0  }
0x53: {  	s31 =	rddreg [dreg:$0x16];
	[sflag:s16] =	ssyncadd.s32 $0xFFFFF000  }
0x54: {  	[spmem:s31] =	stream.linear.scatter [tilespmem:s15], [sflag:$0x5], $0x1000, $0x200038;
	[tilespmem:$0x1D200] =	vst v63  }
0x55: {  	_ =	swait.ge [sflag:s16], $0x1000  }
0x56: {  	[sflag:s16] =	ssyncset.done $0x0  }
0x57: {  	s1 =	rddreg [dreg:$0x17];
	[sflag:s16] =	ssyncadd.s32 $0xFFFFF000  }
0x58: {  	[spmem:s1] =	stream.linear.scatter [tilespmem:s15], [sflag:$0x5], $0x1000, $0x200038;
	[tilespmem:$0x1D200] =	vst v63  }
0x59: {  	_ =	swait.ge [sflag:s16], $0x1000  }
0x5a: {  	[sflag:s16] =	ssyncset.done $0x0  }
0x5b: {  	s21 =	rddreg [dreg:$0x18];
	[sflag:s16] =	ssyncadd.s32 $0xFFFFF000  }
0x5c: {  	[spmem:s21] =	stream.linear.scatter [tilespmem:s15], [sflag:$0x5], $0x1000, $0x200038;
	[tilespmem:$0x1D200] =	vst v63  }
0x5d: {  	_ =	swait.ge [sflag:s16], $0x1000  }
0x5e: {  	[sflag:s16] =	ssyncset.done $0x0  }
0x5f: {  	s24 =	rddreg [dreg:$0x19];
	[sflag:s16] =	ssyncadd.s32 $0xFFFFF000  }
0x60: {  	[spmem:s24] =	stream.linear.scatter [tilespmem:s15], [sflag:$0x5], $0x1000, $0x200038;
	[tilespmem:$0x1D200] =	vst v63  }
0x61: {  	_ =	swait.ge [sflag:s16], $0x1000  }
0x62: {  	[sflag:s16] =	ssyncset.done $0x0  }
0x63: {  	s25 =	rddreg [dreg:$0x1a];
	[sflag:s16] =	ssyncadd.s32 $0xFFFFF000  }
0x64: {  	[spmem:s25] =	stream.linear.scatter [tilespmem:s15], [sflag:$0x5], $0x1000, $0x200038;
	[tilespmem:$0x1D200] =	vst v63  }
0x65: {  	_ =	swait.ge [sflag:s16], $0x1000  }
0x66: {  	[sflag:s16] =	ssyncset.done $0x0  }
0x67: {  	s26 =	rddreg [dreg:$0x1b];
	[sflag:s16] =	ssyncadd.s32 $0xFFFFF000  }
0x68: {  	[spmem:s26] =	stream.linear.scatter [tilespmem:s15], [sflag:$0x5], $0x1000, $0x200038;
	[tilespmem:$0x1D200] =	vst v63  }
0x69: {  	_ =	swait.ge [sflag:s16], $0x1000  }
0x6a: {  	[sflag:s16] =	ssyncset.done $0x0  }
0x6b: {  	[sflag:s16] =	ssyncadd.s32 $0xFFFFF000  }
0x6c: {  	[spmem:s7] =	stream.linear.scatter [tilespmem:s15], [sflag:$0x5], $0x1000, $0x200038;
	[tilespmem:$0x1D200] =	vst v63  }
0x6d: {  	_ =	swait.ge [sflag:s16], $0x1000  }
0x6e: {  	[sflag:s16] =	ssyncset.done $0x0  }
0x6f: {  	[sflag:s16] =	ssyncadd.s32 $0xFFFFF000  }
0x70: {  	[spmem:s8] =	stream.linear.scatter [tilespmem:s15], [sflag:$0x5], $0x1000, $0x200038;
	[tilespmem:$0x1D200] =	vst v63  }
0x71: {  	_ =	swait.ge [sflag:s16], $0x1000  }
0x72: {  	[sflag:s16] =	ssyncset.done $0x0  }
0x73: {  	[sflag:s16] =	ssyncadd.s32 $0xFFFFF000  }
0x74: {  	[spmem:s9] =	stream.linear.scatter [tilespmem:s15], [sflag:$0x5], $0x1000, $0x200038;
	[tilespmem:$0x1D200] =	vst v63  }
0x75: {  	_ =	swait.ge [sflag:s16], $0x1000  }
0x76: {  	[sflag:s16] =	ssyncset.done $0x0  }
0x77: {  	[sflag:s16] =	ssyncadd.s32 $0xFFFFF000  }
0x78: {  	[spmem:s10] =	stream.linear.scatter [tilespmem:s15], [sflag:$0x5], $0x1000, $0x200038;
	[tilespmem:$0x1D200] =	vst v63  }
0x79: {  	_ =	swait.ge [sflag:s16], $0x1000  }
0x7a: {  	[sflag:s16] =	ssyncset.done $0x0  }
0x7b: {  	[sflag:s16] =	ssyncadd.s32 $0xFFFFF000  }
0x7c: {  	[spmem:s11] =	stream.linear.scatter [tilespmem:s15], [sflag:$0x5], $0x1000, $0x200038;
	[tilespmem:$0x1D200] =	vst v63  }
0x7d: {  	_ =	swait.ge [sflag:s16], $0x1000  }
0x7e: {  	[sflag:s16] =	ssyncset.done $0x0  }
0x7f: {  	[sflag:s16] =	ssyncadd.s32 $0xFFFFF000  }
0x80: {  	[spmem:s12] =	stream.linear.scatter [tilespmem:s15], [sflag:$0x5], $0x1000, $0x200038;
	[tilespmem:$0x1D200] =	vst v63  }
0x81: {  	_ =	swait.ge [sflag:s16], $0x1000  }
0x82: {  	[sflag:s16] =	ssyncset.done $0x0  }
0x83: {  	[sflag:s16] =	ssyncadd.s32 $0xFFFFF000  }
0x84: {  	[spmem:s13] =	stream.linear.scatter [tilespmem:s15], [sflag:$0x5], $0x1000, $0x200038;
	[tilespmem:$0x1D200] =	vst v63  }
0x85: {  	_ =	swait.ge [sflag:s16], $0x1000  }
0x86: {  	[sflag:s16] =	ssyncset.done $0x0  }
0x87: {  	[sflag:s16] =	ssyncadd.s32 $0xFFFFF000  }
0x88: {  	[bflag:$0x0] =	sbarrier.arrive $0xFFFF  }
0x89: {  	_ =	strace $0x90000051  }
0x8a: {  	_ =	strace $0x80000052  }
0x8b: {  	s25 =	simm.s32 $0x0;
	s28 =	rddreg [dreg:$0x3]  }
0x8c: {  	[tilespmem:s25], [sflag:$0x5] =	stream.linear.gather [hbm4b:s28+s25], $0x100, $0x200038;
	[tilespmem:$0x1D200] =	vst v63  }
0x8d: {  	_ =	swait.ge [sflag:s16], $0x100  }
0x8e: {  	s31 =	rddreg [dreg:$0x5]  }
0x8f: {  	s21 =	sadd.s32 $0xFFFFFFFF, s31  }
0x90: {  	p2 =	sne.s32 s21, $0x0  }
.Ltmp1:
0x91: {  	[sflag:s16] =	ssyncset.done $0x0;
	(pc) =	sbr.rel @!p2 .LBB2_4-.Ltmp1, $4  }
0x92: {  	s1 =	simm.s32 $0x100;
	s30 =	rddreg [dreg:$0x4];
	[sflag:s16] =	ssyncadd.s32 $0xFFFFFF00  }
0x93: {  	[tilespmem:s1], [sflag:$0x4] =	stream.linear.gather [hbm4b:s30+s25], $0x100, $0x200038;
	[tilespmem:$0x1D200] =	vst v63  }
0x94: {  	p1 =	sle.u32 s5, $0x1;
	p0 =	por $0x0, $0x0;
	s26 =	simm.s32 $0x3  }
0x95: {  	[tilespmem:s18], [sflag:$0x1] =	stream.indirect.gather [hbm4b:s4+s17], $0x80, s25, s17, $0x2000b8;
	[tilespmem:$0x1D200] =	vst v63  }
0x96: {  	s24 =	simm.s32 @!p1 $0x4  }
0x97: {  	_ =	swait.ge @!p1 [sflag:s24], $0x100  }
0x98: {  	s25 =	simm.s32 @!p1 $0x4200;
	[sflag:s24] =	ssyncset.done @!p1 $0x0  }
0x99: {  	s26 =	simm.s32 @!p1 $0x80;
	s28 =	simm.s32 @!p1 $0x100;
	[sflag:s24] =	ssyncadd.s32 @!p1 $0xFFFFFF00  }
0x9a: {  	[tilespmem:s25], [sflag:$0x2] =	stream.indirect.gather @!p1 [hbm4b:s4+s26], $0x80, s28, s26, $0x2000b8;
	[tilespmem:$0x1D200] =	vst v63  }
0x9b: {  	_ =	swait.ge [sflag:s19], $0x4000  }
0x9c: {  	[sflag:s19] =	ssyncset.done $0x0  }
0x9d: {  	[sflag:s19] =	ssyncadd.s32 $0xFFFFC000  }
0x9e: {  	[spmem:s2] =	stream.indirect.scatter.add.f32 [tilespmem:s18], [sflag:$0x5], $0x80, s17, s17, $0x2000b8;
	[tilespmem:$0x1D200] =	vst v63  }
0x9f: {  	p0 =	sle.u32 s14, $0x0;
	_ =	swait.ge [sflag:s16], $0x4000  }
0xa0: {  	s24 =	sadd.s32 @!p0 $0xFFFFFFE0, s29;
	[sflag:s16] =	ssyncset.done $0x0  }
0xa1: {  	s25 =	simm.s32 @!p0 $0x0;
	s26 =	simm.s32 @!p0 $0x3;
	[sflag:s16] =	ssyncadd.s32 $0xFFFFC000  }
0xa2: {  	[tilespmem:s25], [sflag:$0x3] =	stream.linear.gather @!p0 [hbm4b:s24+s25], $0x100, $0x200038;
	[tilespmem:$0x1D200] =	vst v63  }
0xa3: {  	_ =	swait.ge @!p0 [sflag:s26], $0x100  }
0xa4: {  	[sflag:s26] =	ssyncset.done @!p0 $0x0  }
0xa5: {  	s28 =	simm.s32 @!p0 $0x200;
	s24 =	simm.s32 @!p0 $0x80;
	[sflag:s26] =	ssyncadd.s32 @!p0 $0xFFFFFF00  }
0xa6: {  	[tilespmem:s28], [sflag:$0x1] =	stream.indirect.gather @!p0 [hbm4b:s4+s24], $0x80, s25, s24, $0x2000b8;
	[tilespmem:$0x1D200] =	vst v63  }
0xa7: {  	s28 =	sadd.s32 $0xFFFFFFFF, s21  }
0xa8: {  	p2 =	sne.s32 s28, $0x0  }
.Ltmp2:
0xa9: {  	p3 =	sle.u32 s5, $0x3;
	_ =	swait.ge [sflag:s20], $0x4000;
	(pc) =	sbr.rel @!p2 .LBB2_6-.Ltmp2, $4  }
0xaa: {  	p1 =	sle.u32 s5, $0x3;
	s26 =	simm.s32 $0x5;
	[sflag:s20] =	ssyncset.done $0x0  }
0xab: {  	s25 =	simm.s32 $0x2;
	s21 =	sadd.s32 $0x40, s29;
	[sflag:s20] =	ssyncadd.s32 $0xFFFFC000  }
0xac: {  	[spmem:s2] =	stream.indirect.scatter.add.f32 [tilespmem:s23], [sflag:$0x5], $0x80, s22, s17, $0x2000b8;
	[tilespmem:$0x1D200] =	vst v63  }
0xad: {  	p0 =	por $0x1, $0x1;
	s24 =	smov.u32 s29;
	_ =	swait.ge [sflag:s16], $0x4000  }
.LBB2_7:
0xae: {  	s30 =	simm.s32 @!p1 $0x4;
	[sflag:s16] =	ssyncset.done $0x0;
	s31 =	simm.s32 @!p3 $0x100  }
0xaf: {  	s28 =	sadd.s32 $0xFFFFFFFF, s28;
	s1 =	simm.s32 @!p3 $0x0;
	[sflag:s16] =	ssyncadd.s32 $0xFFFFC000  }
0xb0: {  	[tilespmem:s31], [sflag:$0x4] =	stream.linear.gather @!p3 [hbm4b:s24+s1], $0x100, $0x200038;
	[tilespmem:$0x1D200] =	vst v63  }
0xb1: {  	p2 =	sne.s32 s28, $0x0;
	s1 =	simm.s32 @!p1 $0x4200;
	_ =	swait.ge @!p1 [sflag:s30], $0x100  }
0xb2: {  	s0 =	simm.s32 @!p1 $0x100;
	s31 =	simm.s32 @!p1 $0x80;
	[sflag:s30] =	ssyncset.done @!p1 $0x0  }
0xb3: {  	s24 =	smov.u32 s21;
	[sflag:s30] =	ssyncadd.s32 @!p1 $0xFFFFFF00;
	s30 =	smov.u32 s26  }
0xb4: {  	[tilespmem:s1], [sflag:$0x2] =	stream.indirect.gather @!p1 [hbm4b:s4+s31], $0x80, s0, s31, $0x2000b8;
	[tilespmem:$0x1D200] =	vst v63  }
0xb5: {  	_ =	swait.ge [sflag:s19], $0x4000  }
0xb6: {  	[sflag:s19] =	ssyncset.done $0x0  }
0xb7: {  	[sflag:s19] =	ssyncadd.s32 $0xFFFFC000  }
0xb8: {  	[spmem:s2] =	stream.indirect.scatter.add.f32 [tilespmem:s18], [sflag:$0x5], $0x80, s17, s17, $0x2000b8;
	[tilespmem:$0x1D200] =	vst v63  }
0xb9: {  	p1 =	sge.u32 s25, s14;
	_ =	swait.ge [sflag:s16], $0x4000  }
0xba: {  	s0 =	sadd.s32 @!p1 $0xFFFFFFE0, s21;
	s1 =	simm.s32 @!p1 $0x0;
	[sflag:s16] =	ssyncset.done $0x0  }
0xbb: {  	s26 =	simm.s32 @!p1 $0x3;
	[sflag:s16] =	ssyncadd.s32 $0xFFFFC000  }
0xbc: {  	[tilespmem:s1], [sflag:$0x3] =	stream.linear.gather @!p1 [hbm4b:s0+s1], $0x100, $0x200038;
	[tilespmem:$0x1D200] =	vst v63  }
0xbd: {  	_ =	swait.ge @!p1 [sflag:s26], $0x100  }
0xbe: {  	s31 =	simm.s32 @!p1 $0x200;
	s0 =	simm.s32 @!p1 $0x80;
	[sflag:s26] =	ssyncset.done @!p1 $0x0  }
0xbf: {  	[sflag:s26] =	ssyncadd.s32 @!p1 $0xFFFFFF00  }
0xc0: {  	[tilespmem:s31], [sflag:$0x1] =	stream.indirect.gather @!p1 [hbm4b:s4+s0], $0x80, s1, s0, $0x2000b8;
	[tilespmem:$0x1D200] =	vst v63  }
.Ltmp3:
0xc1: {  	_ =	swait.ge [sflag:s20], $0x4000;
	(pc) =	sbr.rel @p2 .LBB2_7-.Ltmp3, $4  }
0xc2: {  	s25 =	sadd.s32 $0x2, s25;
	s21 =	sadd.s32 $0x40, s21;
	[sflag:s20] =	ssyncset.done $0x0  }
0xc3: {  	s26 =	sadd.s32 $0x3, s25;
	s0 =	sadd.s32 $0x1, s25;
	[sflag:s20] =	ssyncadd.s32 $0xFFFFC000  }
0xc4: {  	[spmem:s2] =	stream.indirect.scatter.add.f32 [tilespmem:s23], [sflag:$0x5], $0x80, s22, s17, $0x2000b8;
	[tilespmem:$0x1D200] =	vst v63  }
0xc5: {  	p3 =	sge.u32 s30, s5;
	p1 =	sge.u32 s0, s5;
	_ =	swait.ge [sflag:s16], $0x4000  }
.LBB2_8:
0xc6: {  	[sflag:s16] =	ssyncset.done @p0 $0x0;
	p2 =	por p3, !p0  }
0xc7: {  	s0 =	simm.s32 @!p2 $0x100;
	[sflag:s16] =	ssyncadd.s32 @p0 $0xFFFFC000;
	s1 =	simm.s32 @!p2 $0x0  }
0xc8: {  	[tilespmem:s0], [sflag:$0x4] =	stream.linear.gather @!p2 [hbm4b:s24+s1], $0x100, $0x200038;
	[tilespmem:$0x1D200] =	vst v63  }
0xc9: {  	s0 =	simm.s32 @!p1 $0x4  }
0xca: {  	_ =	swait.ge @!p1 [sflag:s0], $0x100  }
0xcb: {  	s1 =	simm.s32 @!p1 $0x4200;
	[sflag:s0] =	ssyncset.done @!p1 $0x0  }
0xcc: {  	s24 =	simm.s32 @!p1 $0x80;
	[sflag:s0] =	ssyncadd.s32 @!p1 $0xFFFFFF00;
	s0 =	simm.s32 @!p1 $0x100  }
0xcd: {  	[tilespmem:s1], [sflag:$0x2] =	stream.indirect.gather @!p1 [hbm4b:s4+s24], $0x80, s0, s24, $0x2000b8;
	[tilespmem:$0x1D200] =	vst v63  }
0xce: {  	_ =	swait.ge [sflag:s19], $0x4000  }
0xcf: {  	[sflag:s19] =	ssyncset.done $0x0  }
0xd0: {  	[sflag:s19] =	ssyncadd.s32 $0xFFFFC000  }
0xd1: {  	[spmem:s2] =	stream.indirect.scatter.add.f32 [tilespmem:s18], [sflag:$0x5], $0x80, s17, s17, $0x2000b8;
	[tilespmem:$0x1D200] =	vst v63  }
0xd2: {  	p0 =	sge.u32 s25, s14;
	_ =	swait.ge [sflag:s16], $0x4000  }
0xd3: {  	s0 =	sadd.s32 @!p0 $0xFFFFFFE0, s21;
	[sflag:s16] =	ssyncset.done $0x0  }
0xd4: {  	s1 =	simm.s32 @!p0 $0x0;
	s24 =	simm.s32 @!p0 $0x3;
	[sflag:s16] =	ssyncadd.s32 $0xFFFFC000  }
0xd5: {  	[tilespmem:s1], [sflag:$0x3] =	stream.linear.gather @!p0 [hbm4b:s0+s1], $0x100, $0x200038;
	[tilespmem:$0x1D200] =	vst v63  }
0xd6: {  	_ =	swait.ge @!p0 [sflag:s24], $0x100  }
0xd7: {  	[sflag:s24] =	ssyncset.done @!p0 $0x0  }
0xd8: {  	s0 =	simm.s32 @!p0 $0x80;
	[sflag:s24] =	ssyncadd.s32 @!p0 $0xFFFFFF00;
	s24 =	simm.s32 @!p0 $0x200  }
0xd9: {  	[tilespmem:s24], [sflag:$0x1] =	stream.indirect.gather @!p0 [hbm4b:s4+s0], $0x80, s1, s0, $0x2000b8;
	[tilespmem:$0x1D200] =	vst v63  }
0xda: {  	_ =	swait.ge [sflag:s20], $0x4000  }
0xdb: {  	[sflag:s20] =	ssyncset.done $0x0  }
0xdc: {  	[sflag:s20] =	ssyncadd.s32 $0xFFFFC000  }
0xdd: {  	[spmem:s2] =	stream.indirect.scatter.add.f32 [tilespmem:s23], [sflag:$0x5], $0x80, s22, s17, $0x2000b8;
	[tilespmem:$0x1D200] =	vst v63  }
0xde: {  	_ =	swait.ge [sflag:s16], $0x4000  }
0xdf: {  	p0 =	sge.u32 s26, s5;
	[sflag:s16] =	ssyncset.done $0x0  }
0xe0: {  	s0 =	simm.s32 @!p0 $0x100;
	s1 =	simm.s32 @!p0 $0x0;
	[sflag:s16] =	ssyncadd.s32 $0xFFFFC000  }
0xe1: {  	[tilespmem:s0], [sflag:$0x4] =	stream.linear.gather @!p0 [hbm4b:s21+s1], $0x100, $0x200038;
	[tilespmem:$0x1D200] =	vst v63  }
0xe2: {  	[bflag:$0x0] =	sbarrier.arrive $0xFFFF  }
0xe3: {  	s25 =	stileid.u32;
	_ =	strace $0x90000052  }
0xe4: {  	s0 =	sshll.u32 s25, $0x6;
	_ =	strace $0x80000053  }
0xe5: {  	s26 =	sshrl.u32 s6, $0x3;
	s0 =	sor.u32 $0x1C05, s0;
	s28 =	rddreg [dreg:$0x6]  }
0xe6: {  	[hbm:s28], [sflag:s0] =	dma.local [spmem:s26], $0x800  }
0xe7: {  	_ =	swait.ge [sflag:s16], $0x800  }
0xe8: {  	[sflag:s16] =	ssyncset.done $0x0;
	s30 =	rddreg [dreg:$0x7]  }
0xe9: {  	s31 =	rddreg [dreg:$0x11];
	[sflag:s16] =	ssyncadd.s32 $0xFFFFF800  }
0xea: {  	[hbm:s30], [sflag:s0] =	dma.local [spmem:s31], $0x800  }
0xeb: {  	_ =	swait.ge [sflag:s16], $0x800  }
0xec: {  	[sflag:s16] =	ssyncset.done $0x0;
	s21 =	rddreg [dreg:$0x8]  }
0xed: {  	s24 =	rddreg [dreg:$0x12];
	[sflag:s16] =	ssyncadd.s32 $0xFFFFF800  }
0xee: {  	[hbm:s21], [sflag:s0] =	dma.local [spmem:s24], $0x800  }
0xef: {  	_ =	swait.ge [sflag:s16], $0x800  }
0xf0: {  	[sflag:s16] =	ssyncset.done $0x0;
	s25 =	rddreg [dreg:$0x9]  }
0xf1: {  	s26 =	rddreg [dreg:$0x13];
	[sflag:s16] =	ssyncadd.s32 $0xFFFFF800  }
0xf2: {  	[hbm:s25], [sflag:s0] =	dma.local [spmem:s26], $0x800  }
0xf3: {  	_ =	swait.ge [sflag:s16], $0x800  }
0xf4: {  	[sflag:s16] =	ssyncset.done $0x0;
	s28 =	rddreg [dreg:$0xa]  }
0xf5: {  	s30 =	rddreg [dreg:$0x14];
	[sflag:s16] =	ssyncadd.s32 $0xFFFFF800  }
0xf6: {  	[hbm:s28], [sflag:s0] =	dma.local [spmem:s30], $0x800  }
0xf7: {  	_ =	swait.ge [sflag:s16], $0x800  }
0xf8: {  	s3 =	sadd.s32 $0x1, s3;
	s31 =	rddreg [dreg:$0xb]  }
0xf9: {  	p0 =	sne.s32 s3, s31  }
.Ltmp4:
0xfa: {  	_ = 	snop;
	(pc) =	sbr.rel @p0 .LBB2_1-.Ltmp4, $4  }
.Ltmp5:
0xfb: {  	_ = 	snop;
	(pc) =	sbr.rel @!p0 .LBB2_9-.Ltmp5, $4  }
0xfc: {  	[sflag:s16] =	ssyncset.done $0x0  }
0xfd: {  	[sflag:s16] =	ssyncadd.s32 $0xFFFFF800  }
0xfe: {  	_ =	strace $0x90000053  }
0xff: {  	_ = 	snop  }
.LBB2_4:
.Ltmp6:
0x100: {  	(pc) =	sbr.rel .LBB2_8-.Ltmp6, $2  }
0x101: {  	_ =	sdelay $0x2  }
0x102: {  	s21 =	smov.u32 s29  }
.LBB2_6:
.Ltmp7:
0x103: {  	(pc) =	sbr.rel .LBB2_8-.Ltmp7, $2  }
0x104: {  	_ =	sdelay $0x2  }
0x105: {  	s24 =	smov.u32 s29  }
.LBB2_9:
0x106: {  	_ =	sfence.sel $0x180000  }
0x107: {  	[bflag:$0x0] =	sbarrier.arrive $0xFFFF  }
0x108: {  	_ =	strace $0x90000050  }
0x109: {  	s0 =	stileid.u32;
	[bflag:$0x2] =	sbarrier.arrive $0xFFFF  }
0x10a: {  	p0 =	sne.s32 s0, $0x0;
	s0 =	rddreg [dreg:$0x2]  }
0x10b: {  	s0 =	sadd.s32 @!p0 $0x100000, s0  }
0x10c: {  	[sflag:s0] =	ssyncadd.tile.s32 @!p0 $0x1;
	_ =	shalt  }
.Lfunc_end2:
_tile_overlayer_lowered:
.L_overlay_start_2:
0x10d: {  	(tag) =	ssettag $0x2  }
0x10e: {  	s0 =	rddreg [dreg:$0x0];
	s2 =	stileid.u32  }
0x10f: {  	s1 =	rddreg [dreg:$0x1];
	p0 =	sne.s32 s2, $0x0  }
0x110: {  	s3 =	rddreg [dreg:$0x2];
	[bflag:$0x3] =	sbarrier.arrive $0xFFFF;
	s2 =	simm.s32 @!p0 $0x1C05  }
0x111: {  	[timem:s3], [sflag:s2] =	dma.local @!p0 [hbm:s0], s1  }
0x112: {  	s0 =	simm.s32 @!p0 $0x5  }
0x113: {  	_ =	swait.ge @!p0 [sflag:s0], s1  }
0x114: {  	s1 =	ssub.s32 @!p0 $0x0, s1;
	[sflag:s0] =	ssyncset.done @!p0 $0x0  }
0x115: {  	[sflag:s0] =	ssyncadd.s32 @!p0 s1  }
0x116: {  	[bflag:$0x3] =	sbarrier.arrive $0xFFFF  }
0x117: {  	_ =	shalt  }

// kernel: kernel.8.cloned.1.call-start
scs
__scs_entry_jumppad:
0x0: {  	(pc) =	sbr.rel $0x88, $3  }
0x1: {  	(tag) =	ssettag $0x0;
	lr =	simm.s32 $0x1  }
0x2: {  	[smem:$0x3F99] =	sst lr;
	_ =	strace $0xD0000000  }
0x3: {  	_ = 	snop  }
0x4: {  	_ = 	snop  }
0x5: {  	_ = 	snop  }
0x6: {  	_ = 	snop  }
0x7: {  	_ = 	snop  }
__scs_overlays_trampoline_lowered:
0x8: {  	[smem:$0x3FA8] =	sst s0  }
0x9: {  	[smem:$0x3FA9] =	sst s1  }
0xa: {  	[smem:$0x3FAA] =	sst s2  }
0xb: {  	[smem:$0x3FAB] =	sst s3  }
0xc: {  	[smem:$0x3FAC] =	sst s4  }
0xd: {  	[smem:$0x3FAD] =	sst s5  }
0xe: {  	[smem:$0x3FAE] =	sst s6  }
0xf: {  	[smem:$0x3FAF] =	sst s7  }
0x10: {  	[smem:$0x3FB0] =	sst s8  }
0x11: {  	[smem:$0x3FB1] =	sst s9;
	s0 =	simm.s32 @!p0 $0x0  }
0x12: {  	s1 =	sld [smem:$0x3F97];
	s0 =	simm.s32 @p0 $0x1  }
0x13: {  	[smem:$0x3FB2] =	sst s0;
	s0 =	simm.s32 @!p1 $0x0  }
0x14: {  	s2 =	sld [smem:$0x3F96];
	s0 =	simm.s32 @p1 $0x1  }
0x15: {  	[smem:$0x3FB3] =	sst s0;
	s0 =	simm.s32 @!p2 $0x0  }
0x16: {  	s3 =	sld [smem:$0x3FDB];
	s0 =	simm.s32 @p2 $0x1  }
0x17: {  	s4 =	simm.s32 $0x1BF5;
	[smem:$0x3FB5] =	sst s0  }
0x18: {  	s0 =	sld [smem:$0x3F98];
	_ =	swait.ge [sflag:s4], $0x0  }
0x19: {  	s7 =	sld [smem:$0x3F99]  }
0x1a: {  	s8 =	sadd.s32 $0xFFFFE003, lr  }
0x1b: {  	s9 =	sadd.s32 $0xFFFFFEF7, lr;
	s5 =	simm.s32 $0xFFFFFFFF;
	p2 =	slt.u32 s8, $0xFFFFF086  }
0x1c: {  	p1 =	slt.u32 s9, $0xF7A;
	s5 =	simm.s32 @!p2 $0x0  }
0x1d: {  	s5 =	simm.s32 @p1 $0x1;
	p0 =	seq.s32 s7, s2  }
0x1e: {  	s7 =	smul.u32 @!p0 $0xF7A, s2;
	p2 =	seq.s32 @!p0 s5, $0x0  }
0x1f: {  	s9 =	smul.u32 $0xF7A, s1;
	s8 =	simm.s32 @!p0 $0x1BF5;
	p2 =	por !p2, p0  }
0x20: {  	[sflag:s8] =	ssyncset.s32 @!p0 $0xFFFFF086;
	s6 =	sadd.s32 @!p0 s3, s7;
	s7 =	simm.s32 @!p0 $0x108  }
0x21: {  	s3 =	sadd.s32 s3, s9;
	s6 =	sadd.s32 @!p0 $0x88, s6;
	s7 =	simm.s32 @p2 $0x1082  }
0x22: {  	[simem:s7], [sflag:s8] =	dma.local @!p0 [hbm:s6], $0xF7A  }
0x23: {  	s9 =	sor.u32 $0xD0000000, s2;
	s6 =	simm.s32 $0x108;
	_ =	swait.ge @!p0 [sflag:s8], $0x0  }
0x24: {  	s3 =	sadd.s32 $0x88, s3;
	s6 =	simm.s32 @!p1 $0x1082;
	[sflag:s4] =	ssyncset.s32 $0xFFFFF086  }
0x25: {  	[simem:s6], [sflag:s4] =	dma.local [hbm:s3], $0xF7A  }
0x26: {  	[smem:$0x3F99] =	sst s1;
	(tag) =	ssettag s2;
	_ =	strace s9  }
0x27: {  	s1 =	sld [smem:$0x3FA9]  }
0x28: {  	s2 =	sld [smem:$0x3FAA]  }
0x29: {  	s4 =	sld [smem:$0x3FAC]  }
0x2a: {  	p0 =	seq.s32 s5, $0x0;
	s5 =	sld [smem:$0x3FAD]  }
0x2b: {  	s6 =	sld [smem:$0x3FAE]  }
0x2c: {  	s7 =	sld [smem:$0x3FAF]  }
0x2d: {  	s3 =	simm.s32 $0x108;
	s8 =	sld [smem:$0x3FB0]  }
0x2e: {  	s3 =	simm.s32 @!p0 $0x1082;
	s9 =	sld [smem:$0x3FB1]  }
0x2f: {  	lr =	sadd.s32 s0, s3;
	s0 =	sld [smem:$0x3FA8]  }
0x30: {  	s3 =	sld [smem:$0x3FAB]  }
0x31: {  	[smem:$0x3FB4] =	sst s10  }
0x32: {  	s10 =	sld [smem:$0x3FB2];
	_ =	sdelay $0x3  }
0x33: {  	p0 =	seq.s32 s10, $0x1;
	s10 =	sld [smem:$0x3FB4];
	_ =	sdelay $0x3  }
0x34: {  	[smem:$0x3FB4] =	sst s10  }
0x35: {  	s10 =	sld [smem:$0x3FB3];
	_ =	sdelay $0x3  }
0x36: {  	p1 =	seq.s32 s10, $0x1;
	s10 =	sld [smem:$0x3FB4];
	_ =	sdelay $0x3  }
0x37: {  	[smem:$0x3FB4] =	sst s10  }
0x38: {  	s10 =	sld [smem:$0x3FB5]  }
0x39: {  	_ = 	snop;
	(pc) =	sbr.ind lr, $3  }
0x3a: {  	_ = 	snop  }
0x3b: {  	_ = 	snop  }
0x3c: {  	p2 =	seq.s32 s10, $0x1;
	s10 =	sld [smem:$0x3FB4]  }
0x3d: {  	_ =	shalt  }
0x3e: {  	_ =	shalt  }
0x3f: {  	_ =	shalt  }
0x40: {  	_ =	shalt  }
0x41: {  	_ =	shalt  }
0x42: {  	_ =	shalt  }
0x43: {  	_ =	shalt  }
0x44: {  	_ =	shalt  }
0x45: {  	_ =	shalt  }
0x46: {  	_ =	shalt  }
0x47: {  	_ =	shalt  }
0x48: {  	_ =	shalt  }
0x49: {  	_ =	shalt  }
0x4a: {  	_ =	shalt  }
0x4b: {  	_ =	shalt  }
0x4c: {  	_ =	shalt  }
0x4d: {  	_ =	shalt  }
0x4e: {  	_ =	shalt  }
0x4f: {  	_ =	shalt  }
0x50: {  	_ =	shalt  }
0x51: {  	_ =	shalt  }
0x52: {  	_ =	shalt  }
0x53: {  	_ =	shalt  }
0x54: {  	_ =	shalt  }
0x55: {  	_ =	shalt  }
0x56: {  	_ =	shalt  }
0x57: {  	_ =	shalt  }
0x58: {  	_ =	shalt  }
0x59: {  	_ =	shalt  }
0x5a: {  	_ =	shalt  }
0x5b: {  	_ =	shalt  }
0x5c: {  	_ =	shalt  }
0x5d: {  	_ =	shalt  }
0x5e: {  	_ =	shalt  }
0x5f: {  	_ =	shalt  }
0x60: {  	_ =	shalt  }
0x61: {  	_ =	shalt  }
0x62: {  	_ =	shalt  }
0x63: {  	_ =	shalt  }
0x64: {  	_ =	shalt  }
0x65: {  	_ =	shalt  }
0x66: {  	_ =	shalt  }
0x67: {  	_ =	shalt  }
0x68: {  	_ =	shalt  }
0x69: {  	_ =	shalt  }
0x6a: {  	_ =	shalt  }
0x6b: {  	_ =	shalt  }
0x6c: {  	_ =	shalt  }
0x6d: {  	_ =	shalt  }
0x6e: {  	_ =	shalt  }
0x6f: {  	_ =	shalt  }
0x70: {  	_ =	shalt  }
0x71: {  	_ =	shalt  }
0x72: {  	_ =	shalt  }
0x73: {  	_ =	shalt  }
0x74: {  	_ =	shalt  }
0x75: {  	_ =	shalt  }
0x76: {  	_ =	shalt  }
0x77: {  	_ =	shalt  }
0x78: {  	_ =	shalt  }
0x79: {  	_ =	shalt  }
0x7a: {  	_ =	shalt  }
0x7b: {  	_ =	shalt  }
0x7c: {  	_ =	shalt  }
0x7d: {  	_ =	shalt  }
0x7e: {  	_ =	shalt  }
0x7f: {  	_ =	shalt  }
0x80: {  	_ =	shalt  }
0x81: {  	_ =	shalt  }
0x82: {  	_ =	shalt  }
0x83: {  	_ =	shalt  }
0x84: {  	_ =	shalt  }
0x85: {  	_ =	shalt  }
0x86: {  	_ =	shalt  }
0x87: {  	_ =	shalt  }
.Lfunc_end0:
.L_simem_size_0:
called_computation_lowered:
.L_overlay_start_0:
0x88: {  	s2 =	sld [smem:$0x3FD9]  }
0x89: {  	s3 =	sld [smem:$0x3FFE];
	_ =	sdelay $0x1  }
0x8a: {  	s1 =	srdreg.scid  }
0x8b: {  	s0 =	sand.u32 $0x1, s1  }
0x8c: {  	s15 =	sshll.u32 s0, $0xA;
	s2 =	sadd.s32 s3, s2  }
0x8d: {  	s2 =	sadd.s32 s2, s15  }
0x8e: {  	[smem:$0x3FC0] =	sst s2  }
0x8f: {  	_ = 	snop  }
0x90: {  	s2 =	sld [smem:$0x3FD0];
	_ =	sdelay $0x2  }
0x91: {  	s16 =	simm.s32 $0xA;
	s4 =	simm.s32 $0x10  }
0x92: {  	[smem:s4], [sflag:s16] =	dma.local [hbm:s2], $0x1  }
0x93: {  	_ =	swait.eq [sflag:s16], $0x1  }
0x94: {  	[sflag:s16] =	ssyncset.done $0x0  }
0x95: {  	s17 =	sld [smem:$0x10];
	[sflag:s16] =	ssyncadd.s32 $0xFFFFFFFF  }
0x96: {  	s18 =	sld [smem:$0x11];
	(tm) =	ssettm $0x1  }
0x97: {  	s19 =	sld [smem:$0x3FFB];
	_ =	sdelay $0x3  }
0x98: {  	_ =	strace s19  }
0x99: {  	s4 =	sld [smem:$0x3FFC];
	_ =	sdelay $0x3  }
0x9a: {  	_ =	strace s4  }
0x9b: {  	s4 =	sld [smem:$0x3FFD];
	_ =	sdelay $0x3  }
0x9c: {  	_ =	strace s4  }
0x9d: {  	_ =	strace $0x8FFFFFFF  }
0x9e: {  	s20 =	sld [smem:$0x3FDB];
	_ =	sdelay $0x1  }
0x9f: {  	s5 =	simm.s32 $_scs_section_size  }
0xa0: {  	s6 =	simm.s32 $_size__tile_overlayer_lowered;
	s7 =	simm.s32 $_tile_overlayer_lowered  }
0xa1: {  	s23 =	simm.s32 $0x1BFF;
	s22 =	sshll.u32 s7, $0x1;
	s4 =	sadd.s32 s5, s20  }
0xa2: {  	s8 =	simm.s32 $0x0;
	s21 =	sshll.u32 s6, $0x1;
	s6 =	sadd.s32 s22, s4  }
0xa3: {  	[timem:s8], [sflag:s23] =	dma.local [hbm:s6], s21  }
0xa4: {  	_ =	swait.ge [sflag:s23], s21  }
0xa5: {  	s5 =	ssub.s32 $0x0, s21;
	[sflag:s23] =	ssyncset.done $0x0  }
0xa6: {  	[sflag:s23] =	ssyncadd.s32 s5;
	_ =	sdelay $0x1  }
0xa7: {  	s24 =	simm.s32 $0x1B8B  }
0xa8: {  	_ =	swait.ge [sflag:s24], $0x1  }
0xa9: {  	[sflag:s24] =	ssyncset.done $0x0  }
0xaa: {  	s25 =	simm.s32 $0x1B8E;
	[sflag:s24] =	ssyncadd.s32 $0xFFFFFFFF  }
0xab: {  	s26 =	simm.s32 $execute0_lowered;
	[smem:$0x3FD2] =	sst s25  }
0xac: {  	s5 =	sshll.u32 s26, $0x1;
	_ =	strace $0x80000046;
	[dreg:$0x1] =	wrdreg $0xFFFFFFFF  }
0xad: {  	s28 =	simm.s32 $_size_execute0_lowered;
	s4 =	sadd.s32 s4, s5;
	[dreg:$0x0] =	wrdreg $0x0  }
0xae: {  	s5 =	sshll.u32 s28, $0x1;
	[dreg:$0x2] =	wrdreg s4  }
0xaf: {  	[dreg:$0x3] =	wrdreg s5  }
0xb0: {  	[dreg:$0x4] =	wrdreg $0xC0  }
0xb1: {  	_ =	task [dreg:s8], $0x5FFFF  }
0xb2: {  	[dreg:$0x1] =	wrdreg $0xFFFFFFFF  }
0xb3: {  	[dreg:$0x0] =	wrdreg $0x60  }
0xb4: {  	[dreg:$0x2] =	wrdreg s18  }
0xb5: {  	[dreg:$0x3] =	wrdreg s17  }
0xb6: {  	[dreg:$0x4] =	wrdreg $0x2B000  }
0xb7: {  	[dreg:$0x5] =	wrdreg $0x9  }
0xb8: {  	_ =	task.clear_ibuf [dreg:s8], $0x6FFFF;
	_ =	strace $0x90000046  }
0xb9: {  	s29 =	simm.s32 $0x9;
	_ =	strace $0x80000048  }
0xba: {  	_ =	swait.ge [sflag:s29], $0x1  }
0xbb: {  	[sflag:s29] =	ssyncadd.s32 $0xFFFFFFFF  }
0xbc: {  	_ =	strace $0x90000048  }
0xbd: {  	_ =	sfence  }
0xbe: {  	s30 =	sld [smem:$0x0];
	_ =	sdelay $0x2  }
0xbf: {  	s31 =	sshll.u32 s1, $0xD;
	s1 =	sshrl.u32 s1, $0x2  }
0xc0: {  	s3 =	sand.u32 $0x4000, s31;
	s1 =	sadd.s32 s1, s30  }
0xc1: {  	s0 =	sor.u32 s3, s0;
	s1 =	sshll.u32 s1, $0x11  }
0xc2: {  	s0 =	sor.u32 s1, s0  }
0xc3: {  	s0 =	sadd.s32 $0x8F2B, s0  }
0xc4: {  	[sflag:s0] =	ssyncadd.remote.s32 $0x1  }
0xc5: {  	_ =	sfence.sel $0xFFFF  }
0xc6: {  	[dreg:$0x0] =	wrdreg $0xFFFFFFFF;
	(pc) =	sbr.abs _section_cstart, $3  }
0xc7: {  	[dreg:$0x1] =	wrdreg $0xFFFFFFFF  }
0xc8: {  	_ =	task.clear_ibuf [dreg:s8], $0x2FFFF;
	_ =	strace $0x9FFFFFFF  }
0xc9: {  	(tm) =	ssettm $0x7FFFFFFF  }
tec
execute0_lowered:
.L_overlay_start_1:
0x0: {  	(tag) =	ssettag $0x1  }
0x1: {  	s4 =	rddreg [dreg:$0x0]  }
0x2: {  	s6 =	rddreg [dreg:$0x1]  }
0x3: {  	s1 =	rddreg [dreg:$0x2]  }
0x4: {  	s0 =	rddreg [dreg:$0x3]  }
0x5: {  	s3 =	simm.s32 $0x0;
	s5 =	srdreg.scid;
	s2 =	stileid.u32  }
0x6: {  	s12 =	simm.s32 $0x1;
	s15 =	simm.s32 $0x20;
	s16 =	simm.s32 $0x10  }
0x7: {  	s17 =	simm.s32 $0x0;
	[smem:$0x7FF] =	sst s3;
	s9 =	smul.u32 $0x500, s2  }
0x8: {  	s5 =	sand.u32 $0x1, s5;
	s8 =	sshll.u32 s2, $0x1;
	s10 =	smul.u32 $0xA00, s2  }
0x9: {  	s13 =	sshll.u32 s2, $0x6;
	_ =	strace $0x80000047;
	s7 =	ssub.s32 $0x2, s5  }
0xa: {  	s8 =	sor.u32 s5, s8;
	s5 =	sshll.u32 s5, $0x7;
	s13 =	sor.u32 $0x1C02, s13  }
0xb: {  	s11 =	sshrl.u32 s7, $0x1;
	s8 =	smul.u32 $0x500, s8;
	s5 =	sor.u32 s5, s9  }
0xc: {  	s30 =	sshrl.u32 s10, $0x2;
	s9 =	simm.s32 $0x2880;
	s10 =	simm.s32 $0x80  }
0xd: {  	s7 =	ssub.s32 s7, s11;
	s31 =	sshrl.u32 s5, $0x3;
	s5 =	sadd.s32 s30, s1  }
0xe: {  	s11 =	simm.s32 $0x2800;
	s4 =	sadd.s32 s4, s8;
	s6 =	sadd.s32 s6, s31  }
0xf: {  	v0 =	vimm.f32 $1.000000000e+00;
	v1 =	vimm.f32 $0.0e+00;
	s7 =	smax.u32 s7, $0x1;
	s8 =	simm.s32 $0x2;
	s14 =	sshrl.u32 s5, $0x3  }
.LBB2_1:
0x10: {  	[tilespmem:s3], [sflag:$0x2] =	stream.linear.gather [hbm4b:s4+s3], $0x2800, $0x38;
	[tilespmem:$0x2D80] =	vst v63  }
0x11: {  	_ =	swait.ge [sflag:s8], $0x2800  }
0x12: {  	[sflag:s8] =	ssyncset.done $0x0  }
0x13: {  	[sflag:s8] =	ssyncadd.s32 $0xFFFFD800  }
0x14: {  	[tilespmem:$0x2800] =	vst v0  }
0x15: {  	[tilespmem:$0x2810] =	vst v0  }
0x16: {  	[tilespmem:$0x2820] =	vst v0  }
0x17: {  	[tilespmem:$0x2830] =	vst v0  }
0x18: {  	[tilespmem:$0x2840] =	vst v0  }
0x19: {  	[tilespmem:$0x2850] =	vst v0  }
0x1a: {  	[tilespmem:$0x2860] =	vst v0  }
0x1b: {  	[tilespmem:$0x2870] =	vst v0  }
0x1c: {  	[tilespmem:$0x2880] =	vst v1  }
0x1d: {  	[tilespmem:$0x2890] =	vst v1  }
0x1e: {  	[tilespmem:$0x28A0] =	vst v1  }
0x1f: {  	[tilespmem:$0x28B0] =	vst v1  }
0x20: {  	[tilespmem:$0x28C0] =	vst v1  }
0x21: {  	[tilespmem:$0x28D0] =	vst v1  }
0x22: {  	[tilespmem:$0x28E0] =	vst v1  }
0x23: {  	[tilespmem:$0x28F0] =	vst v1  }
0x24: {  	[tilespmem:$0x2900] =	vst v1  }
0x25: {  	[tilespmem:$0x2910] =	vst v1  }
0x26: {  	[tilespmem:$0x2920] =	vst v1  }
0x27: {  	[tilespmem:$0x2930] =	vst v1  }
0x28: {  	[tilespmem:$0x2940] =	vst v1  }
0x29: {  	[tilespmem:$0x2950] =	vst v1  }
0x2a: {  	[tilespmem:$0x2960] =	vst v1  }
0x2b: {  	[tilespmem:$0x2970] =	vst v1  }
0x2c: {  	[tilespmem:$0x2980] =	vst v1  }
0x2d: {  	[tilespmem:$0x2990] =	vst v1  }
0x2e: {  	[tilespmem:$0x29A0] =	vst v1  }
0x2f: {  	[tilespmem:$0x29B0] =	vst v1  }
0x30: {  	[tilespmem:$0x29C0] =	vst v1  }
0x31: {  	[tilespmem:$0x29D0] =	vst v1  }
0x32: {  	[tilespmem:$0x29E0] =	vst v1  }
0x33: {  	[tilespmem:$0x29F0] =	vst v1  }
0x34: {  	[tilespmem:$0x2A00] =	vst v1  }
0x35: {  	[tilespmem:$0x2A10] =	vst v1  }
0x36: {  	[tilespmem:$0x2A20] =	vst v1  }
0x37: {  	[tilespmem:$0x2A30] =	vst v1  }
0x38: {  	[tilespmem:$0x2A40] =	vst v1  }
0x39: {  	[tilespmem:$0x2A50] =	vst v1  }
0x3a: {  	[tilespmem:$0x2A60] =	vst v1  }
0x3b: {  	[tilespmem:$0x2A70] =	vst v1  }
0x3c: {  	[tilespmem:$0x2A80] =	vst v1  }
0x3d: {  	[tilespmem:$0x2A90] =	vst v1  }
0x3e: {  	[tilespmem:$0x2AA0] =	vst v1  }
0x3f: {  	[tilespmem:$0x2AB0] =	vst v1  }
0x40: {  	[tilespmem:$0x2AC0] =	vst v1  }
0x41: {  	[tilespmem:$0x2AD0] =	vst v1  }
0x42: {  	[tilespmem:$0x2AE0] =	vst v1  }
0x43: {  	[tilespmem:$0x2AF0] =	vst v1  }
0x44: {  	[spmem:s5] =	stream.linear.scatter [tilespmem:s9], [sflag:$0x2], $0x280, $0x38;
	[tilespmem:$0x2D80] =	vst v63  }
0x45: {  	_ =	swait.ge [sflag:s8], $0x280  }
0x46: {  	[sflag:s8] =	ssyncset.done $0x0  }
0x47: {  	[sflag:s8] =	ssyncadd.s32 $0xFFFFFD80  }
0x48: {  	s18 =	simm.s32 $0x0;
	[bflag:$0x0] =	sbarrier.arrive $0xFFFF  }
0x49: {  	[spmem:s1] =	stream.indirect.scatter.add.f32 [tilespmem:s11], [sflag:$0x1], $0x1, s18, s10, $0xb8;
	[tilespmem:$0x2D80] =	vst v63  }
0x4a: {  	s24 =	simm.s32 $0x80  }
0x4b: {  	[spmem:s1] =	stream.indirect.scatter.add.f32 [tilespmem:s11], [sflag:$0x1], $0x1, s24, s10, $0xb8;
	[tilespmem:$0x2D80] =	vst v63  }
0x4c: {  	s25 =	simm.s32 $0x100  }
0x4d: {  	[spmem:s1] =	stream.indirect.scatter.add.f32 [tilespmem:s11], [sflag:$0x1], $0x1, s25, s10, $0xb8;
	[tilespmem:$0x2D80] =	vst v63  }
0x4e: {  	s26 =	simm.s32 $0x180  }
0x4f: {  	[spmem:s1] =	stream.indirect.scatter.add.f32 [tilespmem:s11], [sflag:$0x1], $0x1, s26, s10, $0xb8;
	[tilespmem:$0x2D80] =	vst v63  }
0x50: {  	s28 =	simm.s32 $0x200  }
0x51: {  	[spmem:s1] =	stream.indirect.scatter.add.f32 [tilespmem:s11], [sflag:$0x1], $0x1, s28, s10, $0xb8;
	[tilespmem:$0x2D80] =	vst v63  }
0x52: {  	s29 =	simm.s32 $0x280  }
0x53: {  	[spmem:s1] =	stream.indirect.scatter.add.f32 [tilespmem:s11], [sflag:$0x1], $0x1, s29, s10, $0xb8;
	[tilespmem:$0x2D80] =	vst v63  }
0x54: {  	s30 =	simm.s32 $0x300  }
0x55: {  	[spmem:s1] =	stream.indirect.scatter.add.f32 [tilespmem:s11], [sflag:$0x1], $0x1, s30, s10, $0xb8;
	[tilespmem:$0x2D80] =	vst v63  }
0x56: {  	s31 =	simm.s32 $0x380  }
0x57: {  	[spmem:s1] =	stream.indirect.scatter.add.f32 [tilespmem:s11], [sflag:$0x1], $0x1, s31, s10, $0xb8;
	[tilespmem:$0x2D80] =	vst v63  }
0x58: {  	_ =	swait.ge [sflag:s12], $0x80  }
0x59: {  	[sflag:s12] =	ssyncset.done $0x0  }
0x5a: {  	[sflag:s12] =	ssyncadd.s32 $0xFFFFFF80  }
0x5b: {  	_ =	swait.ge [sflag:s12], $0x80  }
0x5c: {  	[sflag:s12] =	ssyncset.done $0x0  }
0x5d: {  	[sflag:s12] =	ssyncadd.s32 $0xFFFFFF80  }
0x5e: {  	_ =	swait.ge [sflag:s12], $0x80  }
0x5f: {  	[sflag:s12] =	ssyncset.done $0x0  }
0x60: {  	[sflag:s12] =	ssyncadd.s32 $0xFFFFFF80  }
0x61: {  	_ =	swait.ge [sflag:s12], $0x80  }
0x62: {  	[sflag:s12] =	ssyncset.done $0x0  }
0x63: {  	[sflag:s12] =	ssyncadd.s32 $0xFFFFFF80  }
0x64: {  	_ =	swait.ge [sflag:s12], $0x80  }
0x65: {  	[sflag:s12] =	ssyncset.done $0x0  }
0x66: {  	[sflag:s12] =	ssyncadd.s32 $0xFFFFFF80  }
0x67: {  	_ =	swait.ge [sflag:s12], $0x80  }
0x68: {  	[sflag:s12] =	ssyncset.done $0x0  }
0x69: {  	[sflag:s12] =	ssyncadd.s32 $0xFFFFFF80  }
0x6a: {  	_ =	swait.ge [sflag:s12], $0x80  }
0x6b: {  	[sflag:s12] =	ssyncset.done $0x0  }
0x6c: {  	[sflag:s12] =	ssyncadd.s32 $0xFFFFFF80  }
0x6d: {  	_ =	swait.ge [sflag:s12], $0x80  }
0x6e: {  	s20 =	simm.s32 $0x2000;
	s18 =	simm.s32 $0x1000;
	[sflag:s12] =	ssyncset.done $0x0  }
.LBB2_2:
0x6f: {  	s21 =	sshra.s32 s18, $0x2  }
0x70: {  	[sflag:s12] =	ssyncadd.s32 $0xFFFFFF80;
	s18 =	smov.u32 s20;
	s19 =	sadd.s32 $0x1000, s20  }
0x71: {  	[spmem:s1] =	stream.indirect.scatter.add.f32 [tilespmem:s11], [sflag:$0x1], $0x1, s21, s10, $0xb8;
	[tilespmem:$0x2D80] =	vst v63  }
0x72: {  	p0 =	sne.s32 s20, $0x9000;
	s20 =	sadd.s32 $0x80, s21  }
0x73: {  	[spmem:s1] =	stream.indirect.scatter.add.f32 [tilespmem:s11], [sflag:$0x1], $0x1, s20, s10, $0xb8;
	[tilespmem:$0x2D80] =	vst v63  }
0x74: {  	s20 =	sadd.s32 $0x100, s21  }
0x75: {  	[spmem:s1] =	stream.indirect.scatter.add.f32 [tilespmem:s11], [sflag:$0x1], $0x1, s20, s10, $0xb8;
	[tilespmem:$0x2D80] =	vst v63  }
0x76: {  	s20 =	sadd.s32 $0x180, s21  }
0x77: {  	[spmem:s1] =	stream.indirect.scatter.add.f32 [tilespmem:s11], [sflag:$0x1], $0x1, s20, s10, $0xb8;
	[tilespmem:$0x2D80] =	vst v63  }
0x78: {  	s20 =	sadd.s32 $0x200, s21  }
0x79: {  	[spmem:s1] =	stream.indirect.scatter.add.f32 [tilespmem:s11], [sflag:$0x1], $0x1, s20, s10, $0xb8;
	[tilespmem:$0x2D80] =	vst v63  }
0x7a: {  	s20 =	sadd.s32 $0x280, s21  }
0x7b: {  	[spmem:s1] =	stream.indirect.scatter.add.f32 [tilespmem:s11], [sflag:$0x1], $0x1, s20, s10, $0xb8;
	[tilespmem:$0x2D80] =	vst v63  }
0x7c: {  	s20 =	sadd.s32 $0x300, s21  }
0x7d: {  	[spmem:s1] =	stream.indirect.scatter.add.f32 [tilespmem:s11], [sflag:$0x1], $0x1, s20, s10, $0xb8;
	[tilespmem:$0x2D80] =	vst v63  }
0x7e: {  	s20 =	sadd.s32 $0x380, s21  }
0x7f: {  	[spmem:s1] =	stream.indirect.scatter.add.f32 [tilespmem:s11], [sflag:$0x1], $0x1, s20, s10, $0xb8;
	[tilespmem:$0x2D80] =	vst v63  }
0x80: {  	_ =	swait.ge [sflag:s12], $0x80  }
0x81: {  	[sflag:s12] =	ssyncset.done $0x0  }
0x82: {  	[sflag:s12] =	ssyncadd.s32 $0xFFFFFF80  }
0x83: {  	_ =	swait.ge [sflag:s12], $0x80  }
0x84: {  	[sflag:s12] =	ssyncset.done $0x0  }
0x85: {  	[sflag:s12] =	ssyncadd.s32 $0xFFFFFF80  }
0x86: {  	_ =	swait.ge [sflag:s12], $0x80  }
0x87: {  	[sflag:s12] =	ssyncset.done $0x0  }
0x88: {  	[sflag:s12] =	ssyncadd.s32 $0xFFFFFF80  }
0x89: {  	_ =	swait.ge [sflag:s12], $0x80  }
0x8a: {  	[sflag:s12] =	ssyncset.done $0x0  }
0x8b: {  	[sflag:s12] =	ssyncadd.s32 $0xFFFFFF80  }
0x8c: {  	_ =	swait.ge [sflag:s12], $0x80  }
0x8d: {  	[sflag:s12] =	ssyncset.done $0x0  }
0x8e: {  	[sflag:s12] =	ssyncadd.s32 $0xFFFFFF80  }
0x8f: {  	_ =	swait.ge [sflag:s12], $0x80  }
0x90: {  	[sflag:s12] =	ssyncset.done $0x0  }
0x91: {  	[sflag:s12] =	ssyncadd.s32 $0xFFFFFF80  }
.Ltmp0:
0x92: {  	_ =	swait.ge [sflag:s12], $0x80;
	(pc) =	sbr.rel @p0 .LBB2_2-.Ltmp0, $4  }
0x93: {  	[sflag:s12] =	ssyncset.done $0x0  }
0x94: {  	[sflag:s12] =	ssyncadd.s32 $0xFFFFFF80  }
0x95: {  	_ =	swait.ge [sflag:s12], $0x80  }
0x96: {  	s20 =	smov.u32 s19;
	[sflag:s12] =	ssyncset.done $0x0  }
0x97: {  	s18 =	sshra.s32 s18, $0x2;
	[sflag:s12] =	ssyncadd.s32 $0xFFFFFF80  }
0x98: {  	[spmem:s1] =	stream.indirect.scatter.add.f32 [tilespmem:s11], [sflag:$0x1], $0x1, s18, s10, $0xb8;
	[tilespmem:$0x2D80] =	vst v63  }
0x99: {  	s19 =	sadd.s32 $0x80, s18  }
0x9a: {  	[spmem:s1] =	stream.indirect.scatter.add.f32 [tilespmem:s11], [sflag:$0x1], $0x1, s19, s10, $0xb8;
	[tilespmem:$0x2D80] =	vst v63  }
0x9b: {  	s26 =	sadd.s32 $0x100, s18  }
0x9c: {  	[spmem:s1] =	stream.indirect.scatter.add.f32 [tilespmem:s11], [sflag:$0x1], $0x1, s26, s10, $0xb8;
	[tilespmem:$0x2D80] =	vst v63  }
0x9d: {  	s28 =	sadd.s32 $0x180, s18  }
0x9e: {  	[spmem:s1] =	stream.indirect.scatter.add.f32 [tilespmem:s11], [sflag:$0x1], $0x1, s28, s10, $0xb8;
	[tilespmem:$0x2D80] =	vst v63  }
0x9f: {  	s29 =	sadd.s32 $0x200, s18  }
0xa0: {  	[spmem:s1] =	stream.indirect.scatter.add.f32 [tilespmem:s11], [sflag:$0x1], $0x1, s29, s10, $0xb8;
	[tilespmem:$0x2D80] =	vst v63  }
0xa1: {  	s30 =	sadd.s32 $0x280, s18  }
0xa2: {  	[spmem:s1] =	stream.indirect.scatter.add.f32 [tilespmem:s11], [sflag:$0x1], $0x1, s30, s10, $0xb8;
	[tilespmem:$0x2D80] =	vst v63  }
0xa3: {  	s31 =	sadd.s32 $0x300, s18  }
0xa4: {  	[spmem:s1] =	stream.indirect.scatter.add.f32 [tilespmem:s11], [sflag:$0x1], $0x1, s31, s10, $0xb8;
	[tilespmem:$0x2D80] =	vst v63  }
0xa5: {  	s18 =	sadd.s32 $0x380, s18  }
0xa6: {  	[spmem:s1] =	stream.indirect.scatter.add.f32 [tilespmem:s11], [sflag:$0x1], $0x1, s18, s10, $0xb8;
	[tilespmem:$0x2D80] =	vst v63  }
0xa7: {  	_ =	swait.ge [sflag:s12], $0x80  }
0xa8: {  	[sflag:s12] =	ssyncset.done $0x0  }
0xa9: {  	[sflag:s12] =	ssyncadd.s32 $0xFFFFFF80  }
0xaa: {  	_ =	swait.ge [sflag:s12], $0x80  }
0xab: {  	[sflag:s12] =	ssyncset.done $0x0  }
0xac: {  	[sflag:s12] =	ssyncadd.s32 $0xFFFFFF80  }
0xad: {  	_ =	swait.ge [sflag:s12], $0x80  }
0xae: {  	[sflag:s12] =	ssyncset.done $0x0  }
0xaf: {  	[sflag:s12] =	ssyncadd.s32 $0xFFFFFF80  }
0xb0: {  	_ =	swait.ge [sflag:s12], $0x80  }
0xb1: {  	[sflag:s12] =	ssyncset.done $0x0  }
0xb2: {  	[sflag:s12] =	ssyncadd.s32 $0xFFFFFF80  }
0xb3: {  	_ =	swait.ge [sflag:s12], $0x80  }
0xb4: {  	[sflag:s12] =	ssyncset.done $0x0  }
0xb5: {  	[sflag:s12] =	ssyncadd.s32 $0xFFFFFF80  }
0xb6: {  	_ =	swait.ge [sflag:s12], $0x80  }
0xb7: {  	[sflag:s12] =	ssyncset.done $0x0  }
0xb8: {  	[sflag:s12] =	ssyncadd.s32 $0xFFFFFF80  }
0xb9: {  	_ =	swait.ge [sflag:s12], $0x80  }
0xba: {  	[sflag:s12] =	ssyncset.done $0x0  }
0xbb: {  	[sflag:s12] =	ssyncadd.s32 $0xFFFFFF80  }
0xbc: {  	_ =	swait.ge [sflag:s12], $0x80  }
0xbd: {  	s17 =	sadd.s32 $0x1, s17;
	[sflag:s12] =	ssyncset.done $0x0  }
0xbe: {  	p0 =	sne.s32 s17, s7;
	[sflag:s12] =	ssyncadd.s32 $0xFFFFFF80  }
.Ltmp1:
0xbf: {  	[bflag:$0x0] =	sbarrier.arrive $0xFFFF;
	(pc) =	sbr.rel @p0 .LBB2_1-.Ltmp1, $4  }
0xc0: {  	[hbm:s6@s15], [sflag:s13] =	dma.strided [spmem:s14@s16], $0x50, s12, $0x10   }
0xc1: {  	_ =	swait.ge [sflag:s8], $0x50  }
0xc2: {  	[sflag:s8] =	ssyncset.done $0x0  }
0xc3: {  	[sflag:s8] =	ssyncadd.s32 $0xFFFFFFB0  }
0xc4: {  	_ =	sfence.sel $0x180000  }
0xc5: {  	[bflag:$0x0] =	sbarrier.arrive $0xFFFF  }
0xc6: {  	p0 =	sne.s32 s2, $0x0;
	_ =	strace $0x90000047  }
0xc7: {  	s0 =	sadd.s32 @!p0 $0x100000, s0;
	[bflag:$0x2] =	sbarrier.arrive $0xFFFF  }
0xc8: {  	[sflag:s0] =	ssyncadd.tile.s32 @!p0 $0x1;
	_ =	shalt  }
.Lfunc_end2:
_tile_overlayer_lowered:
.L_overlay_start_2:
0xc9: {  	(tag) =	ssettag $0x2  }
0xca: {  	s0 =	rddreg [dreg:$0x0];
	s2 =	stileid.u32  }
0xcb: {  	s1 =	rddreg [dreg:$0x1];
	p0 =	sne.s32 s2, $0x0  }
0xcc: {  	s3 =	rddreg [dreg:$0x2];
	[bflag:$0x3] =	sbarrier.arrive $0xFFFF;
	s2 =	simm.s32 @!p0 $0x1C02  }
0xcd: {  	[timem:s3], [sflag:s2] =	dma.local @!p0 [hbm:s0], s1  }
0xce: {  	s0 =	simm.s32 @!p0 $0x2  }
0xcf: {  	_ =	swait.ge @!p0 [sflag:s0], s1  }
0xd0: {  	s1 =	ssub.s32 @!p0 $0x0, s1;
	[sflag:s0] =	ssyncset.done @!p0 $0x0  }
0xd1: {  	[sflag:s0] =	ssyncadd.s32 @!p0 s1  }
0xd2: {  	[bflag:$0x3] =	sbarrier.arrive $0xFFFF  }
0xd3: {  	_ =	shalt  }

</sc_bundles>
